<compile_context>
chip_gen: v7x
topology: tpu7x:2x2x1
jax: 0.10.2.dev20260603
libtpu: 0.0.44.dev20260713+nightly
codegen_flags: <defaults>
</compile_context>

<pallas_src>
import jax
import jax.numpy as jnp
from jax import lax
from jax.experimental import pallas as pl
from jax.experimental.pallas import tpu as pltpu
from jax.experimental.pallas import tpu_sc as plsc
import functools

_W = 128


def _sc_body(x_hbm, rows_out, cnt_out, slab, cstore, loc4, rowbuf, shared, *, t):
    c = lax.axis_index("c")
    s = lax.axis_index("s")
    batch = 8 + c * 4 + s // 4
    quarter = s % 4
    qt = t // 4

    pltpu.sync_copy(
        x_hbm.at[batch, pl.ds(quarter * qt, qt), pl.ds(0, _W)], slab
    )

    def blk(r, cnt):
        acc = plsc.bitcast(slab[r, pl.ds(0, 16)], jnp.int32)
        for j in range(1, _W // 16):
            acc = acc | plsc.bitcast(slab[r, pl.ds(j * 16, 16)], jnp.int32)
        nz = (acc << 1) != 0
        pc = plsc.all_reduce_population_count(nz)
        return cnt + (pc > 0).astype(jnp.int32)

    cnt = lax.fori_loop(0, qt, blk, jnp.zeros((16,), jnp.int32))
    cstore[...] = cnt
    pltpu.sync_copy(cstore, shared.at[s])
    plsc.subcore_barrier()

    @pl.when(quarter == 0)
    def _():
        pltpu.sync_copy(shared.at[pl.ds(s, 4)], loc4)
        tot = loc4[0, :] + loc4[1, :] + loc4[2, :] + loc4[3, :]
        idx = lax.reduce_max(jnp.maximum(tot - 1, 0), axes=(0,))
        pltpu.sync_copy(x_hbm.at[batch, pl.ds(idx, 1), :], rowbuf)
        pltpu.sync_copy(rowbuf.at[0], rows_out.at[batch - 8])
        cstore[...] = tot
        pltpu.sync_copy(cstore, cnt_out.at[batch - 8])


def _sc_call(inputs):
    b, t, f = inputs.shape
    qt = t // 4
    mesh = plsc.VectorSubcoreMesh(core_axis_name="c", subcore_axis_name="s")
    rows, cnt = pl.kernel(
        functools.partial(_sc_body, t=t),
        out_type=[
            jax.ShapeDtypeStruct((8, f), jnp.float32),
            jax.ShapeDtypeStruct((8, 16), jnp.int32),
        ],
        mesh=mesh,
        scratch_types=[
            pltpu.VMEM((qt, _W), jnp.float32),
            pltpu.VMEM((16,), jnp.int32),
            pltpu.VMEM((4, 16), jnp.int32),
            pltpu.VMEM((1, f), jnp.float32),
            pltpu.VMEM_SHARED((16, 16), jnp.int32),
        ],
        compiler_params=pltpu.CompilerParams(needs_layout_passes=False),
    )(inputs)
    return rows, cnt[:, 0]


def _tc_body(x_hbm, o_ref, slab, fb, idx_smem, insem, fbsem, outsem, *, lo, hi):
    _, t, f = x_hbm.shape
    nb = hi - lo

    slab_copies = []
    for i in range(nb):
        c = pltpu.make_async_copy(
            x_hbm.at[lo + i, :, pl.ds(0, _W)], slab.at[i], insem.at[i]
        )
        c.start()
        slab_copies.append(c)

    row_copies = []
    for i in range(nb):
        slab_copies[i].wait()
        x = slab[i]
        m = jnp.max(jnp.abs(x), axis=1, keepdims=True)
        cnt = jnp.sum((m > 0.0).astype(jnp.int32))
        idx_smem[i] = jnp.maximum(cnt - 1, 0)

        @pl.when(cnt < t)
        def _():
            fc = pltpu.make_async_copy(x_hbm.at[lo + i], fb, fbsem)
            fc.start()
            fc.wait()
            mf = jnp.max(jnp.abs(fb[...]), axis=1, keepdims=True)
            cf = jnp.sum((mf > 0.0).astype(jnp.int32))
            idx_smem[i] = jnp.maximum(cf - 1, 0)

        rc = pltpu.make_async_copy(
            x_hbm.at[lo + i, pl.ds(idx_smem[i], 1), :],
            o_ref.at[pl.ds(i, 1)],
            outsem.at[i],
        )
        rc.start()
        row_copies.append(rc)

    for c in row_copies:
        c.wait()


def _tc_call(inputs, lo, hi):
    b, t, f = inputs.shape
    nb = hi - lo
    return pl.pallas_call(
        functools.partial(_tc_body, lo=lo, hi=hi),
        in_specs=[pl.BlockSpec(memory_space=pl.ANY)],
        out_specs=pl.BlockSpec((nb, f), lambda: (0, 0)),
        out_shape=jax.ShapeDtypeStruct((nb, f), jnp.float32),
        scratch_shapes=[
            pltpu.VMEM((nb, t, _W), jnp.float32),
            pltpu.VMEM((t, f), jnp.float32),
            pltpu.SMEM((nb,), jnp.int32),
            pltpu.SemaphoreType.DMA((nb,)),
            pltpu.SemaphoreType.DMA,
            pltpu.SemaphoreType.DMA((nb,)),
        ],
    )(inputs)


def kernel(inputs):
    b, t, f = inputs.shape
    rows_sc, cnt_sc = _sc_call(inputs)
    rows_tc = _tc_call(inputs, 0, 8)
    rows_hi = lax.cond(
        jnp.any(cnt_sc < t),
        lambda: _tc_call(inputs, 8, 16),
        lambda: rows_sc,
    )
    return jnp.concatenate([rows_tc, rows_hi], axis=0)

# --- scband reference (transcript-rebuilt; emitter-appended) ---
"""Pipeline reference for scband-reduce-last-22196390986206 (READ-ONLY COPY).

The authoritative reference and input builder live on the scoring server;
editing this copy changes nothing except your own understanding.
"""

import jax, jax.numpy as jnp
import numpy as np


def setup_inputs(seed: int = 0) -> dict:
    key = jax.random.key(seed)
    inputs = jax.random.normal(key, (16, 2048, 1024), dtype=jnp.float32)
    return {"inputs": inputs}


def reference(inputs):
    # sequence_length_3D: count timesteps with any nonzero feature
    used = jnp.sign(jnp.max(jnp.abs(inputs), axis=2))
    lengths = jnp.sum(used, axis=1).astype(jnp.int64) - 1
    lengths = jnp.where(lengths < 0, 0, lengths)
    batch_size = inputs.shape[0]
    gathered = inputs[jnp.arange(batch_size), lengths]
    return gathered

if __name__ == "__main__":
    import jax
    _d = setup_inputs()
    print(jax.jit(kernel)(*tuple(_d.values())))

</pallas_src>

<mosaic_0001>
#map = affine_map<(d0, d1) -> (0, 0, 0)>
#map1 = affine_map<(d0, d1) -> (0, 0)>
module attributes {stable_mosaic.version = 14 : i64} {
  func.func @_sc_body(%arg0: i32, %arg1: i32, %arg2: memref<16x2048x1024xf32, #tpu.memory_space<hbm>>, %arg3: memref<8x1024xf32, #tpu.memory_space<hbm>>, %arg4: memref<8x16xi32, #tpu.memory_space<hbm>>, %arg5: memref<512x128xf32, #tpu.memory_space<vmem>>, %arg6: memref<16xi32, #tpu.memory_space<vmem>>, %arg7: memref<4x16xi32, #tpu.memory_space<vmem>>, %arg8: memref<1x1024xf32, #tpu.memory_space<vmem>>, %arg9: memref<16x16xi32, #tpu.memory_space<vmem_shared>>) attributes {dimension_semantics = [#tpu.dimension_semantics<core_parallel>, #tpu.dimension_semantics<subcore_parallel>], iteration_bounds = array<i64: 2, 16>, scalar_prefetch = 0 : i64, scratch_operands = 5 : i64, tpu.core_type = #tpu.core_type<sc_vector_subcore>, window_params = [{transform_indices = #map}, {transform_indices = #map1}, {transform_indices = #map1}]} {
    %mul3A = arith.constant 4 : i32
    %mul3A_0 = arith.muli %arg0, %mul3A : i32
    %add3A = arith.constant 8 : i32
    %add3A_1 = arith.addi %add3A, %mul3A_0 : i32
    %jit3A = arith.constant 4 : i32
    %div3A = arith.divsi %arg1, %jit3A : i32
    %sign3A = arith.constant 0 : i32
    %sign3A_2 = arith.cmpi sgt, %arg1, %sign3A : i32
    %sign3A_3 = arith.extui %sign3A_2 : i1 to i32
    %sign3A_4 = arith.constant 0 : i32
    %sign3A_5 = arith.cmpi slt, %arg1, %sign3A_4 : i32
    %sign3A_6 = arith.extui %sign3A_5 : i1 to i32
    %sign3A_7 = arith.subi %sign3A_3, %sign3A_6 : i32
    %sign3A_8 = arith.constant 0 : i32
    %sign3A_9 = arith.cmpi sgt, %jit3A, %sign3A_8 : i32
    %sign3A_10 = arith.extui %sign3A_9 : i1 to i32
    %sign3A_11 = arith.constant 0 : i32
    %sign3A_12 = arith.cmpi slt, %jit3A, %sign3A_11 : i32
    %sign3A_13 = arith.extui %sign3A_12 : i1 to i32
    %sign3A_14 = arith.subi %sign3A_10, %sign3A_13 : i32
    %ne3A = arith.cmpi ne, %sign3A_7, %sign3A_14 : i32
    %rem3A = arith.remsi %arg1, %jit3A : i32
    %ne3A_15 = arith.constant 0 : i32
    %ne3A_16 = arith.cmpi ne, %rem3A, %ne3A_15 : i32
    %and3A = arith.andi %ne3A, %ne3A_16 : i1
    %sub3A = arith.constant 1 : i32
    %sub3A_17 = arith.subi %div3A, %sub3A : i32
    %select_n3A = arith.select %and3A, %sub3A_17, %div3A : i32
    %add3A_18 = arith.addi %add3A_1, %select_n3A : i32
    %jit3A_19 = arith.constant 4 : i32
    %eq3A = arith.constant 0 : i32
    %eq3A_20 = arith.cmpi eq, %jit3A_19, %eq3A : i32
    %jit3A_21 = arith.constant 1 : i32
    %select_n3A_22 = arith.select %eq3A_20, %jit3A_21, %jit3A_19 : i32
    %rem3A_23 = arith.remsi %arg1, %select_n3A_22 : i32
    %ne3A_24 = arith.constant 0 : i32
    %ne3A_25 = arith.cmpi ne, %rem3A_23, %ne3A_24 : i32
    %lt3A = arith.constant 0 : i32
    %lt3A_26 = arith.cmpi slt, %rem3A_23, %lt3A : i32
    %lt3A_27 = arith.constant 0 : i32
    %lt3A_28 = arith.cmpi slt, %select_n3A_22, %lt3A_27 : i32
    %ne3A_29 = arith.xori %lt3A_26, %lt3A_28 : i1
    %and3A_30 = arith.andi %ne3A_29, %ne3A_25 : i1
    %add3A_31 = arith.addi %rem3A_23, %select_n3A_22 : i32
    %select_n3A_32 = arith.select %and3A_30, %add3A_31, %rem3A_23 : i32
    %mul3A_33 = arith.constant 512 : i32
    %mul3A_34 = arith.muli %select_n3A_32, %mul3A_33 : i32
    "tpu.region"() ({
      %run_scoped3A = tpu.sem_alloc : memref<!tpu.dma_semaphore, #tpu.memory_space<semaphore_mem>>
      %dma_start3A = arith.constant 0 : i32
      %dma_start3A_45 = tpu.memref_slice %arg2[%add3A_18, %mul3A_34, %dma_start3A] : memref<16x2048x1024xf32, #tpu.memory_space<hbm>> -> memref<1x512x128xf32, #tpu.memory_space<hbm>>
      %dma_start3A_46 = tpu.memref_squeeze %dma_start3A_45 : memref<1x512x128xf32, #tpu.memory_space<hbm>> -> memref<512x128xf32, #tpu.memory_space<hbm>>
      %dma_start3A_47 = arith.constant 0 : i32
      %dma_start3A_48 = tpu.memref_slice %arg2[%add3A_18, %mul3A_34, %dma_start3A_47] : memref<16x2048x1024xf32, #tpu.memory_space<hbm>> -> memref<1x512x128xf32, #tpu.memory_space<hbm>>
      %dma_start3A_49 = tpu.memref_squeeze %dma_start3A_48 : memref<1x512x128xf32, #tpu.memory_space<hbm>> -> memref<512x128xf32, #tpu.memory_space<hbm>>
      tpu.enqueue_dma source(%dma_start3A_49 : memref<512x128xf32, #tpu.memory_space<hbm>>) target(%arg5 : memref<512x128xf32, #tpu.memory_space<vmem>>) target_semaphore(%run_scoped3A : memref<!tpu.dma_semaphore, #tpu.memory_space<semaphore_mem>>)
      %dma_wait3A = arith.constant 0 : i32
      %dma_wait3A_50 = tpu.memref_slice %arg2[%add3A_18, %mul3A_34, %dma_wait3A] : memref<16x2048x1024xf32, #tpu.memory_space<hbm>> -> memref<1x512x128xf32, #tpu.memory_space<hbm>>
      %dma_wait3A_51 = tpu.memref_squeeze %dma_wait3A_50 : memref<1x512x128xf32, #tpu.memory_space<hbm>> -> memref<512x128xf32, #tpu.memory_space<hbm>>
      %dma_wait3A_52 = arith.constant 0 : i32
      %dma_wait3A_53 = tpu.memref_slice %arg2[%add3A_18, %mul3A_34, %dma_wait3A_52] : memref<16x2048x1024xf32, #tpu.memory_space<hbm>> -> memref<1x512x128xf32, #tpu.memory_space<hbm>>
      %dma_wait3A_54 = tpu.memref_squeeze %dma_wait3A_53 : memref<1x512x128xf32, #tpu.memory_space<hbm>> -> memref<512x128xf32, #tpu.memory_space<hbm>>
      tpu.wait_dma2 semaphore(%run_scoped3A : memref<!tpu.dma_semaphore, #tpu.memory_space<semaphore_mem>>) src(%dma_wait3A_54 : memref<512x128xf32, #tpu.memory_space<hbm>>) dst(%arg5 : memref<512x128xf32, #tpu.memory_space<vmem>>)
      tpu.yield
    }) : () -> ()
    %broadcast_in_dim3A = arith.constant 0 : i32
    %broadcast_in_dim3A_35 = vector.broadcast %broadcast_in_dim3A : i32 to vector<16xi32>
    %scan3A = arith.constant 0 : i32
    %scan3A_36 = arith.constant 512 : i32
    %scan3A_37 = arith.addi %scan3A, %scan3A_36 : i32
    %scan3A_38 = arith.constant 1 : i32
    %scan3A_39 = scf.for %scan3A_45 = %scan3A to %scan3A_37 step %scan3A_38 iter_args(%scan3A_46 = %broadcast_in_dim3A_35) -> (vector<16xi32>)  : i32 {
      %get3A = arith.index_cast %scan3A_45 : i32 to index
      %get3A_47 = arith.constant 0 : index
      %get3A_48 = tpu.vector_load %arg5[%get3A, %get3A_47] {strides = array<i32>} : memref<512x128xf32, #tpu.memory_space<vmem>>, vector<16xf32>,
      %bitcast3A = vector.bitcast %get3A_48 : vector<16xf32> to vector<16xi32>
      %get3A_49 = arith.index_cast %scan3A_45 : i32 to index
      %get3A_50 = arith.constant 16 : index
      %get3A_51 = tpu.vector_load %arg5[%get3A_49, %get3A_50] {strides = array<i32>} : memref<512x128xf32, #tpu.memory_space<vmem>>, vector<16xf32>,
      %bitcast3A_52 = vector.bitcast %get3A_51 : vector<16xf32> to vector<16xi32>
      %or3A = arith.ori %bitcast3A, %bitcast3A_52 : vector<16xi32>
      %get3A_53 = arith.index_cast %scan3A_45 : i32 to index
      %get3A_54 = arith.constant 32 : index
      %get3A_55 = tpu.vector_load %arg5[%get3A_53, %get3A_54] {strides = array<i32>} : memref<512x128xf32, #tpu.memory_space<vmem>>, vector<16xf32>,
      %bitcast3A_56 = vector.bitcast %get3A_55 : vector<16xf32> to vector<16xi32>
      %or3A_57 = arith.ori %or3A, %bitcast3A_56 : vector<16xi32>
      %get3A_58 = arith.index_cast %scan3A_45 : i32 to index
      %get3A_59 = arith.constant 48 : index
      %get3A_60 = tpu.vector_load %arg5[%get3A_58, %get3A_59] {strides = array<i32>} : memref<512x128xf32, #tpu.memory_space<vmem>>, vector<16xf32>,
      %bitcast3A_61 = vector.bitcast %get3A_60 : vector<16xf32> to vector<16xi32>
      %or3A_62 = arith.ori %or3A_57, %bitcast3A_61 : vector<16xi32>
      %get3A_63 = arith.index_cast %scan3A_45 : i32 to index
      %get3A_64 = arith.constant 64 : index
      %get3A_65 = tpu.vector_load %arg5[%get3A_63, %get3A_64] {strides = array<i32>} : memref<512x128xf32, #tpu.memory_space<vmem>>, vector<16xf32>,
      %bitcast3A_66 = vector.bitcast %get3A_65 : vector<16xf32> to vector<16xi32>
      %or3A_67 = arith.ori %or3A_62, %bitcast3A_66 : vector<16xi32>
      %get3A_68 = arith.index_cast %scan3A_45 : i32 to index
      %get3A_69 = arith.constant 80 : index
      %get3A_70 = tpu.vector_load %arg5[%get3A_68, %get3A_69] {strides = array<i32>} : memref<512x128xf32, #tpu.memory_space<vmem>>, vector<16xf32>,
      %bitcast3A_71 = vector.bitcast %get3A_70 : vector<16xf32> to vector<16xi32>
      %or3A_72 = arith.ori %or3A_67, %bitcast3A_71 : vector<16xi32>
      %get3A_73 = arith.index_cast %scan3A_45 : i32 to index
      %get3A_74 = arith.constant 96 : index
      %get3A_75 = tpu.vector_load %arg5[%get3A_73, %get3A_74] {strides = array<i32>} : memref<512x128xf32, #tpu.memory_space<vmem>>, vector<16xf32>,
      %bitcast3A_76 = vector.bitcast %get3A_75 : vector<16xf32> to vector<16xi32>
      %or3A_77 = arith.ori %or3A_72, %bitcast3A_76 : vector<16xi32>
      %get3A_78 = arith.index_cast %scan3A_45 : i32 to index
      %get3A_79 = arith.constant 112 : index
      %get3A_80 = tpu.vector_load %arg5[%get3A_78, %get3A_79] {strides = array<i32>} : memref<512x128xf32, #tpu.memory_space<vmem>>, vector<16xf32>,
      %bitcast3A_81 = vector.bitcast %get3A_80 : vector<16xf32> to vector<16xi32>
      %or3A_82 = arith.ori %or3A_77, %bitcast3A_81 : vector<16xi32>
      %shift_left3A = arith.constant 1 : i32
      %shift_left3A_83 = vector.broadcast %shift_left3A : i32 to vector<16xi32>
      %shift_left3A_84 = arith.shli %or3A_82, %shift_left3A_83 : vector<16xi32>
      %ne3A_85 = arith.constant 0 : i32
      %ne3A_86 = vector.broadcast %ne3A_85 : i32 to vector<16xi32>
      %ne3A_87 = arith.cmpi ne, %shift_left3A_84, %ne3A_86 : vector<16xi32>
      %all_reduce_population_count3A = tpu.all_reduce %ne3A_87 {dim = 0 : i64, kind = #tpu.reduction_kind<sum>} : vector<16xi1> -> vector<16xi32>
      %gt3A = arith.constant 0 : i32
      %gt3A_88 = vector.broadcast %gt3A : i32 to vector<16xi32>
      %gt3A_89 = arith.cmpi sgt, %all_reduce_population_count3A, %gt3A_88 : vector<16xi32>
      %convert_element_type3A_90 = arith.extui %gt3A_89 : vector<16xi1> to vector<16xi32>
      %add3A_91 = arith.addi %scan3A_46, %convert_element_type3A_90 : vector<16xi32>
      scf.yield %add3A_91 : vector<16xi32>
    }
    %scan3A_40 = arith.constant 512 : i32
    %swap3A = arith.constant 0 : index
    %swap3A_41 = tpu.vector_load %arg6[%swap3A] {strides = array<i32>} : memref<16xi32, #tpu.memory_space<vmem>>, vector<16xi32>,
    tpu.vector_store %arg6[%swap3A], %scan3A_39 {strides = array<i32>} : memref<16xi32, #tpu.memory_space<vmem>>, vector<16xi32>,
    "tpu.region"() ({
      %run_scoped3A = tpu.sem_alloc : memref<!tpu.dma_semaphore, #tpu.memory_space<semaphore_mem>>
      %dma_start3A = arith.constant 0 : i32
      %dma_start3A_45 = tpu.memref_slice %arg9[%arg1, %dma_start3A] : memref<16x16xi32, #tpu.memory_space<vmem_shared>> -> memref<1x16xi32, #tpu.memory_space<vmem_shared>>
      %dma_start3A_46 = tpu.memref_squeeze %dma_start3A_45 : memref<1x16xi32, #tpu.memory_space<vmem_shared>> -> memref<16xi32, #tpu.memory_space<vmem_shared>>
      %dma_start3A_47 = arith.constant 0 : i32
      %dma_start3A_48 = tpu.memref_slice %arg9[%arg1, %dma_start3A_47] : memref<16x16xi32, #tpu.memory_space<vmem_shared>> -> memref<1x16xi32, #tpu.memory_space<vmem_shared>>
      %dma_start3A_49 = tpu.memref_squeeze %dma_start3A_48 : memref<1x16xi32, #tpu.memory_space<vmem_shared>> -> memref<16xi32, #tpu.memory_space<vmem_shared>>
      tpu.enqueue_dma source(%arg6 : memref<16xi32, #tpu.memory_space<vmem>>) target(%dma_start3A_49 : memref<16xi32, #tpu.memory_space<vmem_shared>>) target_semaphore(%run_scoped3A : memref<!tpu.dma_semaphore, #tpu.memory_space<semaphore_mem>>)
      %dma_wait3A = arith.constant 0 : i32
      %dma_wait3A_50 = tpu.memref_slice %arg9[%arg1, %dma_wait3A] : memref<16x16xi32, #tpu.memory_space<vmem_shared>> -> memref<1x16xi32, #tpu.memory_space<vmem_shared>>
      %dma_wait3A_51 = tpu.memref_squeeze %dma_wait3A_50 : memref<1x16xi32, #tpu.memory_space<vmem_shared>> -> memref<16xi32, #tpu.memory_space<vmem_shared>>
      %dma_wait3A_52 = arith.constant 0 : i32
      %dma_wait3A_53 = tpu.memref_slice %arg9[%arg1, %dma_wait3A_52] : memref<16x16xi32, #tpu.memory_space<vmem_shared>> -> memref<1x16xi32, #tpu.memory_space<vmem_shared>>
      %dma_wait3A_54 = tpu.memref_squeeze %dma_wait3A_53 : memref<1x16xi32, #tpu.memory_space<vmem_shared>> -> memref<16xi32, #tpu.memory_space<vmem_shared>>
      tpu.wait_dma2 semaphore(%run_scoped3A : memref<!tpu.dma_semaphore, #tpu.memory_space<semaphore_mem>>) src(%arg6 : memref<16xi32, #tpu.memory_space<vmem>>) dst(%dma_wait3A_54 : memref<16xi32, #tpu.memory_space<vmem_shared>>)
      tpu.yield
    }) : () -> ()
    %barrier3A = arith.constant 0 : index
    tpu.barrier barrier_id(%barrier3A)
    %eq3A_42 = arith.constant 0 : i32
    %eq3A_43 = arith.cmpi eq, %select_n3A_32, %eq3A_42 : i32
    %convert_element_type3A = arith.extui %eq3A_43 : i1 to i32
    %cond3A = arith.constant 0 : i32
    %cond3A_44 = arith.cmpi ne, %convert_element_type3A, %cond3A : i32
    scf.if %cond3A_44 {
      "tpu.region"() ({
        %run_scoped3A_81 = tpu.sem_alloc : memref<!tpu.dma_semaphore, #tpu.memory_space<semaphore_mem>>
        %dma_start3A = arith.constant 0 : i32
        %dma_start3A_82 = tpu.memref_slice %arg9[%arg1, %dma_start3A] : memref<16x16xi32, #tpu.memory_space<vmem_shared>> -> memref<4x16xi32, #tpu.memory_space<vmem_shared>>
        %dma_start3A_83 = arith.constant 0 : i32
        %dma_start3A_84 = tpu.memref_slice %arg9[%arg1, %dma_start3A_83] : memref<16x16xi32, #tpu.memory_space<vmem_shared>> -> memref<4x16xi32, #tpu.memory_space<vmem_shared>>
        tpu.enqueue_dma source(%dma_start3A_84 : memref<4x16xi32, #tpu.memory_space<vmem_shared>>) target(%arg7 : memref<4x16xi32, #tpu.memory_space<vmem>>) target_semaphore(%run_scoped3A_81 : memref<!tpu.dma_semaphore, #tpu.memory_space<semaphore_mem>>)
        %dma_wait3A = arith.constant 0 : i32
        %dma_wait3A_85 = tpu.memref_slice %arg9[%arg1, %dma_wait3A] : memref<16x16xi32, #tpu.memory_space<vmem_shared>> -> memref<4x16xi32, #tpu.memory_space<vmem_shared>>
        %dma_wait3A_86 = arith.constant 0 : i32
        %dma_wait3A_87 = tpu.memref_slice %arg9[%arg1, %dma_wait3A_86] : memref<16x16xi32, #tpu.memory_space<vmem_shared>> -> memref<4x16xi32, #tpu.memory_space<vmem_shared>>
        tpu.wait_dma2 semaphore(%run_scoped3A_81 : memref<!tpu.dma_semaphore, #tpu.memory_space<semaphore_mem>>) src(%dma_wait3A_87 : memref<4x16xi32, #tpu.memory_space<vmem_shared>>) dst(%arg7 : memref<4x16xi32, #tpu.memory_space<vmem>>)
        tpu.yield
      }) : () -> ()
      %get3A = arith.constant 0 : i32
      %get3A_45 = arith.index_cast %get3A : i32 to index
      %get3A_46 = arith.constant 0 : index
      %get3A_47 = tpu.vector_load %arg7[%get3A_45, %get3A_46] {strides = array<i32>} : memref<4x16xi32, #tpu.memory_space<vmem>>, vector<16xi32>,
      %get3A_48 = arith.constant 1 : i32
      %get3A_49 = arith.index_cast %get3A_48 : i32 to index
      %get3A_50 = arith.constant 0 : index
      %get3A_51 = tpu.vector_load %arg7[%get3A_49, %get3A_50] {strides = array<i32>} : memref<4x16xi32, #tpu.memory_space<vmem>>, vector<16xi32>,
      %add3A_52 = arith.addi %get3A_47, %get3A_51 : vector<16xi32>
      %get3A_53 = arith.constant 2 : i32
      %get3A_54 = arith.index_cast %get3A_53 : i32 to index
      %get3A_55 = arith.constant 0 : index
      %get3A_56 = tpu.vector_load %arg7[%get3A_54, %get3A_55] {strides = array<i32>} : memref<4x16xi32, #tpu.memory_space<vmem>>, vector<16xi32>,
      %add3A_57 = arith.addi %add3A_52, %get3A_56 : vector<16xi32>
      %get3A_58 = arith.constant 3 : i32
      %get3A_59 = arith.index_cast %get3A_58 : i32 to index
      %get3A_60 = arith.constant 0 : index
      %get3A_61 = tpu.vector_load %arg7[%get3A_59, %get3A_60] {strides = array<i32>} : memref<4x16xi32, #tpu.memory_space<vmem>>, vector<16xi32>,
      %add3A_62 = arith.addi %add3A_57, %get3A_61 : vector<16xi32>
      %sub3A_63 = arith.constant 1 : i32
      %sub3A_64 = vector.broadcast %sub3A_63 : i32 to vector<16xi32>
      %sub3A_65 = arith.subi %add3A_62, %sub3A_64 : vector<16xi32>
      %max3A = arith.constant 0 : i32
      %max3A_66 = vector.broadcast %max3A : i32 to vector<16xi32>
      %max3A_67 = arith.maxsi %sub3A_65, %max3A_66 : vector<16xi32>
      %reduce_max3A = arith.constant true
      %reduce_max3A_68 = vector.broadcast %reduce_max3A : i1 to vector<16xi1>
      %reduce_max3A_69 = arith.constant -2147483648 : i32
      %reduce_max3A_70 = vector.broadcast %reduce_max3A_69 : i32 to vector<16xi32>
      %reduce_max3A_71 = arith.xori %max3A_67, %reduce_max3A_70 : vector<16xi32>
      %reduce_max3A_72 = tpu.scan <max>, %reduce_max3A_71 masked %reduce_max3A_68 : vector<16xi32>, vector<16xi1> -> vector<16xi32>
      %reduce_max3A_73 = arith.xori %reduce_max3A_72, %reduce_max3A_70 : vector<16xi32>
      %reduce_max3A_74 = vector.extract %reduce_max3A_73[15] : i32 from vector<16xi32>
      "tpu.region"() ({
        %run_scoped3A_81 = tpu.sem_alloc : memref<!tpu.dma_semaphore, #tpu.memory_space<semaphore_mem>>
        %dma_start3A = arith.constant 0 : i32
        %dma_start3A_82 = tpu.memref_slice %arg2[%add3A_18, %reduce_max3A_74, %dma_start3A] : memref<16x2048x1024xf32, #tpu.memory_space<hbm>> -> memref<1x1x1024xf32, #tpu.memory_space<hbm>>
        %dma_start3A_83 = tpu.memref_squeeze %dma_start3A_82 : memref<1x1x1024xf32, #tpu.memory_space<hbm>> -> memref<1x1024xf32, #tpu.memory_space<hbm>>
        %dma_start3A_84 = arith.constant 0 : i32
        %dma_start3A_85 = tpu.memref_slice %arg2[%add3A_18, %reduce_max3A_74, %dma_start3A_84] : memref<16x2048x1024xf32, #tpu.memory_space<hbm>> -> memref<1x1x1024xf32, #tpu.memory_space<hbm>>
        %dma_start3A_86 = tpu.memref_squeeze %dma_start3A_85 : memref<1x1x1024xf32, #tpu.memory_space<hbm>> -> memref<1x1024xf32, #tpu.memory_space<hbm>>
        tpu.enqueue_dma source(%dma_start3A_86 : memref<1x1024xf32, #tpu.memory_space<hbm>>) target(%arg8 : memref<1x1024xf32, #tpu.memory_space<vmem>>) target_semaphore(%run_scoped3A_81 : memref<!tpu.dma_semaphore, #tpu.memory_space<semaphore_mem>>)
        %dma_wait3A = arith.constant 0 : i32
        %dma_wait3A_87 = tpu.memref_slice %arg2[%add3A_18, %reduce_max3A_74, %dma_wait3A] : memref<16x2048x1024xf32, #tpu.memory_space<hbm>> -> memref<1x1x1024xf32, #tpu.memory_space<hbm>>
        %dma_wait3A_88 = tpu.memref_squeeze %dma_wait3A_87 : memref<1x1x1024xf32, #tpu.memory_space<hbm>> -> memref<1x1024xf32, #tpu.memory_space<hbm>>
        %dma_wait3A_89 = arith.constant 0 : i32
        %dma_wait3A_90 = tpu.memref_slice %arg2[%add3A_18, %reduce_max3A_74, %dma_wait3A_89] : memref<16x2048x1024xf32, #tpu.memory_space<hbm>> -> memref<1x1x1024xf32, #tpu.memory_space<hbm>>
        %dma_wait3A_91 = tpu.memref_squeeze %dma_wait3A_90 : memref<1x1x1024xf32, #tpu.memory_space<hbm>> -> memref<1x1024xf32, #tpu.memory_space<hbm>>
        tpu.wait_dma2 semaphore(%run_scoped3A_81 : memref<!tpu.dma_semaphore, #tpu.memory_space<semaphore_mem>>) src(%dma_wait3A_91 : memref<1x1024xf32, #tpu.memory_space<hbm>>) dst(%arg8 : memref<1x1024xf32, #tpu.memory_space<vmem>>)
        tpu.yield
      }) : () -> ()
      %sub3A_75 = arith.constant 8 : i32
      %sub3A_76 = arith.subi %add3A_18, %sub3A_75 : i32
      %run_scoped3A = arith.constant 0 : i32
      "tpu.region"() ({
        %run_scoped3A_81 = tpu.sem_alloc : memref<!tpu.dma_semaphore, #tpu.memory_space<semaphore_mem>>
        %dma_start3A = arith.constant 0 : i32
        %dma_start3A_82 = tpu.memref_slice %arg8[%run_scoped3A, %dma_start3A] : memref<1x1024xf32, #tpu.memory_space<vmem>> -> memref<1x1024xf32, #tpu.memory_space<vmem>>
        %dma_start3A_83 = tpu.memref_squeeze %dma_start3A_82 : memref<1x1024xf32, #tpu.memory_space<vmem>> -> memref<1024xf32, #tpu.memory_space<vmem>>
        %dma_start3A_84 = arith.constant 0 : i32
        %dma_start3A_85 = tpu.memref_slice %arg3[%sub3A_76, %dma_start3A_84] : memref<8x1024xf32, #tpu.memory_space<hbm>> -> memref<1x1024xf32, #tpu.memory_space<hbm>>
        %dma_start3A_86 = tpu.memref_squeeze %dma_start3A_85 : memref<1x1024xf32, #tpu.memory_space<hbm>> -> memref<1024xf32, #tpu.memory_space<hbm>>
        %dma_start3A_87 = arith.constant 0 : i32
        %dma_start3A_88 = tpu.memref_slice %arg3[%sub3A_76, %dma_start3A_87] : memref<8x1024xf32, #tpu.memory_space<hbm>> -> memref<1x1024xf32, #tpu.memory_space<hbm>>
        %dma_start3A_89 = tpu.memref_squeeze %dma_start3A_88 : memref<1x1024xf32, #tpu.memory_space<hbm>> -> memref<1024xf32, #tpu.memory_space<hbm>>
        %dma_start3A_90 = arith.constant 0 : i32
        %dma_start3A_91 = tpu.memref_slice %arg8[%run_scoped3A, %dma_start3A_90] : memref<1x1024xf32, #tpu.memory_space<vmem>> -> memref<1x1024xf32, #tpu.memory_space<vmem>>
        %dma_start3A_92 = tpu.memref_squeeze %dma_start3A_91 : memref<1x1024xf32, #tpu.memory_space<vmem>> -> memref<1024xf32, #tpu.memory_space<vmem>>
        tpu.enqueue_dma source(%dma_start3A_92 : memref<1024xf32, #tpu.memory_space<vmem>>) target(%dma_start3A_89 : memref<1024xf32, #tpu.memory_space<hbm>>) target_semaphore(%run_scoped3A_81 : memref<!tpu.dma_semaphore, #tpu.memory_space<semaphore_mem>>)
        %dma_wait3A = arith.constant 0 : i32
        %dma_wait3A_93 = tpu.memref_slice %arg8[%run_scoped3A, %dma_wait3A] : memref<1x1024xf32, #tpu.memory_space<vmem>> -> memref<1x1024xf32, #tpu.memory_space<vmem>>
        %dma_wait3A_94 = tpu.memref_squeeze %dma_wait3A_93 : memref<1x1024xf32, #tpu.memory_space<vmem>> -> memref<1024xf32, #tpu.memory_space<vmem>>
        %dma_wait3A_95 = arith.constant 0 : i32
        %dma_wait3A_96 = tpu.memref_slice %arg3[%sub3A_76, %dma_wait3A_95] : memref<8x1024xf32, #tpu.memory_space<hbm>> -> memref<1x1024xf32, #tpu.memory_space<hbm>>
        %dma_wait3A_97 = tpu.memref_squeeze %dma_wait3A_96 : memref<1x1024xf32, #tpu.memory_space<hbm>> -> memref<1024xf32, #tpu.memory_space<hbm>>
        %dma_wait3A_98 = arith.constant 0 : i32
        %dma_wait3A_99 = tpu.memref_slice %arg3[%sub3A_76, %dma_wait3A_98] : memref<8x1024xf32, #tpu.memory_space<hbm>> -> memref<1x1024xf32, #tpu.memory_space<hbm>>
        %dma_wait3A_100 = tpu.memref_squeeze %dma_wait3A_99 : memref<1x1024xf32, #tpu.memory_space<hbm>> -> memref<1024xf32, #tpu.memory_space<hbm>>
        %dma_wait3A_101 = arith.constant 0 : i32
        %dma_wait3A_102 = tpu.memref_slice %arg8[%run_scoped3A, %dma_wait3A_101] : memref<1x1024xf32, #tpu.memory_space<vmem>> -> memref<1x1024xf32, #tpu.memory_space<vmem>>
        %dma_wait3A_103 = tpu.memref_squeeze %dma_wait3A_102 : memref<1x1024xf32, #tpu.memory_space<vmem>> -> memref<1024xf32, #tpu.memory_space<vmem>>
        tpu.wait_dma2 semaphore(%run_scoped3A_81 : memref<!tpu.dma_semaphore, #tpu.memory_space<semaphore_mem>>) src(%dma_wait3A_103 : memref<1024xf32, #tpu.memory_space<vmem>>) dst(%dma_wait3A_100 : memref<1024xf32, #tpu.memory_space<hbm>>)
        tpu.yield
      }) : () -> ()
      %swap3A_77 = arith.constant 0 : index
      %swap3A_78 = tpu.vector_load %arg6[%swap3A_77] {strides = array<i32>} : memref<16xi32, #tpu.memory_space<vmem>>, vector<16xi32>,
      tpu.vector_store %arg6[%swap3A_77], %add3A_62 {strides = array<i32>} : memref<16xi32, #tpu.memory_space<vmem>>, vector<16xi32>,
      %sub3A_79 = arith.constant 8 : i32
      %sub3A_80 = arith.subi %add3A_18, %sub3A_79 : i32
      "tpu.region"() ({
        %run_scoped3A_81 = tpu.sem_alloc : memref<!tpu.dma_semaphore, #tpu.memory_space<semaphore_mem>>
        %dma_start3A = arith.constant 0 : i32
        %dma_start3A_82 = tpu.memref_slice %arg4[%sub3A_80, %dma_start3A] : memref<8x16xi32, #tpu.memory_space<hbm>> -> memref<1x16xi32, #tpu.memory_space<hbm>>
        %dma_start3A_83 = tpu.memref_squeeze %dma_start3A_82 : memref<1x16xi32, #tpu.memory_space<hbm>> -> memref<16xi32, #tpu.memory_space<hbm>>
        %dma_start3A_84 = arith.constant 0 : i32
        %dma_start3A_85 = tpu.memref_slice %arg4[%sub3A_80, %dma_start3A_84] : memref<8x16xi32, #tpu.memory_space<hbm>> -> memref<1x16xi32, #tpu.memory_space<hbm>>
        %dma_start3A_86 = tpu.memref_squeeze %dma_start3A_85 : memref<1x16xi32, #tpu.memory_space<hbm>> -> memref<16xi32, #tpu.memory_space<hbm>>
        tpu.enqueue_dma source(%arg6 : memref<16xi32, #tpu.memory_space<vmem>>) target(%dma_start3A_86 : memref<16xi32, #tpu.memory_space<hbm>>) target_semaphore(%run_scoped3A_81 : memref<!tpu.dma_semaphore, #tpu.memory_space<semaphore_mem>>)
        %dma_wait3A = arith.constant 0 : i32
        %dma_wait3A_87 = tpu.memref_slice %arg4[%sub3A_80, %dma_wait3A] : memref<8x16xi32, #tpu.memory_space<hbm>> -> memref<1x16xi32, #tpu.memory_space<hbm>>
        %dma_wait3A_88 = tpu.memref_squeeze %dma_wait3A_87 : memref<1x16xi32, #tpu.memory_space<hbm>> -> memref<16xi32, #tpu.memory_space<hbm>>
        %dma_wait3A_89 = arith.constant 0 : i32
        %dma_wait3A_90 = tpu.memref_slice %arg4[%sub3A_80, %dma_wait3A_89] : memref<8x16xi32, #tpu.memory_space<hbm>> -> memref<1x16xi32, #tpu.memory_space<hbm>>
        %dma_wait3A_91 = tpu.memref_squeeze %dma_wait3A_90 : memref<1x16xi32, #tpu.memory_space<hbm>> -> memref<16xi32, #tpu.memory_space<hbm>>
        tpu.wait_dma2 semaphore(%run_scoped3A_81 : memref<!tpu.dma_semaphore, #tpu.memory_space<semaphore_mem>>) src(%arg6 : memref<16xi32, #tpu.memory_space<vmem>>) dst(%dma_wait3A_91 : memref<16xi32, #tpu.memory_space<hbm>>)
        tpu.yield
      }) : () -> ()
    } else {
    }
    return
  }
}

module attributes {stable_mosaic.version = 14 : i64} {
  func.func @_tc_body(%arg0: memref<16x2048x1024xf32, #tpu.memory_space<any>>, %arg1: memref<8x1024xf32, #tpu.memory_space<vmem>>, %arg2: memref<8x2048x128xf32, #tpu.memory_space<vmem>>, %arg3: memref<2048x1024xf32, #tpu.memory_space<vmem>>, %arg4: memref<8xi32, #tpu.memory_space<smem>>, %arg5: memref<8x!tpu.dma_semaphore, #tpu.memory_space<semaphore_mem>>, %arg6: memref<!tpu.dma_semaphore, #tpu.memory_space<semaphore_mem>>, %arg7: memref<8x!tpu.dma_semaphore, #tpu.memory_space<semaphore_mem>>) attributes {dimension_semantics = [], scalar_prefetch = 0 : i64, scratch_operands = 6 : i64, tpu.core_type = #tpu.core_type<tc>} {
    %dma_start3A = arith.constant 8 : i32
    %dma_start3A_0 = arith.constant 0 : i32
    %dma_start3A_1 = arith.constant 0 : i32
    %dma_start3A_2 = tpu.memref_slice %arg5[%dma_start3A_1] : memref<8x!tpu.dma_semaphore, #tpu.memory_space<semaphore_mem>> -> memref<1x!tpu.dma_semaphore, #tpu.memory_space<semaphore_mem>>
    %dma_start3A_3 = tpu.memref_squeeze %dma_start3A_2 : memref<1x!tpu.dma_semaphore, #tpu.memory_space<semaphore_mem>> -> memref<!tpu.dma_semaphore, #tpu.memory_space<semaphore_mem>>
    %dma_start3A_4 = arith.constant 0 : i32
    %dma_start3A_5 = arith.constant 0 : i32
    %dma_start3A_6 = tpu.memref_slice %arg2[%dma_start3A_0, %dma_start3A_4, %dma_start3A_5] : memref<8x2048x128xf32, #tpu.memory_space<vmem>> -> memref<1x2048x128xf32, #tpu.memory_space<vmem>>
    %dma_start3A_7 = tpu.memref_squeeze %dma_start3A_6 : memref<1x2048x128xf32, #tpu.memory_space<vmem>> -> memref<2048x128xf32, #tpu.memory_space<vmem>>
    %dma_start3A_8 = arith.constant 0 : i32
    %dma_start3A_9 = arith.constant 0 : i32
    %dma_start3A_10 = tpu.memref_slice %arg0[%dma_start3A, %dma_start3A_8, %dma_start3A_9] : memref<16x2048x1024xf32, #tpu.memory_space<any>> -> memref<1x2048x128xf32, #tpu.memory_space<any>>
    %dma_start3A_11 = tpu.memref_squeeze %dma_start3A_10 : memref<1x2048x128xf32, #tpu.memory_space<any>> -> memref<2048x128xf32, #tpu.memory_space<any>>
    tpu.enqueue_dma source(%dma_start3A_11 : memref<2048x128xf32, #tpu.memory_space<any>>) target(%dma_start3A_7 : memref<2048x128xf32, #tpu.memory_space<vmem>>) target_semaphore(%dma_start3A_3 : memref<!tpu.dma_semaphore, #tpu.memory_space<semaphore_mem>>)
    %dma_start3A_12 = arith.constant 9 : i32
    %dma_start3A_13 = arith.constant 1 : i32
    %dma_start3A_14 = arith.constant 1 : i32
    %dma_start3A_15 = tpu.memref_slice %arg5[%dma_start3A_14] : memref<8x!tpu.dma_semaphore, #tpu.memory_space<semaphore_mem>> -> memref<1x!tpu.dma_semaphore, #tpu.memory_space<semaphore_mem>>
    %dma_start3A_16 = tpu.memref_squeeze %dma_start3A_15 : memref<1x!tpu.dma_semaphore, #tpu.memory_space<semaphore_mem>> -> memref<!tpu.dma_semaphore, #tpu.memory_space<semaphore_mem>>
    %dma_start3A_17 = arith.constant 0 : i32
    %dma_start3A_18 = arith.constant 0 : i32
    %dma_start3A_19 = tpu.memref_slice %arg2[%dma_start3A_13, %dma_start3A_17, %dma_start3A_18] : memref<8x2048x128xf32, #tpu.memory_space<vmem>> -> memref<1x2048x128xf32, #tpu.memory_space<vmem>>
    %dma_start3A_20 = tpu.memref_squeeze %dma_start3A_19 : memref<1x2048x128xf32, #tpu.memory_space<vmem>> -> memref<2048x128xf32, #tpu.memory_space<vmem>>
    %dma_start3A_21 = arith.constant 0 : i32
    %dma_start3A_22 = arith.constant 0 : i32
    %dma_start3A_23 = tpu.memref_slice %arg0[%dma_start3A_12, %dma_start3A_21, %dma_start3A_22] : memref<16x2048x1024xf32, #tpu.memory_space<any>> -> memref<1x2048x128xf32, #tpu.memory_space<any>>
    %dma_start3A_24 = tpu.memref_squeeze %dma_start3A_23 : memref<1x2048x128xf32, #tpu.memory_space<any>> -> memref<2048x128xf32, #tpu.memory_space<any>>
    tpu.enqueue_dma source(%dma_start3A_24 : memref<2048x128xf32, #tpu.memory_space<any>>) target(%dma_start3A_20 : memref<2048x128xf32, #tpu.memory_space<vmem>>) target_semaphore(%dma_start3A_16 : memref<!tpu.dma_semaphore, #tpu.memory_space<semaphore_mem>>)
    %dma_start3A_25 = arith.constant 10 : i32
    %dma_start3A_26 = arith.constant 2 : i32
    %dma_start3A_27 = arith.constant 2 : i32
    %dma_start3A_28 = tpu.memref_slice %arg5[%dma_start3A_27] : memref<8x!tpu.dma_semaphore, #tpu.memory_space<semaphore_mem>> -> memref<1x!tpu.dma_semaphore, #tpu.memory_space<semaphore_mem>>
    %dma_start3A_29 = tpu.memref_squeeze %dma_start3A_28 : memref<1x!tpu.dma_semaphore, #tpu.memory_space<semaphore_mem>> -> memref<!tpu.dma_semaphore, #tpu.memory_space<semaphore_mem>>
    %dma_start3A_30 = arith.constant 0 : i32
    %dma_start3A_31 = arith.constant 0 : i32
    %dma_start3A_32 = tpu.memref_slice %arg2[%dma_start3A_26, %dma_start3A_30, %dma_start3A_31] : memref<8x2048x128xf32, #tpu.memory_space<vmem>> -> memref<1x2048x128xf32, #tpu.memory_space<vmem>>
    %dma_start3A_33 = tpu.memref_squeeze %dma_start3A_32 : memref<1x2048x128xf32, #tpu.memory_space<vmem>> -> memref<2048x128xf32, #tpu.memory_space<vmem>>
    %dma_start3A_34 = arith.constant 0 : i32
    %dma_start3A_35 = arith.constant 0 : i32
    %dma_start3A_36 = tpu.memref_slice %arg0[%dma_start3A_25, %dma_start3A_34, %dma_start3A_35] : memref<16x2048x1024xf32, #tpu.memory_space<any>> -> memref<1x2048x128xf32, #tpu.memory_space<any>>
    %dma_start3A_37 = tpu.memref_squeeze %dma_start3A_36 : memref<1x2048x128xf32, #tpu.memory_space<any>> -> memref<2048x128xf32, #tpu.memory_space<any>>
    tpu.enqueue_dma source(%dma_start3A_37 : memref<2048x128xf32, #tpu.memory_space<any>>) target(%dma_start3A_33 : memref<2048x128xf32, #tpu.memory_space<vmem>>) target_semaphore(%dma_start3A_29 : memref<!tpu.dma_semaphore, #tpu.memory_space<semaphore_mem>>)
    %dma_start3A_38 = arith.constant 11 : i32
    %dma_start3A_39 = arith.constant 3 : i32
    %dma_start3A_40 = arith.constant 3 : i32
    %dma_start3A_41 = tpu.memref_slice %arg5[%dma_start3A_40] : memref<8x!tpu.dma_semaphore, #tpu.memory_space<semaphore_mem>> -> memref<1x!tpu.dma_semaphore, #tpu.memory_space<semaphore_mem>>
    %dma_start3A_42 = tpu.memref_squeeze %dma_start3A_41 : memref<1x!tpu.dma_semaphore, #tpu.memory_space<semaphore_mem>> -> memref<!tpu.dma_semaphore, #tpu.memory_space<semaphore_mem>>
    %dma_start3A_43 = arith.constant 0 : i32
    %dma_start3A_44 = arith.constant 0 : i32
    %dma_start3A_45 = tpu.memref_slice %arg2[%dma_start3A_39, %dma_start3A_43, %dma_start3A_44] : memref<8x2048x128xf32, #tpu.memory_space<vmem>> -> memref<1x2048x128xf32, #tpu.memory_space<vmem>>
    %dma_start3A_46 = tpu.memref_squeeze %dma_start3A_45 : memref<1x2048x128xf32, #tpu.memory_space<vmem>> -> memref<2048x128xf32, #tpu.memory_space<vmem>>
    %dma_start3A_47 = arith.constant 0 : i32
    %dma_start3A_48 = arith.constant 0 : i32
    %dma_start3A_49 = tpu.memref_slice %arg0[%dma_start3A_38, %dma_start3A_47, %dma_start3A_48] : memref<16x2048x1024xf32, #tpu.memory_space<any>> -> memref<1x2048x128xf32, #tpu.memory_space<any>>
    %dma_start3A_50 = tpu.memref_squeeze %dma_start3A_49 : memref<1x2048x128xf32, #tpu.memory_space<any>> -> memref<2048x128xf32, #tpu.memory_space<any>>
    tpu.enqueue_dma source(%dma_start3A_50 : memref<2048x128xf32, #tpu.memory_space<any>>) target(%dma_start3A_46 : memref<2048x128xf32, #tpu.memory_space<vmem>>) target_semaphore(%dma_start3A_42 : memref<!tpu.dma_semaphore, #tpu.memory_space<semaphore_mem>>)
    %dma_start3A_51 = arith.constant 12 : i32
    %dma_start3A_52 = arith.constant 4 : i32
    %dma_start3A_53 = arith.constant 4 : i32
    %dma_start3A_54 = tpu.memref_slice %arg5[%dma_start3A_53] : memref<8x!tpu.dma_semaphore, #tpu.memory_space<semaphore_mem>> -> memref<1x!tpu.dma_semaphore, #tpu.memory_space<semaphore_mem>>
    %dma_start3A_55 = tpu.memref_squeeze %dma_start3A_54 : memref<1x!tpu.dma_semaphore, #tpu.memory_space<semaphore_mem>> -> memref<!tpu.dma_semaphore, #tpu.memory_space<semaphore_mem>>
    %dma_start3A_56 = arith.constant 0 : i32
    %dma_start3A_57 = arith.constant 0 : i32
    %dma_start3A_58 = tpu.memref_slice %arg2[%dma_start3A_52, %dma_start3A_56, %dma_start3A_57] : memref<8x2048x128xf32, #tpu.memory_space<vmem>> -> memref<1x2048x128xf32, #tpu.memory_space<vmem>>
    %dma_start3A_59 = tpu.memref_squeeze %dma_start3A_58 : memref<1x2048x128xf32, #tpu.memory_space<vmem>> -> memref<2048x128xf32, #tpu.memory_space<vmem>>
    %dma_start3A_60 = arith.constant 0 : i32
    %dma_start3A_61 = arith.constant 0 : i32
    %dma_start3A_62 = tpu.memref_slice %arg0[%dma_start3A_51, %dma_start3A_60, %dma_start3A_61] : memref<16x2048x1024xf32, #tpu.memory_space<any>> -> memref<1x2048x128xf32, #tpu.memory_space<any>>
    %dma_start3A_63 = tpu.memref_squeeze %dma_start3A_62 : memref<1x2048x128xf32, #tpu.memory_space<any>> -> memref<2048x128xf32, #tpu.memory_space<any>>
    tpu.enqueue_dma source(%dma_start3A_63 : memref<2048x128xf32, #tpu.memory_space<any>>) target(%dma_start3A_59 : memref<2048x128xf32, #tpu.memory_space<vmem>>) target_semaphore(%dma_start3A_55 : memref<!tpu.dma_semaphore, #tpu.memory_space<semaphore_mem>>)
    %dma_start3A_64 = arith.constant 13 : i32
    %dma_start3A_65 = arith.constant 5 : i32
    %dma_start3A_66 = arith.constant 5 : i32
    %dma_start3A_67 = tpu.memref_slice %arg5[%dma_start3A_66] : memref<8x!tpu.dma_semaphore, #tpu.memory_space<semaphore_mem>> -> memref<1x!tpu.dma_semaphore, #tpu.memory_space<semaphore_mem>>
    %dma_start3A_68 = tpu.memref_squeeze %dma_start3A_67 : memref<1x!tpu.dma_semaphore, #tpu.memory_space<semaphore_mem>> -> memref<!tpu.dma_semaphore, #tpu.memory_space<semaphore_mem>>
    %dma_start3A_69 = arith.constant 0 : i32
    %dma_start3A_70 = arith.constant 0 : i32
    %dma_start3A_71 = tpu.memref_slice %arg2[%dma_start3A_65, %dma_start3A_69, %dma_start3A_70] : memref<8x2048x128xf32, #tpu.memory_space<vmem>> -> memref<1x2048x128xf32, #tpu.memory_space<vmem>>
    %dma_start3A_72 = tpu.memref_squeeze %dma_start3A_71 : memref<1x2048x128xf32, #tpu.memory_space<vmem>> -> memref<2048x128xf32, #tpu.memory_space<vmem>>
    %dma_start3A_73 = arith.constant 0 : i32
    %dma_start3A_74 = arith.constant 0 : i32
    %dma_start3A_75 = tpu.memref_slice %arg0[%dma_start3A_64, %dma_start3A_73, %dma_start3A_74] : memref<16x2048x1024xf32, #tpu.memory_space<any>> -> memref<1x2048x128xf32, #tpu.memory_space<any>>
    %dma_start3A_76 = tpu.memref_squeeze %dma_start3A_75 : memref<1x2048x128xf32, #tpu.memory_space<any>> -> memref<2048x128xf32, #tpu.memory_space<any>>
    tpu.enqueue_dma source(%dma_start3A_76 : memref<2048x128xf32, #tpu.memory_space<any>>) target(%dma_start3A_72 : memref<2048x128xf32, #tpu.memory_space<vmem>>) target_semaphore(%dma_start3A_68 : memref<!tpu.dma_semaphore, #tpu.memory_space<semaphore_mem>>)
    %dma_start3A_77 = arith.constant 14 : i32
    %dma_start3A_78 = arith.constant 6 : i32
    %dma_start3A_79 = arith.constant 6 : i32
    %dma_start3A_80 = tpu.memref_slice %arg5[%dma_start3A_79] : memref<8x!tpu.dma_semaphore, #tpu.memory_space<semaphore_mem>> -> memref<1x!tpu.dma_semaphore, #tpu.memory_space<semaphore_mem>>
    %dma_start3A_81 = tpu.memref_squeeze %dma_start3A_80 : memref<1x!tpu.dma_semaphore, #tpu.memory_space<semaphore_mem>> -> memref<!tpu.dma_semaphore, #tpu.memory_space<semaphore_mem>>
    %dma_start3A_82 = arith.constant 0 : i32
    %dma_start3A_83 = arith.constant 0 : i32
    %dma_start3A_84 = tpu.memref_slice %arg2[%dma_start3A_78, %dma_start3A_82, %dma_start3A_83] : memref<8x2048x128xf32, #tpu.memory_space<vmem>> -> memref<1x2048x128xf32, #tpu.memory_space<vmem>>
    %dma_start3A_85 = tpu.memref_squeeze %dma_start3A_84 : memref<1x2048x128xf32, #tpu.memory_space<vmem>> -> memref<2048x128xf32, #tpu.memory_space<vmem>>
    %dma_start3A_86 = arith.constant 0 : i32
    %dma_start3A_87 = arith.constant 0 : i32
    %dma_start3A_88 = tpu.memref_slice %arg0[%dma_start3A_77, %dma_start3A_86, %dma_start3A_87] : memref<16x2048x1024xf32, #tpu.memory_space<any>> -> memref<1x2048x128xf32, #tpu.memory_space<any>>
    %dma_start3A_89 = tpu.memref_squeeze %dma_start3A_88 : memref<1x2048x128xf32, #tpu.memory_space<any>> -> memref<2048x128xf32, #tpu.memory_space<any>>
    tpu.enqueue_dma source(%dma_start3A_89 : memref<2048x128xf32, #tpu.memory_space<any>>) target(%dma_start3A_85 : memref<2048x128xf32, #tpu.memory_space<vmem>>) target_semaphore(%dma_start3A_81 : memref<!tpu.dma_semaphore, #tpu.memory_space<semaphore_mem>>)
    %dma_start3A_90 = arith.constant 15 : i32
    %dma_start3A_91 = arith.constant 7 : i32
    %dma_start3A_92 = arith.constant 7 : i32
    %dma_start3A_93 = tpu.memref_slice %arg5[%dma_start3A_92] : memref<8x!tpu.dma_semaphore, #tpu.memory_space<semaphore_mem>> -> memref<1x!tpu.dma_semaphore, #tpu.memory_space<semaphore_mem>>
    %dma_start3A_94 = tpu.memref_squeeze %dma_start3A_93 : memref<1x!tpu.dma_semaphore, #tpu.memory_space<semaphore_mem>> -> memref<!tpu.dma_semaphore, #tpu.memory_space<semaphore_mem>>
    %dma_start3A_95 = arith.constant 0 : i32
    %dma_start3A_96 = arith.constant 0 : i32
    %dma_start3A_97 = tpu.memref_slice %arg2[%dma_start3A_91, %dma_start3A_95, %dma_start3A_96] : memref<8x2048x128xf32, #tpu.memory_space<vmem>> -> memref<1x2048x128xf32, #tpu.memory_space<vmem>>
    %dma_start3A_98 = tpu.memref_squeeze %dma_start3A_97 : memref<1x2048x128xf32, #tpu.memory_space<vmem>> -> memref<2048x128xf32, #tpu.memory_space<vmem>>
    %dma_start3A_99 = arith.constant 0 : i32
    %dma_start3A_100 = arith.constant 0 : i32
    %dma_start3A_101 = tpu.memref_slice %arg0[%dma_start3A_90, %dma_start3A_99, %dma_start3A_100] : memref<16x2048x1024xf32, #tpu.memory_space<any>> -> memref<1x2048x128xf32, #tpu.memory_space<any>>
    %dma_start3A_102 = tpu.memref_squeeze %dma_start3A_101 : memref<1x2048x128xf32, #tpu.memory_space<any>> -> memref<2048x128xf32, #tpu.memory_space<any>>
    tpu.enqueue_dma source(%dma_start3A_102 : memref<2048x128xf32, #tpu.memory_space<any>>) target(%dma_start3A_98 : memref<2048x128xf32, #tpu.memory_space<vmem>>) target_semaphore(%dma_start3A_94 : memref<!tpu.dma_semaphore, #tpu.memory_space<semaphore_mem>>)
    %dma_wait3A = arith.constant 8 : i32
    %dma_wait3A_103 = arith.constant 0 : i32
    %dma_wait3A_104 = arith.constant 0 : i32
    %dma_wait3A_105 = tpu.memref_slice %arg5[%dma_wait3A_104] : memref<8x!tpu.dma_semaphore, #tpu.memory_space<semaphore_mem>> -> memref<1x!tpu.dma_semaphore, #tpu.memory_space<semaphore_mem>>
    %dma_wait3A_106 = tpu.memref_squeeze %dma_wait3A_105 : memref<1x!tpu.dma_semaphore, #tpu.memory_space<semaphore_mem>> -> memref<!tpu.dma_semaphore, #tpu.memory_space<semaphore_mem>>
    %dma_wait3A_107 = arith.constant 0 : i32
    %dma_wait3A_108 = arith.constant 0 : i32
    %dma_wait3A_109 = tpu.memref_slice %arg2[%dma_wait3A_103, %dma_wait3A_107, %dma_wait3A_108] : memref<8x2048x128xf32, #tpu.memory_space<vmem>> -> memref<1x2048x128xf32, #tpu.memory_space<vmem>>
    %dma_wait3A_110 = tpu.memref_squeeze %dma_wait3A_109 : memref<1x2048x128xf32, #tpu.memory_space<vmem>> -> memref<2048x128xf32, #tpu.memory_space<vmem>>
    %dma_wait3A_111 = arith.constant 0 : i32
    %dma_wait3A_112 = arith.constant 0 : i32
    %dma_wait3A_113 = tpu.memref_slice %arg0[%dma_wait3A, %dma_wait3A_111, %dma_wait3A_112] : memref<16x2048x1024xf32, #tpu.memory_space<any>> -> memref<1x2048x128xf32, #tpu.memory_space<any>>
    %dma_wait3A_114 = tpu.memref_squeeze %dma_wait3A_113 : memref<1x2048x128xf32, #tpu.memory_space<any>> -> memref<2048x128xf32, #tpu.memory_space<any>>
    tpu.wait_dma2 semaphore(%dma_wait3A_106 : memref<!tpu.dma_semaphore, #tpu.memory_space<semaphore_mem>>) src(%dma_wait3A_114 : memref<2048x128xf32, #tpu.memory_space<any>>) dst(%dma_wait3A_110 : memref<2048x128xf32, #tpu.memory_space<vmem>>)
    %get3A = arith.constant 0 : index
    %get3A_115 = arith.constant 0 : index
    %get3A_116 = arith.constant 0 : index
    %get3A_117 = vector.load %arg2[%get3A, %get3A_115, %get3A_116] : memref<8x2048x128xf32, #tpu.memory_space<vmem>>, vector<1x2048x128xf32>
    %get3A_118 = vector.shape_cast %get3A_117 : vector<1x2048x128xf32> to vector<2048x128xf32>
    %abs3A = math.absf %get3A_118 : vector<2048x128xf32>
    %reduce_max3A = arith.constant dense<0xFF800000> : vector<2048xf32>
    %reduce_max3A_119 = vector.multi_reduction <maximumf>, %abs3A, %reduce_max3A [1] : vector<2048x128xf32> to vector<2048xf32>
    %broadcast_in_dim3A = vector.shape_cast %reduce_max3A_119 : vector<2048xf32> to vector<2048x1xf32>
    %gt3A = arith.constant 0.000000e+00 : f32
    %gt3A_120 = vector.broadcast %gt3A : f32 to vector<2048x1xf32>
    %gt3A_121 = arith.cmpf ogt, %broadcast_in_dim3A, %gt3A_120 : vector<2048x1xf32>
    %convert_element_type3A = arith.extui %gt3A_121 : vector<2048x1xi1> to vector<2048x1xi32>
    %reduce_sum3A = vector.shape_cast %convert_element_type3A : vector<2048x1xi32> to vector<1x2048x1xi32>
    %reduce_sum3A_122 = arith.constant dense<0> : vector<1xi32>
    %reduce_sum3A_123 = vector.multi_reduction <add>, %reduce_sum3A, %reduce_sum3A_122 [1, 2] : vector<1x2048x1xi32> to vector<1xi32>
    %reduce_sum3A_124 = vector.shape_cast %reduce_sum3A_123 : vector<1xi32> to vector<1x1x1xi32>
    %reduce_sum3A_125 = vector.extract %reduce_sum3A_124[0, 0, 0] : i32 from vector<1x1x1xi32>
    %sub3A = arith.constant 1 : i32
    %sub3A_126 = arith.subi %reduce_sum3A_125, %sub3A : i32
    %max3A = arith.constant 0 : i32
    %max3A_127 = arith.maxsi %sub3A_126, %max3A : i32
    %swap3A = arith.constant 0 : index
    %swap3A_128 = memref.load %arg4[%swap3A] : memref<8xi32, #tpu.memory_space<smem>>
    memref.store %max3A_127, %arg4[%swap3A] : memref<8xi32, #tpu.memory_space<smem>>
    %lt3A = arith.constant 2048 : i32
    %lt3A_129 = arith.cmpi slt, %reduce_sum3A_125, %lt3A : i32
    %convert_element_type3A_130 = arith.extui %lt3A_129 : i1 to i32
    %cond3A = arith.constant 0 : i32
    %cond3A_131 = arith.cmpi ne, %convert_element_type3A_130, %cond3A : i32
    scf.if %cond3A_131 {
      %dma_start3A_602 = arith.constant 8 : i32
      %dma_start3A_603 = arith.constant 0 : i32
      %dma_start3A_604 = arith.constant 0 : i32
      %dma_start3A_605 = tpu.memref_slice %arg0[%dma_start3A_602, %dma_start3A_603, %dma_start3A_604] : memref<16x2048x1024xf32, #tpu.memory_space<any>> -> memref<1x2048x1024xf32, #tpu.memory_space<any>>
      %dma_start3A_606 = tpu.memref_squeeze %dma_start3A_605 : memref<1x2048x1024xf32, #tpu.memory_space<any>> -> memref<2048x1024xf32, #tpu.memory_space<any>>
      tpu.enqueue_dma source(%dma_start3A_606 : memref<2048x1024xf32, #tpu.memory_space<any>>) target(%arg3 : memref<2048x1024xf32, #tpu.memory_space<vmem>>) target_semaphore(%arg6 : memref<!tpu.dma_semaphore, #tpu.memory_space<semaphore_mem>>)
      %dma_wait3A_607 = arith.constant 8 : i32
      %dma_wait3A_608 = arith.constant 0 : i32
      %dma_wait3A_609 = arith.constant 0 : i32
      %dma_wait3A_610 = tpu.memref_slice %arg0[%dma_wait3A_607, %dma_wait3A_608, %dma_wait3A_609] : memref<16x2048x1024xf32, #tpu.memory_space<any>> -> memref<1x2048x1024xf32, #tpu.memory_space<any>>
      %dma_wait3A_611 = tpu.memref_squeeze %dma_wait3A_610 : memref<1x2048x1024xf32, #tpu.memory_space<any>> -> memref<2048x1024xf32, #tpu.memory_space<any>>
      tpu.wait_dma2 semaphore(%arg6 : memref<!tpu.dma_semaphore, #tpu.memory_space<semaphore_mem>>) src(%dma_wait3A_611 : memref<2048x1024xf32, #tpu.memory_space<any>>) dst(%arg3 : memref<2048x1024xf32, #tpu.memory_space<vmem>>)
      %get3A_612 = arith.constant 0 : index
      %get3A_613 = arith.constant 0 : index
      %get3A_614 = vector.load %arg3[%get3A_612, %get3A_613] : memref<2048x1024xf32, #tpu.memory_space<vmem>>, vector<2048x1024xf32>
      %abs3A_615 = math.absf %get3A_614 : vector<2048x1024xf32>
      %reduce_max3A_616 = arith.constant dense<0xFF800000> : vector<2048xf32>
      %reduce_max3A_617 = vector.multi_reduction <maximumf>, %abs3A_615, %reduce_max3A_616 [1] : vector<2048x1024xf32> to vector<2048xf32>
      %broadcast_in_dim3A_618 = vector.shape_cast %reduce_max3A_617 : vector<2048xf32> to vector<2048x1xf32>
      %gt3A_619 = arith.constant 0.000000e+00 : f32
      %gt3A_620 = vector.broadcast %gt3A_619 : f32 to vector<2048x1xf32>
      %gt3A_621 = arith.cmpf ogt, %broadcast_in_dim3A_618, %gt3A_620 : vector<2048x1xf32>
      %convert_element_type3A_622 = arith.extui %gt3A_621 : vector<2048x1xi1> to vector<2048x1xi32>
      %reduce_sum3A_623 = vector.shape_cast %convert_element_type3A_622 : vector<2048x1xi32> to vector<1x2048x1xi32>
      %reduce_sum3A_624 = arith.constant dense<0> : vector<1xi32>
      %reduce_sum3A_625 = vector.multi_reduction <add>, %reduce_sum3A_623, %reduce_sum3A_624 [1, 2] : vector<1x2048x1xi32> to vector<1xi32>
      %reduce_sum3A_626 = vector.shape_cast %reduce_sum3A_625 : vector<1xi32> to vector<1x1x1xi32>
      %reduce_sum3A_627 = vector.extract %reduce_sum3A_626[0, 0, 0] : i32 from vector<1x1x1xi32>
      %sub3A_628 = arith.constant 1 : i32
      %sub3A_629 = arith.subi %reduce_sum3A_627, %sub3A_628 : i32
      %max3A_630 = arith.constant 0 : i32
      %max3A_631 = arith.maxsi %sub3A_629, %max3A_630 : i32
      %swap3A_632 = arith.constant 0 : index
      %swap3A_633 = memref.load %arg4[%swap3A_632] : memref<8xi32, #tpu.memory_space<smem>>
      memref.store %max3A_631, %arg4[%swap3A_632] : memref<8xi32, #tpu.memory_space<smem>>
    } else {
    }
    %get3A_132 = arith.constant 0 : index
    %get3A_133 = memref.load %arg4[%get3A_132] : memref<8xi32, #tpu.memory_space<smem>>
    %dma_start3A_134 = arith.constant 8 : i32
    %dma_start3A_135 = arith.constant 0 : i32
    %dma_start3A_136 = tpu.memref_slice %arg7[%dma_start3A_135] : memref<8x!tpu.dma_semaphore, #tpu.memory_space<semaphore_mem>> -> memref<1x!tpu.dma_semaphore, #tpu.memory_space<semaphore_mem>>
    %dma_start3A_137 = tpu.memref_squeeze %dma_start3A_136 : memref<1x!tpu.dma_semaphore, #tpu.memory_space<semaphore_mem>> -> memref<!tpu.dma_semaphore, #tpu.memory_space<semaphore_mem>>
    %dma_start3A_138 = arith.constant 0 : i32
    %dma_start3A_139 = arith.constant 0 : i32
    %dma_start3A_140 = tpu.memref_slice %arg1[%dma_start3A_138, %dma_start3A_139] : memref<8x1024xf32, #tpu.memory_space<vmem>> -> memref<1x1024xf32, #tpu.memory_space<vmem>>
    %dma_start3A_141 = arith.constant 0 : i32
    %dma_start3A_142 = tpu.memref_slice %arg0[%dma_start3A_134, %get3A_133, %dma_start3A_141] : memref<16x2048x1024xf32, #tpu.memory_space<any>> -> memref<1x1x1024xf32, #tpu.memory_space<any>>
    %dma_start3A_143 = tpu.memref_squeeze %dma_start3A_142 : memref<1x1x1024xf32, #tpu.memory_space<any>> -> memref<1x1024xf32, #tpu.memory_space<any>>
    tpu.enqueue_dma source(%dma_start3A_143 : memref<1x1024xf32, #tpu.memory_space<any>>) target(%dma_start3A_140 : memref<1x1024xf32, #tpu.memory_space<vmem>>) target_semaphore(%dma_start3A_137 : memref<!tpu.dma_semaphore, #tpu.memory_space<semaphore_mem>>)
    %dma_wait3A_144 = arith.constant 9 : i32
    %dma_wait3A_145 = arith.constant 1 : i32
    %dma_wait3A_146 = arith.constant 1 : i32
    %dma_wait3A_147 = tpu.memref_slice %arg5[%dma_wait3A_146] : memref<8x!tpu.dma_semaphore, #tpu.memory_space<semaphore_mem>> -> memref<1x!tpu.dma_semaphore, #tpu.memory_space<semaphore_mem>>
    %dma_wait3A_148 = tpu.memref_squeeze %dma_wait3A_147 : memref<1x!tpu.dma_semaphore, #tpu.memory_space<semaphore_mem>> -> memref<!tpu.dma_semaphore, #tpu.memory_space<semaphore_mem>>
    %dma_wait3A_149 = arith.constant 0 : i32
    %dma_wait3A_150 = arith.constant 0 : i32
    %dma_wait3A_151 = tpu.memref_slice %arg2[%dma_wait3A_145, %dma_wait3A_149, %dma_wait3A_150] : memref<8x2048x128xf32, #tpu.memory_space<vmem>> -> memref<1x2048x128xf32, #tpu.memory_space<vmem>>
    %dma_wait3A_152 = tpu.memref_squeeze %dma_wait3A_151 : memref<1x2048x128xf32, #tpu.memory_space<vmem>> -> memref<2048x128xf32, #tpu.memory_space<vmem>>
    %dma_wait3A_153 = arith.constant 0 : i32
    %dma_wait3A_154 = arith.constant 0 : i32
    %dma_wait3A_155 = tpu.memref_slice %arg0[%dma_wait3A_144, %dma_wait3A_153, %dma_wait3A_154] : memref<16x2048x1024xf32, #tpu.memory_space<any>> -> memref<1x2048x128xf32, #tpu.memory_space<any>>
    %dma_wait3A_156 = tpu.memref_squeeze %dma_wait3A_155 : memref<1x2048x128xf32, #tpu.memory_space<any>> -> memref<2048x128xf32, #tpu.memory_space<any>>
    tpu.wait_dma2 semaphore(%dma_wait3A_148 : memref<!tpu.dma_semaphore, #tpu.memory_space<semaphore_mem>>) src(%dma_wait3A_156 : memref<2048x128xf32, #tpu.memory_space<any>>) dst(%dma_wait3A_152 : memref<2048x128xf32, #tpu.memory_space<vmem>>)
    %get3A_157 = arith.constant 1 : index
    %get3A_158 = arith.constant 0 : index
    %get3A_159 = arith.constant 0 : index
    %get3A_160 = vector.load %arg2[%get3A_157, %get3A_158, %get3A_159] : memref<8x2048x128xf32, #tpu.memory_space<vmem>>, vector<1x2048x128xf32>
    %get3A_161 = vector.shape_cast %get3A_160 : vector<1x2048x128xf32> to vector<2048x128xf32>
    %abs3A_162 = math.absf %get3A_161 : vector<2048x128xf32>
    %reduce_max3A_163 = arith.constant dense<0xFF800000> : vector<2048xf32>
    %reduce_max3A_164 = vector.multi_reduction <maximumf>, %abs3A_162, %reduce_max3A_163 [1] : vector<2048x128xf32> to vector<2048xf32>
    %broadcast_in_dim3A_165 = vector.shape_cast %reduce_max3A_164 : vector<2048xf32> to vector<2048x1xf32>
    %gt3A_166 = arith.constant 0.000000e+00 : f32
    %gt3A_167 = vector.broadcast %gt3A_166 : f32 to vector<2048x1xf32>
    %gt3A_168 = arith.cmpf ogt, %broadcast_in_dim3A_165, %gt3A_167 : vector<2048x1xf32>
    %convert_element_type3A_169 = arith.extui %gt3A_168 : vector<2048x1xi1> to vector<2048x1xi32>
    %reduce_sum3A_170 = vector.shape_cast %convert_element_type3A_169 : vector<2048x1xi32> to vector<1x2048x1xi32>
    %reduce_sum3A_171 = arith.constant dense<0> : vector<1xi32>
    %reduce_sum3A_172 = vector.multi_reduction <add>, %reduce_sum3A_170, %reduce_sum3A_171 [1, 2] : vector<1x2048x1xi32> to vector<1xi32>
    %reduce_sum3A_173 = vector.shape_cast %reduce_sum3A_172 : vector<1xi32> to vector<1x1x1xi32>
    %reduce_sum3A_174 = vector.extract %reduce_sum3A_173[0, 0, 0] : i32 from vector<1x1x1xi32>
    %sub3A_175 = arith.constant 1 : i32
    %sub3A_176 = arith.subi %reduce_sum3A_174, %sub3A_175 : i32
    %max3A_177 = arith.constant 0 : i32
    %max3A_178 = arith.maxsi %sub3A_176, %max3A_177 : i32
    %swap3A_179 = arith.constant 1 : index
    %swap3A_180 = memref.load %arg4[%swap3A_179] : memref<8xi32, #tpu.memory_space<smem>>
    memref.store %max3A_178, %arg4[%swap3A_179] : memref<8xi32, #tpu.memory_space<smem>>
    %lt3A_181 = arith.constant 2048 : i32
    %lt3A_182 = arith.cmpi slt, %reduce_sum3A_174, %lt3A_181 : i32
    %convert_element_type3A_183 = arith.extui %lt3A_182 : i1 to i32
    %cond3A_184 = arith.constant 0 : i32
    %cond3A_185 = arith.cmpi ne, %convert_element_type3A_183, %cond3A_184 : i32
    scf.if %cond3A_185 {
      %dma_start3A_602 = arith.constant 9 : i32
      %dma_start3A_603 = arith.constant 0 : i32
      %dma_start3A_604 = arith.constant 0 : i32
      %dma_start3A_605 = tpu.memref_slice %arg0[%dma_start3A_602, %dma_start3A_603, %dma_start3A_604] : memref<16x2048x1024xf32, #tpu.memory_space<any>> -> memref<1x2048x1024xf32, #tpu.memory_space<any>>
      %dma_start3A_606 = tpu.memref_squeeze %dma_start3A_605 : memref<1x2048x1024xf32, #tpu.memory_space<any>> -> memref<2048x1024xf32, #tpu.memory_space<any>>
      tpu.enqueue_dma source(%dma_start3A_606 : memref<2048x1024xf32, #tpu.memory_space<any>>) target(%arg3 : memref<2048x1024xf32, #tpu.memory_space<vmem>>) target_semaphore(%arg6 : memref<!tpu.dma_semaphore, #tpu.memory_space<semaphore_mem>>)
      %dma_wait3A_607 = arith.constant 9 : i32
      %dma_wait3A_608 = arith.constant 0 : i32
      %dma_wait3A_609 = arith.constant 0 : i32
      %dma_wait3A_610 = tpu.memref_slice %arg0[%dma_wait3A_607, %dma_wait3A_608, %dma_wait3A_609] : memref<16x2048x1024xf32, #tpu.memory_space<any>> -> memref<1x2048x1024xf32, #tpu.memory_space<any>>
      %dma_wait3A_611 = tpu.memref_squeeze %dma_wait3A_610 : memref<1x2048x1024xf32, #tpu.memory_space<any>> -> memref<2048x1024xf32, #tpu.memory_space<any>>
      tpu.wait_dma2 semaphore(%arg6 : memref<!tpu.dma_semaphore, #tpu.memory_space<semaphore_mem>>) src(%dma_wait3A_611 : memref<2048x1024xf32, #tpu.memory_space<any>>) dst(%arg3 : memref<2048x1024xf32, #tpu.memory_space<vmem>>)
      %get3A_612 = arith.constant 0 : index
      %get3A_613 = arith.constant 0 : index
      %get3A_614 = vector.load %arg3[%get3A_612, %get3A_613] : memref<2048x1024xf32, #tpu.memory_space<vmem>>, vector<2048x1024xf32>
      %abs3A_615 = math.absf %get3A_614 : vector<2048x1024xf32>
      %reduce_max3A_616 = arith.constant dense<0xFF800000> : vector<2048xf32>
      %reduce_max3A_617 = vector.multi_reduction <maximumf>, %abs3A_615, %reduce_max3A_616 [1] : vector<2048x1024xf32> to vector<2048xf32>
      %broadcast_in_dim3A_618 = vector.shape_cast %reduce_max3A_617 : vector<2048xf32> to vector<2048x1xf32>
      %gt3A_619 = arith.constant 0.000000e+00 : f32
      %gt3A_620 = vector.broadcast %gt3A_619 : f32 to vector<2048x1xf32>
      %gt3A_621 = arith.cmpf ogt, %broadcast_in_dim3A_618, %gt3A_620 : vector<2048x1xf32>
      %convert_element_type3A_622 = arith.extui %gt3A_621 : vector<2048x1xi1> to vector<2048x1xi32>
      %reduce_sum3A_623 = vector.shape_cast %convert_element_type3A_622 : vector<2048x1xi32> to vector<1x2048x1xi32>
      %reduce_sum3A_624 = arith.constant dense<0> : vector<1xi32>
      %reduce_sum3A_625 = vector.multi_reduction <add>, %reduce_sum3A_623, %reduce_sum3A_624 [1, 2] : vector<1x2048x1xi32> to vector<1xi32>
      %reduce_sum3A_626 = vector.shape_cast %reduce_sum3A_625 : vector<1xi32> to vector<1x1x1xi32>
      %reduce_sum3A_627 = vector.extract %reduce_sum3A_626[0, 0, 0] : i32 from vector<1x1x1xi32>
      %sub3A_628 = arith.constant 1 : i32
      %sub3A_629 = arith.subi %reduce_sum3A_627, %sub3A_628 : i32
      %max3A_630 = arith.constant 0 : i32
      %max3A_631 = arith.maxsi %sub3A_629, %max3A_630 : i32
      %swap3A_632 = arith.constant 1 : index
      %swap3A_633 = memref.load %arg4[%swap3A_632] : memref<8xi32, #tpu.memory_space<smem>>
      memref.store %max3A_631, %arg4[%swap3A_632] : memref<8xi32, #tpu.memory_space<smem>>
    } else {
    }
    %get3A_186 = arith.constant 1 : index
    %get3A_187 = memref.load %arg4[%get3A_186] : memref<8xi32, #tpu.memory_space<smem>>
    %dma_start3A_188 = arith.constant 9 : i32
    %dma_start3A_189 = arith.constant 1 : i32
    %dma_start3A_190 = tpu.memref_slice %arg7[%dma_start3A_189] : memref<8x!tpu.dma_semaphore, #tpu.memory_space<semaphore_mem>> -> memref<1x!tpu.dma_semaphore, #tpu.memory_space<semaphore_mem>>
    %dma_start3A_191 = tpu.memref_squeeze %dma_start3A_190 : memref<1x!tpu.dma_semaphore, #tpu.memory_space<semaphore_mem>> -> memref<!tpu.dma_semaphore, #tpu.memory_space<semaphore_mem>>
    %dma_start3A_192 = arith.constant 1 : i32
    %dma_start3A_193 = arith.constant 0 : i32
    %dma_start3A_194 = tpu.memref_slice %arg1[%dma_start3A_192, %dma_start3A_193] : memref<8x1024xf32, #tpu.memory_space<vmem>> -> memref<1x1024xf32, #tpu.memory_space<vmem>>
    %dma_start3A_195 = arith.constant 0 : i32
    %dma_start3A_196 = tpu.memref_slice %arg0[%dma_start3A_188, %get3A_187, %dma_start3A_195] : memref<16x2048x1024xf32, #tpu.memory_space<any>> -> memref<1x1x1024xf32, #tpu.memory_space<any>>
    %dma_start3A_197 = tpu.memref_squeeze %dma_start3A_196 : memref<1x1x1024xf32, #tpu.memory_space<any>> -> memref<1x1024xf32, #tpu.memory_space<any>>
    tpu.enqueue_dma source(%dma_start3A_197 : memref<1x1024xf32, #tpu.memory_space<any>>) target(%dma_start3A_194 : memref<1x1024xf32, #tpu.memory_space<vmem>>) target_semaphore(%dma_start3A_191 : memref<!tpu.dma_semaphore, #tpu.memory_space<semaphore_mem>>)
    %dma_wait3A_198 = arith.constant 10 : i32
    %dma_wait3A_199 = arith.constant 2 : i32
    %dma_wait3A_200 = arith.constant 2 : i32
    %dma_wait3A_201 = tpu.memref_slice %arg5[%dma_wait3A_200] : memref<8x!tpu.dma_semaphore, #tpu.memory_space<semaphore_mem>> -> memref<1x!tpu.dma_semaphore, #tpu.memory_space<semaphore_mem>>
    %dma_wait3A_202 = tpu.memref_squeeze %dma_wait3A_201 : memref<1x!tpu.dma_semaphore, #tpu.memory_space<semaphore_mem>> -> memref<!tpu.dma_semaphore, #tpu.memory_space<semaphore_mem>>
    %dma_wait3A_203 = arith.constant 0 : i32
    %dma_wait3A_204 = arith.constant 0 : i32
    %dma_wait3A_205 = tpu.memref_slice %arg2[%dma_wait3A_199, %dma_wait3A_203, %dma_wait3A_204] : memref<8x2048x128xf32, #tpu.memory_space<vmem>> -> memref<1x2048x128xf32, #tpu.memory_space<vmem>>
    %dma_wait3A_206 = tpu.memref_squeeze %dma_wait3A_205 : memref<1x2048x128xf32, #tpu.memory_space<vmem>> -> memref<2048x128xf32, #tpu.memory_space<vmem>>
    %dma_wait3A_207 = arith.constant 0 : i32
    %dma_wait3A_208 = arith.constant 0 : i32
    %dma_wait3A_209 = tpu.memref_slice %arg0[%dma_wait3A_198, %dma_wait3A_207, %dma_wait3A_208] : memref<16x2048x1024xf32, #tpu.memory_space<any>> -> memref<1x2048x128xf32, #tpu.memory_space<any>>
    %dma_wait3A_210 = tpu.memref_squeeze %dma_wait3A_209 : memref<1x2048x128xf32, #tpu.memory_space<any>> -> memref<2048x128xf32, #tpu.memory_space<any>>
    tpu.wait_dma2 semaphore(%dma_wait3A_202 : memref<!tpu.dma_semaphore, #tpu.memory_space<semaphore_mem>>) src(%dma_wait3A_210 : memref<2048x128xf32, #tpu.memory_space<any>>) dst(%dma_wait3A_206 : memref<2048x128xf32, #tpu.memory_space<vmem>>)
    %get3A_211 = arith.constant 2 : index
    %get3A_212 = arith.constant 0 : index
    %get3A_213 = arith.constant 0 : index
    %get3A_214 = vector.load %arg2[%get3A_211, %get3A_212, %get3A_213] : memref<8x2048x128xf32, #tpu.memory_space<vmem>>, vector<1x2048x128xf32>
    %get3A_215 = vector.shape_cast %get3A_214 : vector<1x2048x128xf32> to vector<2048x128xf32>
    %abs3A_216 = math.absf %get3A_215 : vector<2048x128xf32>
    %reduce_max3A_217 = arith.constant dense<0xFF800000> : vector<2048xf32>
    %reduce_max3A_218 = vector.multi_reduction <maximumf>, %abs3A_216, %reduce_max3A_217 [1] : vector<2048x128xf32> to vector<2048xf32>
    %broadcast_in_dim3A_219 = vector.shape_cast %reduce_max3A_218 : vector<2048xf32> to vector<2048x1xf32>
    %gt3A_220 = arith.constant 0.000000e+00 : f32
    %gt3A_221 = vector.broadcast %gt3A_220 : f32 to vector<2048x1xf32>
    %gt3A_222 = arith.cmpf ogt, %broadcast_in_dim3A_219, %gt3A_221 : vector<2048x1xf32>
    %convert_element_type3A_223 = arith.extui %gt3A_222 : vector<2048x1xi1> to vector<2048x1xi32>
    %reduce_sum3A_224 = vector.shape_cast %convert_element_type3A_223 : vector<2048x1xi32> to vector<1x2048x1xi32>
    %reduce_sum3A_225 = arith.constant dense<0> : vector<1xi32>
    %reduce_sum3A_226 = vector.multi_reduction <add>, %reduce_sum3A_224, %reduce_sum3A_225 [1, 2] : vector<1x2048x1xi32> to vector<1xi32>
    %reduce_sum3A_227 = vector.shape_cast %reduce_sum3A_226 : vector<1xi32> to vector<1x1x1xi32>
    %reduce_sum3A_228 = vector.extract %reduce_sum3A_227[0, 0, 0] : i32 from vector<1x1x1xi32>
    %sub3A_229 = arith.constant 1 : i32
    %sub3A_230 = arith.subi %reduce_sum3A_228, %sub3A_229 : i32
    %max3A_231 = arith.constant 0 : i32
    %max3A_232 = arith.maxsi %sub3A_230, %max3A_231 : i32
    %swap3A_233 = arith.constant 2 : index
    %swap3A_234 = memref.load %arg4[%swap3A_233] : memref<8xi32, #tpu.memory_space<smem>>
    memref.store %max3A_232, %arg4[%swap3A_233] : memref<8xi32, #tpu.memory_space<smem>>
    %lt3A_235 = arith.constant 2048 : i32
    %lt3A_236 = arith.cmpi slt, %reduce_sum3A_228, %lt3A_235 : i32
    %convert_element_type3A_237 = arith.extui %lt3A_236 : i1 to i32
    %cond3A_238 = arith.constant 0 : i32
    %cond3A_239 = arith.cmpi ne, %convert_element_type3A_237, %cond3A_238 : i32
    scf.if %cond3A_239 {
      %dma_start3A_602 = arith.constant 10 : i32
      %dma_start3A_603 = arith.constant 0 : i32
      %dma_start3A_604 = arith.constant 0 : i32
      %dma_start3A_605 = tpu.memref_slice %arg0[%dma_start3A_602, %dma_start3A_603, %dma_start3A_604] : memref<16x2048x1024xf32, #tpu.memory_space<any>> -> memref<1x2048x1024xf32, #tpu.memory_space<any>>
      %dma_start3A_606 = tpu.memref_squeeze %dma_start3A_605 : memref<1x2048x1024xf32, #tpu.memory_space<any>> -> memref<2048x1024xf32, #tpu.memory_space<any>>
      tpu.enqueue_dma source(%dma_start3A_606 : memref<2048x1024xf32, #tpu.memory_space<any>>) target(%arg3 : memref<2048x1024xf32, #tpu.memory_space<vmem>>) target_semaphore(%arg6 : memref<!tpu.dma_semaphore, #tpu.memory_space<semaphore_mem>>)
      %dma_wait3A_607 = arith.constant 10 : i32
      %dma_wait3A_608 = arith.constant 0 : i32
      %dma_wait3A_609 = arith.constant 0 : i32
      %dma_wait3A_610 = tpu.memref_slice %arg0[%dma_wait3A_607, %dma_wait3A_608, %dma_wait3A_609] : memref<16x2048x1024xf32, #tpu.memory_space<any>> -> memref<1x2048x1024xf32, #tpu.memory_space<any>>
      %dma_wait3A_611 = tpu.memref_squeeze %dma_wait3A_610 : memref<1x2048x1024xf32, #tpu.memory_space<any>> -> memref<2048x1024xf32, #tpu.memory_space<any>>
      tpu.wait_dma2 semaphore(%arg6 : memref<!tpu.dma_semaphore, #tpu.memory_space<semaphore_mem>>) src(%dma_wait3A_611 : memref<2048x1024xf32, #tpu.memory_space<any>>) dst(%arg3 : memref<2048x1024xf32, #tpu.memory_space<vmem>>)
      %get3A_612 = arith.constant 0 : index
      %get3A_613 = arith.constant 0 : index
      %get3A_614 = vector.load %arg3[%get3A_612, %get3A_613] : memref<2048x1024xf32, #tpu.memory_space<vmem>>, vector<2048x1024xf32>
      %abs3A_615 = math.absf %get3A_614 : vector<2048x1024xf32>
      %reduce_max3A_616 = arith.constant dense<0xFF800000> : vector<2048xf32>
      %reduce_max3A_617 = vector.multi_reduction <maximumf>, %abs3A_615, %reduce_max3A_616 [1] : vector<2048x1024xf32> to vector<2048xf32>
      %broadcast_in_dim3A_618 = vector.shape_cast %reduce_max3A_617 : vector<2048xf32> to vector<2048x1xf32>
      %gt3A_619 = arith.constant 0.000000e+00 : f32
      %gt3A_620 = vector.broadcast %gt3A_619 : f32 to vector<2048x1xf32>
      %gt3A_621 = arith.cmpf ogt, %broadcast_in_dim3A_618, %gt3A_620 : vector<2048x1xf32>
      %convert_element_type3A_622 = arith.extui %gt3A_621 : vector<2048x1xi1> to vector<2048x1xi32>
      %reduce_sum3A_623 = vector.shape_cast %convert_element_type3A_622 : vector<2048x1xi32> to vector<1x2048x1xi32>
      %reduce_sum3A_624 = arith.constant dense<0> : vector<1xi32>
      %reduce_sum3A_625 = vector.multi_reduction <add>, %reduce_sum3A_623, %reduce_sum3A_624 [1, 2] : vector<1x2048x1xi32> to vector<1xi32>
      %reduce_sum3A_626 = vector.shape_cast %reduce_sum3A_625 : vector<1xi32> to vector<1x1x1xi32>
      %reduce_sum3A_627 = vector.extract %reduce_sum3A_626[0, 0, 0] : i32 from vector<1x1x1xi32>
      %sub3A_628 = arith.constant 1 : i32
      %sub3A_629 = arith.subi %reduce_sum3A_627, %sub3A_628 : i32
      %max3A_630 = arith.constant 0 : i32
      %max3A_631 = arith.maxsi %sub3A_629, %max3A_630 : i32
      %swap3A_632 = arith.constant 2 : index
      %swap3A_633 = memref.load %arg4[%swap3A_632] : memref<8xi32, #tpu.memory_space<smem>>
      memref.store %max3A_631, %arg4[%swap3A_632] : memref<8xi32, #tpu.memory_space<smem>>
    } else {
    }
    %get3A_240 = arith.constant 2 : index
    %get3A_241 = memref.load %arg4[%get3A_240] : memref<8xi32, #tpu.memory_space<smem>>
    %dma_start3A_242 = arith.constant 10 : i32
    %dma_start3A_243 = arith.constant 2 : i32
    %dma_start3A_244 = tpu.memref_slice %arg7[%dma_start3A_243] : memref<8x!tpu.dma_semaphore, #tpu.memory_space<semaphore_mem>> -> memref<1x!tpu.dma_semaphore, #tpu.memory_space<semaphore_mem>>
    %dma_start3A_245 = tpu.memref_squeeze %dma_start3A_244 : memref<1x!tpu.dma_semaphore, #tpu.memory_space<semaphore_mem>> -> memref<!tpu.dma_semaphore, #tpu.memory_space<semaphore_mem>>
    %dma_start3A_246 = arith.constant 2 : i32
    %dma_start3A_247 = arith.constant 0 : i32
    %dma_start3A_248 = tpu.memref_slice %arg1[%dma_start3A_246, %dma_start3A_247] : memref<8x1024xf32, #tpu.memory_space<vmem>> -> memref<1x1024xf32, #tpu.memory_space<vmem>>
    %dma_start3A_249 = arith.constant 0 : i32
    %dma_start3A_250 = tpu.memref_slice %arg0[%dma_start3A_242, %get3A_241, %dma_start3A_249] : memref<16x2048x1024xf32, #tpu.memory_space<any>> -> memref<1x1x1024xf32, #tpu.memory_space<any>>
    %dma_start3A_251 = tpu.memref_squeeze %dma_start3A_250 : memref<1x1x1024xf32, #tpu.memory_space<any>> -> memref<1x1024xf32, #tpu.memory_space<any>>
    tpu.enqueue_dma source(%dma_start3A_251 : memref<1x1024xf32, #tpu.memory_space<any>>) target(%dma_start3A_248 : memref<1x1024xf32, #tpu.memory_space<vmem>>) target_semaphore(%dma_start3A_245 : memref<!tpu.dma_semaphore, #tpu.memory_space<semaphore_mem>>)
    %dma_wait3A_252 = arith.constant 11 : i32
    %dma_wait3A_253 = arith.constant 3 : i32
    %dma_wait3A_254 = arith.constant 3 : i32
    %dma_wait3A_255 = tpu.memref_slice %arg5[%dma_wait3A_254] : memref<8x!tpu.dma_semaphore, #tpu.memory_space<semaphore_mem>> -> memref<1x!tpu.dma_semaphore, #tpu.memory_space<semaphore_mem>>
    %dma_wait3A_256 = tpu.memref_squeeze %dma_wait3A_255 : memref<1x!tpu.dma_semaphore, #tpu.memory_space<semaphore_mem>> -> memref<!tpu.dma_semaphore, #tpu.memory_space<semaphore_mem>>
    %dma_wait3A_257 = arith.constant 0 : i32
    %dma_wait3A_258 = arith.constant 0 : i32
    %dma_wait3A_259 = tpu.memref_slice %arg2[%dma_wait3A_253, %dma_wait3A_257, %dma_wait3A_258] : memref<8x2048x128xf32, #tpu.memory_space<vmem>> -> memref<1x2048x128xf32, #tpu.memory_space<vmem>>
    %dma_wait3A_260 = tpu.memref_squeeze %dma_wait3A_259 : memref<1x2048x128xf32, #tpu.memory_space<vmem>> -> memref<2048x128xf32, #tpu.memory_space<vmem>>
    %dma_wait3A_261 = arith.constant 0 : i32
    %dma_wait3A_262 = arith.constant 0 : i32
    %dma_wait3A_263 = tpu.memref_slice %arg0[%dma_wait3A_252, %dma_wait3A_261, %dma_wait3A_262] : memref<16x2048x1024xf32, #tpu.memory_space<any>> -> memref<1x2048x128xf32, #tpu.memory_space<any>>
    %dma_wait3A_264 = tpu.memref_squeeze %dma_wait3A_263 : memref<1x2048x128xf32, #tpu.memory_space<any>> -> memref<2048x128xf32, #tpu.memory_space<any>>
    tpu.wait_dma2 semaphore(%dma_wait3A_256 : memref<!tpu.dma_semaphore, #tpu.memory_space<semaphore_mem>>) src(%dma_wait3A_264 : memref<2048x128xf32, #tpu.memory_space<any>>) dst(%dma_wait3A_260 : memref<2048x128xf32, #tpu.memory_space<vmem>>)
    %get3A_265 = arith.constant 3 : index
    %get3A_266 = arith.constant 0 : index
    %get3A_267 = arith.constant 0 : index
    %get3A_268 = vector.load %arg2[%get3A_265, %get3A_266, %get3A_267] : memref<8x2048x128xf32, #tpu.memory_space<vmem>>, vector<1x2048x128xf32>
    %get3A_269 = vector.shape_cast %get3A_268 : vector<1x2048x128xf32> to vector<2048x128xf32>
    %abs3A_270 = math.absf %get3A_269 : vector<2048x128xf32>
    %reduce_max3A_271 = arith.constant dense<0xFF800000> : vector<2048xf32>
    %reduce_max3A_272 = vector.multi_reduction <maximumf>, %abs3A_270, %reduce_max3A_271 [1] : vector<2048x128xf32> to vector<2048xf32>
    %broadcast_in_dim3A_273 = vector.shape_cast %reduce_max3A_272 : vector<2048xf32> to vector<2048x1xf32>
    %gt3A_274 = arith.constant 0.000000e+00 : f32
    %gt3A_275 = vector.broadcast %gt3A_274 : f32 to vector<2048x1xf32>
    %gt3A_276 = arith.cmpf ogt, %broadcast_in_dim3A_273, %gt3A_275 : vector<2048x1xf32>
    %convert_element_type3A_277 = arith.extui %gt3A_276 : vector<2048x1xi1> to vector<2048x1xi32>
    %reduce_sum3A_278 = vector.shape_cast %convert_element_type3A_277 : vector<2048x1xi32> to vector<1x2048x1xi32>
    %reduce_sum3A_279 = arith.constant dense<0> : vector<1xi32>
    %reduce_sum3A_280 = vector.multi_reduction <add>, %reduce_sum3A_278, %reduce_sum3A_279 [1, 2] : vector<1x2048x1xi32> to vector<1xi32>
    %reduce_sum3A_281 = vector.shape_cast %reduce_sum3A_280 : vector<1xi32> to vector<1x1x1xi32>
    %reduce_sum3A_282 = vector.extract %reduce_sum3A_281[0, 0, 0] : i32 from vector<1x1x1xi32>
    %sub3A_283 = arith.constant 1 : i32
    %sub3A_284 = arith.subi %reduce_sum3A_282, %sub3A_283 : i32
    %max3A_285 = arith.constant 0 : i32
    %max3A_286 = arith.maxsi %sub3A_284, %max3A_285 : i32
    %swap3A_287 = arith.constant 3 : index
    %swap3A_288 = memref.load %arg4[%swap3A_287] : memref<8xi32, #tpu.memory_space<smem>>
    memref.store %max3A_286, %arg4[%swap3A_287] : memref<8xi32, #tpu.memory_space<smem>>
    %lt3A_289 = arith.constant 2048 : i32
    %lt3A_290 = arith.cmpi slt, %reduce_sum3A_282, %lt3A_289 : i32
    %convert_element_type3A_291 = arith.extui %lt3A_290 : i1 to i32
    %cond3A_292 = arith.constant 0 : i32
    %cond3A_293 = arith.cmpi ne, %convert_element_type3A_291, %cond3A_292 : i32
    scf.if %cond3A_293 {
      %dma_start3A_602 = arith.constant 11 : i32
      %dma_start3A_603 = arith.constant 0 : i32
      %dma_start3A_604 = arith.constant 0 : i32
      %dma_start3A_605 = tpu.memref_slice %arg0[%dma_start3A_602, %dma_start3A_603, %dma_start3A_604] : memref<16x2048x1024xf32, #tpu.memory_space<any>> -> memref<1x2048x1024xf32, #tpu.memory_space<any>>
      %dma_start3A_606 = tpu.memref_squeeze %dma_start3A_605 : memref<1x2048x1024xf32, #tpu.memory_space<any>> -> memref<2048x1024xf32, #tpu.memory_space<any>>
      tpu.enqueue_dma source(%dma_start3A_606 : memref<2048x1024xf32, #tpu.memory_space<any>>) target(%arg3 : memref<2048x1024xf32, #tpu.memory_space<vmem>>) target_semaphore(%arg6 : memref<!tpu.dma_semaphore, #tpu.memory_space<semaphore_mem>>)
      %dma_wait3A_607 = arith.constant 11 : i32
      %dma_wait3A_608 = arith.constant 0 : i32
      %dma_wait3A_609 = arith.constant 0 : i32
      %dma_wait3A_610 = tpu.memref_slice %arg0[%dma_wait3A_607, %dma_wait3A_608, %dma_wait3A_609] : memref<16x2048x1024xf32, #tpu.memory_space<any>> -> memref<1x2048x1024xf32, #tpu.memory_space<any>>
      %dma_wait3A_611 = tpu.memref_squeeze %dma_wait3A_610 : memref<1x2048x1024xf32, #tpu.memory_space<any>> -> memref<2048x1024xf32, #tpu.memory_space<any>>
      tpu.wait_dma2 semaphore(%arg6 : memref<!tpu.dma_semaphore, #tpu.memory_space<semaphore_mem>>) src(%dma_wait3A_611 : memref<2048x1024xf32, #tpu.memory_space<any>>) dst(%arg3 : memref<2048x1024xf32, #tpu.memory_space<vmem>>)
      %get3A_612 = arith.constant 0 : index
      %get3A_613 = arith.constant 0 : index
      %get3A_614 = vector.load %arg3[%get3A_612, %get3A_613] : memref<2048x1024xf32, #tpu.memory_space<vmem>>, vector<2048x1024xf32>
      %abs3A_615 = math.absf %get3A_614 : vector<2048x1024xf32>
      %reduce_max3A_616 = arith.constant dense<0xFF800000> : vector<2048xf32>
      %reduce_max3A_617 = vector.multi_reduction <maximumf>, %abs3A_615, %reduce_max3A_616 [1] : vector<2048x1024xf32> to vector<2048xf32>
      %broadcast_in_dim3A_618 = vector.shape_cast %reduce_max3A_617 : vector<2048xf32> to vector<2048x1xf32>
      %gt3A_619 = arith.constant 0.000000e+00 : f32
      %gt3A_620 = vector.broadcast %gt3A_619 : f32 to vector<2048x1xf32>
      %gt3A_621 = arith.cmpf ogt, %broadcast_in_dim3A_618, %gt3A_620 : vector<2048x1xf32>
      %convert_element_type3A_622 = arith.extui %gt3A_621 : vector<2048x1xi1> to vector<2048x1xi32>
      %reduce_sum3A_623 = vector.shape_cast %convert_element_type3A_622 : vector<2048x1xi32> to vector<1x2048x1xi32>
      %reduce_sum3A_624 = arith.constant dense<0> : vector<1xi32>
      %reduce_sum3A_625 = vector.multi_reduction <add>, %reduce_sum3A_623, %reduce_sum3A_624 [1, 2] : vector<1x2048x1xi32> to vector<1xi32>
      %reduce_sum3A_626 = vector.shape_cast %reduce_sum3A_625 : vector<1xi32> to vector<1x1x1xi32>
      %reduce_sum3A_627 = vector.extract %reduce_sum3A_626[0, 0, 0] : i32 from vector<1x1x1xi32>
      %sub3A_628 = arith.constant 1 : i32
      %sub3A_629 = arith.subi %reduce_sum3A_627, %sub3A_628 : i32
      %max3A_630 = arith.constant 0 : i32
      %max3A_631 = arith.maxsi %sub3A_629, %max3A_630 : i32
      %swap3A_632 = arith.constant 3 : index
      %swap3A_633 = memref.load %arg4[%swap3A_632] : memref<8xi32, #tpu.memory_space<smem>>
      memref.store %max3A_631, %arg4[%swap3A_632] : memref<8xi32, #tpu.memory_space<smem>>
    } else {
    }
    %get3A_294 = arith.constant 3 : index
    %get3A_295 = memref.load %arg4[%get3A_294] : memref<8xi32, #tpu.memory_space<smem>>
    %dma_start3A_296 = arith.constant 11 : i32
    %dma_start3A_297 = arith.constant 3 : i32
    %dma_start3A_298 = tpu.memref_slice %arg7[%dma_start3A_297] : memref<8x!tpu.dma_semaphore, #tpu.memory_space<semaphore_mem>> -> memref<1x!tpu.dma_semaphore, #tpu.memory_space<semaphore_mem>>
    %dma_start3A_299 = tpu.memref_squeeze %dma_start3A_298 : memref<1x!tpu.dma_semaphore, #tpu.memory_space<semaphore_mem>> -> memref<!tpu.dma_semaphore, #tpu.memory_space<semaphore_mem>>
    %dma_start3A_300 = arith.constant 3 : i32
    %dma_start3A_301 = arith.constant 0 : i32
    %dma_start3A_302 = tpu.memref_slice %arg1[%dma_start3A_300, %dma_start3A_301] : memref<8x1024xf32, #tpu.memory_space<vmem>> -> memref<1x1024xf32, #tpu.memory_space<vmem>>
    %dma_start3A_303 = arith.constant 0 : i32
    %dma_start3A_304 = tpu.memref_slice %arg0[%dma_start3A_296, %get3A_295, %dma_start3A_303] : memref<16x2048x1024xf32, #tpu.memory_space<any>> -> memref<1x1x1024xf32, #tpu.memory_space<any>>
    %dma_start3A_305 = tpu.memref_squeeze %dma_start3A_304 : memref<1x1x1024xf32, #tpu.memory_space<any>> -> memref<1x1024xf32, #tpu.memory_space<any>>
    tpu.enqueue_dma source(%dma_start3A_305 : memref<1x1024xf32, #tpu.memory_space<any>>) target(%dma_start3A_302 : memref<1x1024xf32, #tpu.memory_space<vmem>>) target_semaphore(%dma_start3A_299 : memref<!tpu.dma_semaphore, #tpu.memory_space<semaphore_mem>>)
    %dma_wait3A_306 = arith.constant 12 : i32
    %dma_wait3A_307 = arith.constant 4 : i32
    %dma_wait3A_308 = arith.constant 4 : i32
    %dma_wait3A_309 = tpu.memref_slice %arg5[%dma_wait3A_308] : memref<8x!tpu.dma_semaphore, #tpu.memory_space<semaphore_mem>> -> memref<1x!tpu.dma_semaphore, #tpu.memory_space<semaphore_mem>>
    %dma_wait3A_310 = tpu.memref_squeeze %dma_wait3A_309 : memref<1x!tpu.dma_semaphore, #tpu.memory_space<semaphore_mem>> -> memref<!tpu.dma_semaphore, #tpu.memory_space<semaphore_mem>>
    %dma_wait3A_311 = arith.constant 0 : i32
    %dma_wait3A_312 = arith.constant 0 : i32
    %dma_wait3A_313 = tpu.memref_slice %arg2[%dma_wait3A_307, %dma_wait3A_311, %dma_wait3A_312] : memref<8x2048x128xf32, #tpu.memory_space<vmem>> -> memref<1x2048x128xf32, #tpu.memory_space<vmem>>
    %dma_wait3A_314 = tpu.memref_squeeze %dma_wait3A_313 : memref<1x2048x128xf32, #tpu.memory_space<vmem>> -> memref<2048x128xf32, #tpu.memory_space<vmem>>
    %dma_wait3A_315 = arith.constant 0 : i32
    %dma_wait3A_316 = arith.constant 0 : i32
    %dma_wait3A_317 = tpu.memref_slice %arg0[%dma_wait3A_306, %dma_wait3A_315, %dma_wait3A_316] : memref<16x2048x1024xf32, #tpu.memory_space<any>> -> memref<1x2048x128xf32, #tpu.memory_space<any>>
    %dma_wait3A_318 = tpu.memref_squeeze %dma_wait3A_317 : memref<1x2048x128xf32, #tpu.memory_space<any>> -> memref<2048x128xf32, #tpu.memory_space<any>>
    tpu.wait_dma2 semaphore(%dma_wait3A_310 : memref<!tpu.dma_semaphore, #tpu.memory_space<semaphore_mem>>) src(%dma_wait3A_318 : memref<2048x128xf32, #tpu.memory_space<any>>) dst(%dma_wait3A_314 : memref<2048x128xf32, #tpu.memory_space<vmem>>)
    %get3A_319 = arith.constant 4 : index
    %get3A_320 = arith.constant 0 : index
    %get3A_321 = arith.constant 0 : index
    %get3A_322 = vector.load %arg2[%get3A_319, %get3A_320, %get3A_321] : memref<8x2048x128xf32, #tpu.memory_space<vmem>>, vector<1x2048x128xf32>
    %get3A_323 = vector.shape_cast %get3A_322 : vector<1x2048x128xf32> to vector<2048x128xf32>
    %abs3A_324 = math.absf %get3A_323 : vector<2048x128xf32>
    %reduce_max3A_325 = arith.constant dense<0xFF800000> : vector<2048xf32>
    %reduce_max3A_326 = vector.multi_reduction <maximumf>, %abs3A_324, %reduce_max3A_325 [1] : vector<2048x128xf32> to vector<2048xf32>
    %broadcast_in_dim3A_327 = vector.shape_cast %reduce_max3A_326 : vector<2048xf32> to vector<2048x1xf32>
    %gt3A_328 = arith.constant 0.000000e+00 : f32
    %gt3A_329 = vector.broadcast %gt3A_328 : f32 to vector<2048x1xf32>
    %gt3A_330 = arith.cmpf ogt, %broadcast_in_dim3A_327, %gt3A_329 : vector<2048x1xf32>
    %convert_element_type3A_331 = arith.extui %gt3A_330 : vector<2048x1xi1> to vector<2048x1xi32>
    %reduce_sum3A_332 = vector.shape_cast %convert_element_type3A_331 : vector<2048x1xi32> to vector<1x2048x1xi32>
    %reduce_sum3A_333 = arith.constant dense<0> : vector<1xi32>
    %reduce_sum3A_334 = vector.multi_reduction <add>, %reduce_sum3A_332, %reduce_sum3A_333 [1, 2] : vector<1x2048x1xi32> to vector<1xi32>
    %reduce_sum3A_335 = vector.shape_cast %reduce_sum3A_334 : vector<1xi32> to vector<1x1x1xi32>
    %reduce_sum3A_336 = vector.extract %reduce_sum3A_335[0, 0, 0] : i32 from vector<1x1x1xi32>
    %sub3A_337 = arith.constant 1 : i32
    %sub3A_338 = arith.subi %reduce_sum3A_336, %sub3A_337 : i32
    %max3A_339 = arith.constant 0 : i32
    %max3A_340 = arith.maxsi %sub3A_338, %max3A_339 : i32
    %swap3A_341 = arith.constant 4 : index
    %swap3A_342 = memref.load %arg4[%swap3A_341] : memref<8xi32, #tpu.memory_space<smem>>
    memref.store %max3A_340, %arg4[%swap3A_341] : memref<8xi32, #tpu.memory_space<smem>>
    %lt3A_343 = arith.constant 2048 : i32
    %lt3A_344 = arith.cmpi slt, %reduce_sum3A_336, %lt3A_343 : i32
    %convert_element_type3A_345 = arith.extui %lt3A_344 : i1 to i32
    %cond3A_346 = arith.constant 0 : i32
    %cond3A_347 = arith.cmpi ne, %convert_element_type3A_345, %cond3A_346 : i32
    scf.if %cond3A_347 {
      %dma_start3A_602 = arith.constant 12 : i32
      %dma_start3A_603 = arith.constant 0 : i32
      %dma_start3A_604 = arith.constant 0 : i32
      %dma_start3A_605 = tpu.memref_slice %arg0[%dma_start3A_602, %dma_start3A_603, %dma_start3A_604] : memref<16x2048x1024xf32, #tpu.memory_space<any>> -> memref<1x2048x1024xf32, #tpu.memory_space<any>>
      %dma_start3A_606 = tpu.memref_squeeze %dma_start3A_605 : memref<1x2048x1024xf32, #tpu.memory_space<any>> -> memref<2048x1024xf32, #tpu.memory_space<any>>
      tpu.enqueue_dma source(%dma_start3A_606 : memref<2048x1024xf32, #tpu.memory_space<any>>) target(%arg3 : memref<2048x1024xf32, #tpu.memory_space<vmem>>) target_semaphore(%arg6 : memref<!tpu.dma_semaphore, #tpu.memory_space<semaphore_mem>>)
      %dma_wait3A_607 = arith.constant 12 : i32
      %dma_wait3A_608 = arith.constant 0 : i32
      %dma_wait3A_609 = arith.constant 0 : i32
      %dma_wait3A_610 = tpu.memref_slice %arg0[%dma_wait3A_607, %dma_wait3A_608, %dma_wait3A_609] : memref<16x2048x1024xf32, #tpu.memory_space<any>> -> memref<1x2048x1024xf32, #tpu.memory_space<any>>
      %dma_wait3A_611 = tpu.memref_squeeze %dma_wait3A_610 : memref<1x2048x1024xf32, #tpu.memory_space<any>> -> memref<2048x1024xf32, #tpu.memory_space<any>>
      tpu.wait_dma2 semaphore(%arg6 : memref<!tpu.dma_semaphore, #tpu.memory_space<semaphore_mem>>) src(%dma_wait3A_611 : memref<2048x1024xf32, #tpu.memory_space<any>>) dst(%arg3 : memref<2048x1024xf32, #tpu.memory_space<vmem>>)
      %get3A_612 = arith.constant 0 : index
      %get3A_613 = arith.constant 0 : index
      %get3A_614 = vector.load %arg3[%get3A_612, %get3A_613] : memref<2048x1024xf32, #tpu.memory_space<vmem>>, vector<2048x1024xf32>
      %abs3A_615 = math.absf %get3A_614 : vector<2048x1024xf32>
      %reduce_max3A_616 = arith.constant dense<0xFF800000> : vector<2048xf32>
      %reduce_max3A_617 = vector.multi_reduction <maximumf>, %abs3A_615, %reduce_max3A_616 [1] : vector<2048x1024xf32> to vector<2048xf32>
      %broadcast_in_dim3A_618 = vector.shape_cast %reduce_max3A_617 : vector<2048xf32> to vector<2048x1xf32>
      %gt3A_619 = arith.constant 0.000000e+00 : f32
      %gt3A_620 = vector.broadcast %gt3A_619 : f32 to vector<2048x1xf32>
      %gt3A_621 = arith.cmpf ogt, %broadcast_in_dim3A_618, %gt3A_620 : vector<2048x1xf32>
      %convert_element_type3A_622 = arith.extui %gt3A_621 : vector<2048x1xi1> to vector<2048x1xi32>
      %reduce_sum3A_623 = vector.shape_cast %convert_element_type3A_622 : vector<2048x1xi32> to vector<1x2048x1xi32>
      %reduce_sum3A_624 = arith.constant dense<0> : vector<1xi32>
      %reduce_sum3A_625 = vector.multi_reduction <add>, %reduce_sum3A_623, %reduce_sum3A_624 [1, 2] : vector<1x2048x1xi32> to vector<1xi32>
      %reduce_sum3A_626 = vector.shape_cast %reduce_sum3A_625 : vector<1xi32> to vector<1x1x1xi32>
      %reduce_sum3A_627 = vector.extract %reduce_sum3A_626[0, 0, 0] : i32 from vector<1x1x1xi32>
      %sub3A_628 = arith.constant 1 : i32
      %sub3A_629 = arith.subi %reduce_sum3A_627, %sub3A_628 : i32
      %max3A_630 = arith.constant 0 : i32
      %max3A_631 = arith.maxsi %sub3A_629, %max3A_630 : i32
      %swap3A_632 = arith.constant 4 : index
      %swap3A_633 = memref.load %arg4[%swap3A_632] : memref<8xi32, #tpu.memory_space<smem>>
      memref.store %max3A_631, %arg4[%swap3A_632] : memref<8xi32, #tpu.memory_space<smem>>
    } else {
    }
    %get3A_348 = arith.constant 4 : index
    %get3A_349 = memref.load %arg4[%get3A_348] : memref<8xi32, #tpu.memory_space<smem>>
    %dma_start3A_350 = arith.constant 12 : i32
    %dma_start3A_351 = arith.constant 4 : i32
    %dma_start3A_352 = tpu.memref_slice %arg7[%dma_start3A_351] : memref<8x!tpu.dma_semaphore, #tpu.memory_space<semaphore_mem>> -> memref<1x!tpu.dma_semaphore, #tpu.memory_space<semaphore_mem>>
    %dma_start3A_353 = tpu.memref_squeeze %dma_start3A_352 : memref<1x!tpu.dma_semaphore, #tpu.memory_space<semaphore_mem>> -> memref<!tpu.dma_semaphore, #tpu.memory_space<semaphore_mem>>
    %dma_start3A_354 = arith.constant 4 : i32
    %dma_start3A_355 = arith.constant 0 : i32
    %dma_start3A_356 = tpu.memref_slice %arg1[%dma_start3A_354, %dma_start3A_355] : memref<8x1024xf32, #tpu.memory_space<vmem>> -> memref<1x1024xf32, #tpu.memory_space<vmem>>
    %dma_start3A_357 = arith.constant 0 : i32
    %dma_start3A_358 = tpu.memref_slice %arg0[%dma_start3A_350, %get3A_349, %dma_start3A_357] : memref<16x2048x1024xf32, #tpu.memory_space<any>> -> memref<1x1x1024xf32, #tpu.memory_space<any>>
    %dma_start3A_359 = tpu.memref_squeeze %dma_start3A_358 : memref<1x1x1024xf32, #tpu.memory_space<any>> -> memref<1x1024xf32, #tpu.memory_space<any>>
    tpu.enqueue_dma source(%dma_start3A_359 : memref<1x1024xf32, #tpu.memory_space<any>>) target(%dma_start3A_356 : memref<1x1024xf32, #tpu.memory_space<vmem>>) target_semaphore(%dma_start3A_353 : memref<!tpu.dma_semaphore, #tpu.memory_space<semaphore_mem>>)
    %dma_wait3A_360 = arith.constant 13 : i32
    %dma_wait3A_361 = arith.constant 5 : i32
    %dma_wait3A_362 = arith.constant 5 : i32
    %dma_wait3A_363 = tpu.memref_slice %arg5[%dma_wait3A_362] : memref<8x!tpu.dma_semaphore, #tpu.memory_space<semaphore_mem>> -> memref<1x!tpu.dma_semaphore, #tpu.memory_space<semaphore_mem>>
    %dma_wait3A_364 = tpu.memref_squeeze %dma_wait3A_363 : memref<1x!tpu.dma_semaphore, #tpu.memory_space<semaphore_mem>> -> memref<!tpu.dma_semaphore, #tpu.memory_space<semaphore_mem>>
    %dma_wait3A_365 = arith.constant 0 : i32
    %dma_wait3A_366 = arith.constant 0 : i32
    %dma_wait3A_367 = tpu.memref_slice %arg2[%dma_wait3A_361, %dma_wait3A_365, %dma_wait3A_366] : memref<8x2048x128xf32, #tpu.memory_space<vmem>> -> memref<1x2048x128xf32, #tpu.memory_space<vmem>>
    %dma_wait3A_368 = tpu.memref_squeeze %dma_wait3A_367 : memref<1x2048x128xf32, #tpu.memory_space<vmem>> -> memref<2048x128xf32, #tpu.memory_space<vmem>>
    %dma_wait3A_369 = arith.constant 0 : i32
    %dma_wait3A_370 = arith.constant 0 : i32
    %dma_wait3A_371 = tpu.memref_slice %arg0[%dma_wait3A_360, %dma_wait3A_369, %dma_wait3A_370] : memref<16x2048x1024xf32, #tpu.memory_space<any>> -> memref<1x2048x128xf32, #tpu.memory_space<any>>
    %dma_wait3A_372 = tpu.memref_squeeze %dma_wait3A_371 : memref<1x2048x128xf32, #tpu.memory_space<any>> -> memref<2048x128xf32, #tpu.memory_space<any>>
    tpu.wait_dma2 semaphore(%dma_wait3A_364 : memref<!tpu.dma_semaphore, #tpu.memory_space<semaphore_mem>>) src(%dma_wait3A_372 : memref<2048x128xf32, #tpu.memory_space<any>>) dst(%dma_wait3A_368 : memref<2048x128xf32, #tpu.memory_space<vmem>>)
    %get3A_373 = arith.constant 5 : index
    %get3A_374 = arith.constant 0 : index
    %get3A_375 = arith.constant 0 : index
    %get3A_376 = vector.load %arg2[%get3A_373, %get3A_374, %get3A_375] : memref<8x2048x128xf32, #tpu.memory_space<vmem>>, vector<1x2048x128xf32>
    %get3A_377 = vector.shape_cast %get3A_376 : vector<1x2048x128xf32> to vector<2048x128xf32>
    %abs3A_378 = math.absf %get3A_377 : vector<2048x128xf32>
    %reduce_max3A_379 = arith.constant dense<0xFF800000> : vector<2048xf32>
    %reduce_max3A_380 = vector.multi_reduction <maximumf>, %abs3A_378, %reduce_max3A_379 [1] : vector<2048x128xf32> to vector<2048xf32>
    %broadcast_in_dim3A_381 = vector.shape_cast %reduce_max3A_380 : vector<2048xf32> to vector<2048x1xf32>
    %gt3A_382 = arith.constant 0.000000e+00 : f32
    %gt3A_383 = vector.broadcast %gt3A_382 : f32 to vector<2048x1xf32>
    %gt3A_384 = arith.cmpf ogt, %broadcast_in_dim3A_381, %gt3A_383 : vector<2048x1xf32>
    %convert_element_type3A_385 = arith.extui %gt3A_384 : vector<2048x1xi1> to vector<2048x1xi32>
    %reduce_sum3A_386 = vector.shape_cast %convert_element_type3A_385 : vector<2048x1xi32> to vector<1x2048x1xi32>
    %reduce_sum3A_387 = arith.constant dense<0> : vector<1xi32>
    %reduce_sum3A_388 = vector.multi_reduction <add>, %reduce_sum3A_386, %reduce_sum3A_387 [1, 2] : vector<1x2048x1xi32> to vector<1xi32>
    %reduce_sum3A_389 = vector.shape_cast %reduce_sum3A_388 : vector<1xi32> to vector<1x1x1xi32>
    %reduce_sum3A_390 = vector.extract %reduce_sum3A_389[0, 0, 0] : i32 from vector<1x1x1xi32>
    %sub3A_391 = arith.constant 1 : i32
    %sub3A_392 = arith.subi %reduce_sum3A_390, %sub3A_391 : i32
    %max3A_393 = arith.constant 0 : i32
    %max3A_394 = arith.maxsi %sub3A_392, %max3A_393 : i32
    %swap3A_395 = arith.constant 5 : index
    %swap3A_396 = memref.load %arg4[%swap3A_395] : memref<8xi32, #tpu.memory_space<smem>>
    memref.store %max3A_394, %arg4[%swap3A_395] : memref<8xi32, #tpu.memory_space<smem>>
    %lt3A_397 = arith.constant 2048 : i32
    %lt3A_398 = arith.cmpi slt, %reduce_sum3A_390, %lt3A_397 : i32
    %convert_element_type3A_399 = arith.extui %lt3A_398 : i1 to i32
    %cond3A_400 = arith.constant 0 : i32
    %cond3A_401 = arith.cmpi ne, %convert_element_type3A_399, %cond3A_400 : i32
    scf.if %cond3A_401 {
      %dma_start3A_602 = arith.constant 13 : i32
      %dma_start3A_603 = arith.constant 0 : i32
      %dma_start3A_604 = arith.constant 0 : i32
      %dma_start3A_605 = tpu.memref_slice %arg0[%dma_start3A_602, %dma_start3A_603, %dma_start3A_604] : memref<16x2048x1024xf32, #tpu.memory_space<any>> -> memref<1x2048x1024xf32, #tpu.memory_space<any>>
      %dma_start3A_606 = tpu.memref_squeeze %dma_start3A_605 : memref<1x2048x1024xf32, #tpu.memory_space<any>> -> memref<2048x1024xf32, #tpu.memory_space<any>>
      tpu.enqueue_dma source(%dma_start3A_606 : memref<2048x1024xf32, #tpu.memory_space<any>>) target(%arg3 : memref<2048x1024xf32, #tpu.memory_space<vmem>>) target_semaphore(%arg6 : memref<!tpu.dma_semaphore, #tpu.memory_space<semaphore_mem>>)
      %dma_wait3A_607 = arith.constant 13 : i32
      %dma_wait3A_608 = arith.constant 0 : i32
      %dma_wait3A_609 = arith.constant 0 : i32
      %dma_wait3A_610 = tpu.memref_slice %arg0[%dma_wait3A_607, %dma_wait3A_608, %dma_wait3A_609] : memref<16x2048x1024xf32, #tpu.memory_space<any>> -> memref<1x2048x1024xf32, #tpu.memory_space<any>>
      %dma_wait3A_611 = tpu.memref_squeeze %dma_wait3A_610 : memref<1x2048x1024xf32, #tpu.memory_space<any>> -> memref<2048x1024xf32, #tpu.memory_space<any>>
      tpu.wait_dma2 semaphore(%arg6 : memref<!tpu.dma_semaphore, #tpu.memory_space<semaphore_mem>>) src(%dma_wait3A_611 : memref<2048x1024xf32, #tpu.memory_space<any>>) dst(%arg3 : memref<2048x1024xf32, #tpu.memory_space<vmem>>)
      %get3A_612 = arith.constant 0 : index
      %get3A_613 = arith.constant 0 : index
      %get3A_614 = vector.load %arg3[%get3A_612, %get3A_613] : memref<2048x1024xf32, #tpu.memory_space<vmem>>, vector<2048x1024xf32>
      %abs3A_615 = math.absf %get3A_614 : vector<2048x1024xf32>
      %reduce_max3A_616 = arith.constant dense<0xFF800000> : vector<2048xf32>
      %reduce_max3A_617 = vector.multi_reduction <maximumf>, %abs3A_615, %reduce_max3A_616 [1] : vector<2048x1024xf32> to vector<2048xf32>
      %broadcast_in_dim3A_618 = vector.shape_cast %reduce_max3A_617 : vector<2048xf32> to vector<2048x1xf32>
      %gt3A_619 = arith.constant 0.000000e+00 : f32
      %gt3A_620 = vector.broadcast %gt3A_619 : f32 to vector<2048x1xf32>
      %gt3A_621 = arith.cmpf ogt, %broadcast_in_dim3A_618, %gt3A_620 : vector<2048x1xf32>
      %convert_element_type3A_622 = arith.extui %gt3A_621 : vector<2048x1xi1> to vector<2048x1xi32>
      %reduce_sum3A_623 = vector.shape_cast %convert_element_type3A_622 : vector<2048x1xi32> to vector<1x2048x1xi32>
      %reduce_sum3A_624 = arith.constant dense<0> : vector<1xi32>
      %reduce_sum3A_625 = vector.multi_reduction <add>, %reduce_sum3A_623, %reduce_sum3A_624 [1, 2] : vector<1x2048x1xi32> to vector<1xi32>
      %reduce_sum3A_626 = vector.shape_cast %reduce_sum3A_625 : vector<1xi32> to vector<1x1x1xi32>
      %reduce_sum3A_627 = vector.extract %reduce_sum3A_626[0, 0, 0] : i32 from vector<1x1x1xi32>
      %sub3A_628 = arith.constant 1 : i32
      %sub3A_629 = arith.subi %reduce_sum3A_627, %sub3A_628 : i32
      %max3A_630 = arith.constant 0 : i32
      %max3A_631 = arith.maxsi %sub3A_629, %max3A_630 : i32
      %swap3A_632 = arith.constant 5 : index
      %swap3A_633 = memref.load %arg4[%swap3A_632] : memref<8xi32, #tpu.memory_space<smem>>
      memref.store %max3A_631, %arg4[%swap3A_632] : memref<8xi32, #tpu.memory_space<smem>>
    } else {
    }
    %get3A_402 = arith.constant 5 : index
    %get3A_403 = memref.load %arg4[%get3A_402] : memref<8xi32, #tpu.memory_space<smem>>
    %dma_start3A_404 = arith.constant 13 : i32
    %dma_start3A_405 = arith.constant 5 : i32
    %dma_start3A_406 = tpu.memref_slice %arg7[%dma_start3A_405] : memref<8x!tpu.dma_semaphore, #tpu.memory_space<semaphore_mem>> -> memref<1x!tpu.dma_semaphore, #tpu.memory_space<semaphore_mem>>
    %dma_start3A_407 = tpu.memref_squeeze %dma_start3A_406 : memref<1x!tpu.dma_semaphore, #tpu.memory_space<semaphore_mem>> -> memref<!tpu.dma_semaphore, #tpu.memory_space<semaphore_mem>>
    %dma_start3A_408 = arith.constant 5 : i32
    %dma_start3A_409 = arith.constant 0 : i32
    %dma_start3A_410 = tpu.memref_slice %arg1[%dma_start3A_408, %dma_start3A_409] : memref<8x1024xf32, #tpu.memory_space<vmem>> -> memref<1x1024xf32, #tpu.memory_space<vmem>>
    %dma_start3A_411 = arith.constant 0 : i32
    %dma_start3A_412 = tpu.memref_slice %arg0[%dma_start3A_404, %get3A_403, %dma_start3A_411] : memref<16x2048x1024xf32, #tpu.memory_space<any>> -> memref<1x1x1024xf32, #tpu.memory_space<any>>
    %dma_start3A_413 = tpu.memref_squeeze %dma_start3A_412 : memref<1x1x1024xf32, #tpu.memory_space<any>> -> memref<1x1024xf32, #tpu.memory_space<any>>
    tpu.enqueue_dma source(%dma_start3A_413 : memref<1x1024xf32, #tpu.memory_space<any>>) target(%dma_start3A_410 : memref<1x1024xf32, #tpu.memory_space<vmem>>) target_semaphore(%dma_start3A_407 : memref<!tpu.dma_semaphore, #tpu.memory_space<semaphore_mem>>)
    %dma_wait3A_414 = arith.constant 14 : i32
    %dma_wait3A_415 = arith.constant 6 : i32
    %dma_wait3A_416 = arith.constant 6 : i32
    %dma_wait3A_417 = tpu.memref_slice %arg5[%dma_wait3A_416] : memref<8x!tpu.dma_semaphore, #tpu.memory_space<semaphore_mem>> -> memref<1x!tpu.dma_semaphore, #tpu.memory_space<semaphore_mem>>
    %dma_wait3A_418 = tpu.memref_squeeze %dma_wait3A_417 : memref<1x!tpu.dma_semaphore, #tpu.memory_space<semaphore_mem>> -> memref<!tpu.dma_semaphore, #tpu.memory_space<semaphore_mem>>
    %dma_wait3A_419 = arith.constant 0 : i32
    %dma_wait3A_420 = arith.constant 0 : i32
    %dma_wait3A_421 = tpu.memref_slice %arg2[%dma_wait3A_415, %dma_wait3A_419, %dma_wait3A_420] : memref<8x2048x128xf32, #tpu.memory_space<vmem>> -> memref<1x2048x128xf32, #tpu.memory_space<vmem>>
    %dma_wait3A_422 = tpu.memref_squeeze %dma_wait3A_421 : memref<1x2048x128xf32, #tpu.memory_space<vmem>> -> memref<2048x128xf32, #tpu.memory_space<vmem>>
    %dma_wait3A_423 = arith.constant 0 : i32
    %dma_wait3A_424 = arith.constant 0 : i32
    %dma_wait3A_425 = tpu.memref_slice %arg0[%dma_wait3A_414, %dma_wait3A_423, %dma_wait3A_424] : memref<16x2048x1024xf32, #tpu.memory_space<any>> -> memref<1x2048x128xf32, #tpu.memory_space<any>>
    %dma_wait3A_426 = tpu.memref_squeeze %dma_wait3A_425 : memref<1x2048x128xf32, #tpu.memory_space<any>> -> memref<2048x128xf32, #tpu.memory_space<any>>
    tpu.wait_dma2 semaphore(%dma_wait3A_418 : memref<!tpu.dma_semaphore, #tpu.memory_space<semaphore_mem>>) src(%dma_wait3A_426 : memref<2048x128xf32, #tpu.memory_space<any>>) dst(%dma_wait3A_422 : memref<2048x128xf32, #tpu.memory_space<vmem>>)
    %get3A_427 = arith.constant 6 : index
    %get3A_428 = arith.constant 0 : index
    %get3A_429 = arith.constant 0 : index
    %get3A_430 = vector.load %arg2[%get3A_427, %get3A_428, %get3A_429] : memref<8x2048x128xf32, #tpu.memory_space<vmem>>, vector<1x2048x128xf32>
    %get3A_431 = vector.shape_cast %get3A_430 : vector<1x2048x128xf32> to vector<2048x128xf32>
    %abs3A_432 = math.absf %get3A_431 : vector<2048x128xf32>
    %reduce_max3A_433 = arith.constant dense<0xFF800000> : vector<2048xf32>
    %reduce_max3A_434 = vector.multi_reduction <maximumf>, %abs3A_432, %reduce_max3A_433 [1] : vector<2048x128xf32> to vector<2048xf32>
    %broadcast_in_dim3A_435 = vector.shape_cast %reduce_max3A_434 : vector<2048xf32> to vector<2048x1xf32>
    %gt3A_436 = arith.constant 0.000000e+00 : f32
    %gt3A_437 = vector.broadcast %gt3A_436 : f32 to vector<2048x1xf32>
    %gt3A_438 = arith.cmpf ogt, %broadcast_in_dim3A_435, %gt3A_437 : vector<2048x1xf32>
    %convert_element_type3A_439 = arith.extui %gt3A_438 : vector<2048x1xi1> to vector<2048x1xi32>
    %reduce_sum3A_440 = vector.shape_cast %convert_element_type3A_439 : vector<2048x1xi32> to vector<1x2048x1xi32>
    %reduce_sum3A_441 = arith.constant dense<0> : vector<1xi32>
    %reduce_sum3A_442 = vector.multi_reduction <add>, %reduce_sum3A_440, %reduce_sum3A_441 [1, 2] : vector<1x2048x1xi32> to vector<1xi32>
    %reduce_sum3A_443 = vector.shape_cast %reduce_sum3A_442 : vector<1xi32> to vector<1x1x1xi32>
    %reduce_sum3A_444 = vector.extract %reduce_sum3A_443[0, 0, 0] : i32 from vector<1x1x1xi32>
    %sub3A_445 = arith.constant 1 : i32
    %sub3A_446 = arith.subi %reduce_sum3A_444, %sub3A_445 : i32
    %max3A_447 = arith.constant 0 : i32
    %max3A_448 = arith.maxsi %sub3A_446, %max3A_447 : i32
    %swap3A_449 = arith.constant 6 : index
    %swap3A_450 = memref.load %arg4[%swap3A_449] : memref<8xi32, #tpu.memory_space<smem>>
    memref.store %max3A_448, %arg4[%swap3A_449] : memref<8xi32, #tpu.memory_space<smem>>
    %lt3A_451 = arith.constant 2048 : i32
    %lt3A_452 = arith.cmpi slt, %reduce_sum3A_444, %lt3A_451 : i32
    %convert_element_type3A_453 = arith.extui %lt3A_452 : i1 to i32
    %cond3A_454 = arith.constant 0 : i32
    %cond3A_455 = arith.cmpi ne, %convert_element_type3A_453, %cond3A_454 : i32
    scf.if %cond3A_455 {
      %dma_start3A_602 = arith.constant 14 : i32
      %dma_start3A_603 = arith.constant 0 : i32
      %dma_start3A_604 = arith.constant 0 : i32
      %dma_start3A_605 = tpu.memref_slice %arg0[%dma_start3A_602, %dma_start3A_603, %dma_start3A_604] : memref<16x2048x1024xf32, #tpu.memory_space<any>> -> memref<1x2048x1024xf32, #tpu.memory_space<any>>
      %dma_start3A_606 = tpu.memref_squeeze %dma_start3A_605 : memref<1x2048x1024xf32, #tpu.memory_space<any>> -> memref<2048x1024xf32, #tpu.memory_space<any>>
      tpu.enqueue_dma source(%dma_start3A_606 : memref<2048x1024xf32, #tpu.memory_space<any>>) target(%arg3 : memref<2048x1024xf32, #tpu.memory_space<vmem>>) target_semaphore(%arg6 : memref<!tpu.dma_semaphore, #tpu.memory_space<semaphore_mem>>)
      %dma_wait3A_607 = arith.constant 14 : i32
      %dma_wait3A_608 = arith.constant 0 : i32
      %dma_wait3A_609 = arith.constant 0 : i32
      %dma_wait3A_610 = tpu.memref_slice %arg0[%dma_wait3A_607, %dma_wait3A_608, %dma_wait3A_609] : memref<16x2048x1024xf32, #tpu.memory_space<any>> -> memref<1x2048x1024xf32, #tpu.memory_space<any>>
      %dma_wait3A_611 = tpu.memref_squeeze %dma_wait3A_610 : memref<1x2048x1024xf32, #tpu.memory_space<any>> -> memref<2048x1024xf32, #tpu.memory_space<any>>
      tpu.wait_dma2 semaphore(%arg6 : memref<!tpu.dma_semaphore, #tpu.memory_space<semaphore_mem>>) src(%dma_wait3A_611 : memref<2048x1024xf32, #tpu.memory_space<any>>) dst(%arg3 : memref<2048x1024xf32, #tpu.memory_space<vmem>>)
      %get3A_612 = arith.constant 0 : index
      %get3A_613 = arith.constant 0 : index
      %get3A_614 = vector.load %arg3[%get3A_612, %get3A_613] : memref<2048x1024xf32, #tpu.memory_space<vmem>>, vector<2048x1024xf32>
      %abs3A_615 = math.absf %get3A_614 : vector<2048x1024xf32>
      %reduce_max3A_616 = arith.constant dense<0xFF800000> : vector<2048xf32>
      %reduce_max3A_617 = vector.multi_reduction <maximumf>, %abs3A_615, %reduce_max3A_616 [1] : vector<2048x1024xf32> to vector<2048xf32>
      %broadcast_in_dim3A_618 = vector.shape_cast %reduce_max3A_617 : vector<2048xf32> to vector<2048x1xf32>
      %gt3A_619 = arith.constant 0.000000e+00 : f32
      %gt3A_620 = vector.broadcast %gt3A_619 : f32 to vector<2048x1xf32>
      %gt3A_621 = arith.cmpf ogt, %broadcast_in_dim3A_618, %gt3A_620 : vector<2048x1xf32>
      %convert_element_type3A_622 = arith.extui %gt3A_621 : vector<2048x1xi1> to vector<2048x1xi32>
      %reduce_sum3A_623 = vector.shape_cast %convert_element_type3A_622 : vector<2048x1xi32> to vector<1x2048x1xi32>
      %reduce_sum3A_624 = arith.constant dense<0> : vector<1xi32>
      %reduce_sum3A_625 = vector.multi_reduction <add>, %reduce_sum3A_623, %reduce_sum3A_624 [1, 2] : vector<1x2048x1xi32> to vector<1xi32>
      %reduce_sum3A_626 = vector.shape_cast %reduce_sum3A_625 : vector<1xi32> to vector<1x1x1xi32>
      %reduce_sum3A_627 = vector.extract %reduce_sum3A_626[0, 0, 0] : i32 from vector<1x1x1xi32>
      %sub3A_628 = arith.constant 1 : i32
      %sub3A_629 = arith.subi %reduce_sum3A_627, %sub3A_628 : i32
      %max3A_630 = arith.constant 0 : i32
      %max3A_631 = arith.maxsi %sub3A_629, %max3A_630 : i32
      %swap3A_632 = arith.constant 6 : index
      %swap3A_633 = memref.load %arg4[%swap3A_632] : memref<8xi32, #tpu.memory_space<smem>>
      memref.store %max3A_631, %arg4[%swap3A_632] : memref<8xi32, #tpu.memory_space<smem>>
    } else {
    }
    %get3A_456 = arith.constant 6 : index
    %get3A_457 = memref.load %arg4[%get3A_456] : memref<8xi32, #tpu.memory_space<smem>>
    %dma_start3A_458 = arith.constant 14 : i32
    %dma_start3A_459 = arith.constant 6 : i32
    %dma_start3A_460 = tpu.memref_slice %arg7[%dma_start3A_459] : memref<8x!tpu.dma_semaphore, #tpu.memory_space<semaphore_mem>> -> memref<1x!tpu.dma_semaphore, #tpu.memory_space<semaphore_mem>>
    %dma_start3A_461 = tpu.memref_squeeze %dma_start3A_460 : memref<1x!tpu.dma_semaphore, #tpu.memory_space<semaphore_mem>> -> memref<!tpu.dma_semaphore, #tpu.memory_space<semaphore_mem>>
    %dma_start3A_462 = arith.constant 6 : i32
    %dma_start3A_463 = arith.constant 0 : i32
    %dma_start3A_464 = tpu.memref_slice %arg1[%dma_start3A_462, %dma_start3A_463] : memref<8x1024xf32, #tpu.memory_space<vmem>> -> memref<1x1024xf32, #tpu.memory_space<vmem>>
    %dma_start3A_465 = arith.constant 0 : i32
    %dma_start3A_466 = tpu.memref_slice %arg0[%dma_start3A_458, %get3A_457, %dma_start3A_465] : memref<16x2048x1024xf32, #tpu.memory_space<any>> -> memref<1x1x1024xf32, #tpu.memory_space<any>>
    %dma_start3A_467 = tpu.memref_squeeze %dma_start3A_466 : memref<1x1x1024xf32, #tpu.memory_space<any>> -> memref<1x1024xf32, #tpu.memory_space<any>>
    tpu.enqueue_dma source(%dma_start3A_467 : memref<1x1024xf32, #tpu.memory_space<any>>) target(%dma_start3A_464 : memref<1x1024xf32, #tpu.memory_space<vmem>>) target_semaphore(%dma_start3A_461 : memref<!tpu.dma_semaphore, #tpu.memory_space<semaphore_mem>>)
    %dma_wait3A_468 = arith.constant 15 : i32
    %dma_wait3A_469 = arith.constant 7 : i32
    %dma_wait3A_470 = arith.constant 7 : i32
    %dma_wait3A_471 = tpu.memref_slice %arg5[%dma_wait3A_470] : memref<8x!tpu.dma_semaphore, #tpu.memory_space<semaphore_mem>> -> memref<1x!tpu.dma_semaphore, #tpu.memory_space<semaphore_mem>>
    %dma_wait3A_472 = tpu.memref_squeeze %dma_wait3A_471 : memref<1x!tpu.dma_semaphore, #tpu.memory_space<semaphore_mem>> -> memref<!tpu.dma_semaphore, #tpu.memory_space<semaphore_mem>>
    %dma_wait3A_473 = arith.constant 0 : i32
    %dma_wait3A_474 = arith.constant 0 : i32
    %dma_wait3A_475 = tpu.memref_slice %arg2[%dma_wait3A_469, %dma_wait3A_473, %dma_wait3A_474] : memref<8x2048x128xf32, #tpu.memory_space<vmem>> -> memref<1x2048x128xf32, #tpu.memory_space<vmem>>
    %dma_wait3A_476 = tpu.memref_squeeze %dma_wait3A_475 : memref<1x2048x128xf32, #tpu.memory_space<vmem>> -> memref<2048x128xf32, #tpu.memory_space<vmem>>
    %dma_wait3A_477 = arith.constant 0 : i32
    %dma_wait3A_478 = arith.constant 0 : i32
    %dma_wait3A_479 = tpu.memref_slice %arg0[%dma_wait3A_468, %dma_wait3A_477, %dma_wait3A_478] : memref<16x2048x1024xf32, #tpu.memory_space<any>> -> memref<1x2048x128xf32, #tpu.memory_space<any>>
    %dma_wait3A_480 = tpu.memref_squeeze %dma_wait3A_479 : memref<1x2048x128xf32, #tpu.memory_space<any>> -> memref<2048x128xf32, #tpu.memory_space<any>>
    tpu.wait_dma2 semaphore(%dma_wait3A_472 : memref<!tpu.dma_semaphore, #tpu.memory_space<semaphore_mem>>) src(%dma_wait3A_480 : memref<2048x128xf32, #tpu.memory_space<any>>) dst(%dma_wait3A_476 : memref<2048x128xf32, #tpu.memory_space<vmem>>)
    %get3A_481 = arith.constant 7 : index
    %get3A_482 = arith.constant 0 : index
    %get3A_483 = arith.constant 0 : index
    %get3A_484 = vector.load %arg2[%get3A_481, %get3A_482, %get3A_483] : memref<8x2048x128xf32, #tpu.memory_space<vmem>>, vector<1x2048x128xf32>
    %get3A_485 = vector.shape_cast %get3A_484 : vector<1x2048x128xf32> to vector<2048x128xf32>
    %abs3A_486 = math.absf %get3A_485 : vector<2048x128xf32>
    %reduce_max3A_487 = arith.constant dense<0xFF800000> : vector<2048xf32>
    %reduce_max3A_488 = vector.multi_reduction <maximumf>, %abs3A_486, %reduce_max3A_487 [1] : vector<2048x128xf32> to vector<2048xf32>
    %broadcast_in_dim3A_489 = vector.shape_cast %reduce_max3A_488 : vector<2048xf32> to vector<2048x1xf32>
    %gt3A_490 = arith.constant 0.000000e+00 : f32
    %gt3A_491 = vector.broadcast %gt3A_490 : f32 to vector<2048x1xf32>
    %gt3A_492 = arith.cmpf ogt, %broadcast_in_dim3A_489, %gt3A_491 : vector<2048x1xf32>
    %convert_element_type3A_493 = arith.extui %gt3A_492 : vector<2048x1xi1> to vector<2048x1xi32>
    %reduce_sum3A_494 = vector.shape_cast %convert_element_type3A_493 : vector<2048x1xi32> to vector<1x2048x1xi32>
    %reduce_sum3A_495 = arith.constant dense<0> : vector<1xi32>
    %reduce_sum3A_496 = vector.multi_reduction <add>, %reduce_sum3A_494, %reduce_sum3A_495 [1, 2] : vector<1x2048x1xi32> to vector<1xi32>
    %reduce_sum3A_497 = vector.shape_cast %reduce_sum3A_496 : vector<1xi32> to vector<1x1x1xi32>
    %reduce_sum3A_498 = vector.extract %reduce_sum3A_497[0, 0, 0] : i32 from vector<1x1x1xi32>
    %sub3A_499 = arith.constant 1 : i32
    %sub3A_500 = arith.subi %reduce_sum3A_498, %sub3A_499 : i32
    %max3A_501 = arith.constant 0 : i32
    %max3A_502 = arith.maxsi %sub3A_500, %max3A_501 : i32
    %swap3A_503 = arith.constant 7 : index
    %swap3A_504 = memref.load %arg4[%swap3A_503] : memref<8xi32, #tpu.memory_space<smem>>
    memref.store %max3A_502, %arg4[%swap3A_503] : memref<8xi32, #tpu.memory_space<smem>>
    %lt3A_505 = arith.constant 2048 : i32
    %lt3A_506 = arith.cmpi slt, %reduce_sum3A_498, %lt3A_505 : i32
    %convert_element_type3A_507 = arith.extui %lt3A_506 : i1 to i32
    %cond3A_508 = arith.constant 0 : i32
    %cond3A_509 = arith.cmpi ne, %convert_element_type3A_507, %cond3A_508 : i32
    scf.if %cond3A_509 {
      %dma_start3A_602 = arith.constant 15 : i32
      %dma_start3A_603 = arith.constant 0 : i32
      %dma_start3A_604 = arith.constant 0 : i32
      %dma_start3A_605 = tpu.memref_slice %arg0[%dma_start3A_602, %dma_start3A_603, %dma_start3A_604] : memref<16x2048x1024xf32, #tpu.memory_space<any>> -> memref<1x2048x1024xf32, #tpu.memory_space<any>>
      %dma_start3A_606 = tpu.memref_squeeze %dma_start3A_605 : memref<1x2048x1024xf32, #tpu.memory_space<any>> -> memref<2048x1024xf32, #tpu.memory_space<any>>
      tpu.enqueue_dma source(%dma_start3A_606 : memref<2048x1024xf32, #tpu.memory_space<any>>) target(%arg3 : memref<2048x1024xf32, #tpu.memory_space<vmem>>) target_semaphore(%arg6 : memref<!tpu.dma_semaphore, #tpu.memory_space<semaphore_mem>>)
      %dma_wait3A_607 = arith.constant 15 : i32
      %dma_wait3A_608 = arith.constant 0 : i32
      %dma_wait3A_609 = arith.constant 0 : i32
      %dma_wait3A_610 = tpu.memref_slice %arg0[%dma_wait3A_607, %dma_wait3A_608, %dma_wait3A_609] : memref<16x2048x1024xf32, #tpu.memory_space<any>> -> memref<1x2048x1024xf32, #tpu.memory_space<any>>
      %dma_wait3A_611 = tpu.memref_squeeze %dma_wait3A_610 : memref<1x2048x1024xf32, #tpu.memory_space<any>> -> memref<2048x1024xf32, #tpu.memory_space<any>>
      tpu.wait_dma2 semaphore(%arg6 : memref<!tpu.dma_semaphore, #tpu.memory_space<semaphore_mem>>) src(%dma_wait3A_611 : memref<2048x1024xf32, #tpu.memory_space<any>>) dst(%arg3 : memref<2048x1024xf32, #tpu.memory_space<vmem>>)
      %get3A_612 = arith.constant 0 : index
      %get3A_613 = arith.constant 0 : index
      %get3A_614 = vector.load %arg3[%get3A_612, %get3A_613] : memref<2048x1024xf32, #tpu.memory_space<vmem>>, vector<2048x1024xf32>
      %abs3A_615 = math.absf %get3A_614 : vector<2048x1024xf32>
      %reduce_max3A_616 = arith.constant dense<0xFF800000> : vector<2048xf32>
      %reduce_max3A_617 = vector.multi_reduction <maximumf>, %abs3A_615, %reduce_max3A_616 [1] : vector<2048x1024xf32> to vector<2048xf32>
      %broadcast_in_dim3A_618 = vector.shape_cast %reduce_max3A_617 : vector<2048xf32> to vector<2048x1xf32>
      %gt3A_619 = arith.constant 0.000000e+00 : f32
      %gt3A_620 = vector.broadcast %gt3A_619 : f32 to vector<2048x1xf32>
      %gt3A_621 = arith.cmpf ogt, %broadcast_in_dim3A_618, %gt3A_620 : vector<2048x1xf32>
      %convert_element_type3A_622 = arith.extui %gt3A_621 : vector<2048x1xi1> to vector<2048x1xi32>
      %reduce_sum3A_623 = vector.shape_cast %convert_element_type3A_622 : vector<2048x1xi32> to vector<1x2048x1xi32>
      %reduce_sum3A_624 = arith.constant dense<0> : vector<1xi32>
      %reduce_sum3A_625 = vector.multi_reduction <add>, %reduce_sum3A_623, %reduce_sum3A_624 [1, 2] : vector<1x2048x1xi32> to vector<1xi32>
      %reduce_sum3A_626 = vector.shape_cast %reduce_sum3A_625 : vector<1xi32> to vector<1x1x1xi32>
      %reduce_sum3A_627 = vector.extract %reduce_sum3A_626[0, 0, 0] : i32 from vector<1x1x1xi32>
      %sub3A_628 = arith.constant 1 : i32
      %sub3A_629 = arith.subi %reduce_sum3A_627, %sub3A_628 : i32
      %max3A_630 = arith.constant 0 : i32
      %max3A_631 = arith.maxsi %sub3A_629, %max3A_630 : i32
      %swap3A_632 = arith.constant 7 : index
      %swap3A_633 = memref.load %arg4[%swap3A_632] : memref<8xi32, #tpu.memory_space<smem>>
      memref.store %max3A_631, %arg4[%swap3A_632] : memref<8xi32, #tpu.memory_space<smem>>
    } else {
    }
    %get3A_510 = arith.constant 7 : index
    %get3A_511 = memref.load %arg4[%get3A_510] : memref<8xi32, #tpu.memory_space<smem>>
    %dma_start3A_512 = arith.constant 15 : i32
    %dma_start3A_513 = arith.constant 7 : i32
    %dma_start3A_514 = tpu.memref_slice %arg7[%dma_start3A_513] : memref<8x!tpu.dma_semaphore, #tpu.memory_space<semaphore_mem>> -> memref<1x!tpu.dma_semaphore, #tpu.memory_space<semaphore_mem>>
    %dma_start3A_515 = tpu.memref_squeeze %dma_start3A_514 : memref<1x!tpu.dma_semaphore, #tpu.memory_space<semaphore_mem>> -> memref<!tpu.dma_semaphore, #tpu.memory_space<semaphore_mem>>
    %dma_start3A_516 = arith.constant 7 : i32
    %dma_start3A_517 = arith.constant 0 : i32
    %dma_start3A_518 = tpu.memref_slice %arg1[%dma_start3A_516, %dma_start3A_517] : memref<8x1024xf32, #tpu.memory_space<vmem>> -> memref<1x1024xf32, #tpu.memory_space<vmem>>
    %dma_start3A_519 = arith.constant 0 : i32
    %dma_start3A_520 = tpu.memref_slice %arg0[%dma_start3A_512, %get3A_511, %dma_start3A_519] : memref<16x2048x1024xf32, #tpu.memory_space<any>> -> memref<1x1x1024xf32, #tpu.memory_space<any>>
    %dma_start3A_521 = tpu.memref_squeeze %dma_start3A_520 : memref<1x1x1024xf32, #tpu.memory_space<any>> -> memref<1x1024xf32, #tpu.memory_space<any>>
    tpu.enqueue_dma source(%dma_start3A_521 : memref<1x1024xf32, #tpu.memory_space<any>>) target(%dma_start3A_518 : memref<1x1024xf32, #tpu.memory_space<vmem>>) target_semaphore(%dma_start3A_515 : memref<!tpu.dma_semaphore, #tpu.memory_space<semaphore_mem>>)
    %dma_wait3A_522 = arith.constant 8 : i32
    %dma_wait3A_523 = arith.constant 0 : i32
    %dma_wait3A_524 = tpu.memref_slice %arg7[%dma_wait3A_523] : memref<8x!tpu.dma_semaphore, #tpu.memory_space<semaphore_mem>> -> memref<1x!tpu.dma_semaphore, #tpu.memory_space<semaphore_mem>>
    %dma_wait3A_525 = tpu.memref_squeeze %dma_wait3A_524 : memref<1x!tpu.dma_semaphore, #tpu.memory_space<semaphore_mem>> -> memref<!tpu.dma_semaphore, #tpu.memory_space<semaphore_mem>>
    %dma_wait3A_526 = arith.constant 0 : i32
    %dma_wait3A_527 = arith.constant 0 : i32
    %dma_wait3A_528 = tpu.memref_slice %arg1[%dma_wait3A_526, %dma_wait3A_527] : memref<8x1024xf32, #tpu.memory_space<vmem>> -> memref<1x1024xf32, #tpu.memory_space<vmem>>
    %dma_wait3A_529 = arith.constant 0 : i32
    %dma_wait3A_530 = tpu.memref_slice %arg0[%dma_wait3A_522, %get3A_133, %dma_wait3A_529] : memref<16x2048x1024xf32, #tpu.memory_space<any>> -> memref<1x1x1024xf32, #tpu.memory_space<any>>
    %dma_wait3A_531 = tpu.memref_squeeze %dma_wait3A_530 : memref<1x1x1024xf32, #tpu.memory_space<any>> -> memref<1x1024xf32, #tpu.memory_space<any>>
    tpu.wait_dma2 semaphore(%dma_wait3A_525 : memref<!tpu.dma_semaphore, #tpu.memory_space<semaphore_mem>>) src(%dma_wait3A_531 : memref<1x1024xf32, #tpu.memory_space<any>>) dst(%dma_wait3A_528 : memref<1x1024xf32, #tpu.memory_space<vmem>>)
    %dma_wait3A_532 = arith.constant 9 : i32
    %dma_wait3A_533 = arith.constant 1 : i32
    %dma_wait3A_534 = tpu.memref_slice %arg7[%dma_wait3A_533] : memref<8x!tpu.dma_semaphore, #tpu.memory_space<semaphore_mem>> -> memref<1x!tpu.dma_semaphore, #tpu.memory_space<semaphore_mem>>
    %dma_wait3A_535 = tpu.memref_squeeze %dma_wait3A_534 : memref<1x!tpu.dma_semaphore, #tpu.memory_space<semaphore_mem>> -> memref<!tpu.dma_semaphore, #tpu.memory_space<semaphore_mem>>
    %dma_wait3A_536 = arith.constant 1 : i32
    %dma_wait3A_537 = arith.constant 0 : i32
    %dma_wait3A_538 = tpu.memref_slice %arg1[%dma_wait3A_536, %dma_wait3A_537] : memref<8x1024xf32, #tpu.memory_space<vmem>> -> memref<1x1024xf32, #tpu.memory_space<vmem>>
    %dma_wait3A_539 = arith.constant 0 : i32
    %dma_wait3A_540 = tpu.memref_slice %arg0[%dma_wait3A_532, %get3A_187, %dma_wait3A_539] : memref<16x2048x1024xf32, #tpu.memory_space<any>> -> memref<1x1x1024xf32, #tpu.memory_space<any>>
    %dma_wait3A_541 = tpu.memref_squeeze %dma_wait3A_540 : memref<1x1x1024xf32, #tpu.memory_space<any>> -> memref<1x1024xf32, #tpu.memory_space<any>>
    tpu.wait_dma2 semaphore(%dma_wait3A_535 : memref<!tpu.dma_semaphore, #tpu.memory_space<semaphore_mem>>) src(%dma_wait3A_541 : memref<1x1024xf32, #tpu.memory_space<any>>) dst(%dma_wait3A_538 : memref<1x1024xf32, #tpu.memory_space<vmem>>)
    %dma_wait3A_542 = arith.constant 10 : i32
    %dma_wait3A_543 = arith.constant 2 : i32
    %dma_wait3A_544 = tpu.memref_slice %arg7[%dma_wait3A_543] : memref<8x!tpu.dma_semaphore, #tpu.memory_space<semaphore_mem>> -> memref<1x!tpu.dma_semaphore, #tpu.memory_space<semaphore_mem>>
    %dma_wait3A_545 = tpu.memref_squeeze %dma_wait3A_544 : memref<1x!tpu.dma_semaphore, #tpu.memory_space<semaphore_mem>> -> memref<!tpu.dma_semaphore, #tpu.memory_space<semaphore_mem>>
    %dma_wait3A_546 = arith.constant 2 : i32
    %dma_wait3A_547 = arith.constant 0 : i32
    %dma_wait3A_548 = tpu.memref_slice %arg1[%dma_wait3A_546, %dma_wait3A_547] : memref<8x1024xf32, #tpu.memory_space<vmem>> -> memref<1x1024xf32, #tpu.memory_space<vmem>>
    %dma_wait3A_549 = arith.constant 0 : i32
    %dma_wait3A_550 = tpu.memref_slice %arg0[%dma_wait3A_542, %get3A_241, %dma_wait3A_549] : memref<16x2048x1024xf32, #tpu.memory_space<any>> -> memref<1x1x1024xf32, #tpu.memory_space<any>>
    %dma_wait3A_551 = tpu.memref_squeeze %dma_wait3A_550 : memref<1x1x1024xf32, #tpu.memory_space<any>> -> memref<1x1024xf32, #tpu.memory_space<any>>
    tpu.wait_dma2 semaphore(%dma_wait3A_545 : memref<!tpu.dma_semaphore, #tpu.memory_space<semaphore_mem>>) src(%dma_wait3A_551 : memref<1x1024xf32, #tpu.memory_space<any>>) dst(%dma_wait3A_548 : memref<1x1024xf32, #tpu.memory_space<vmem>>)
    %dma_wait3A_552 = arith.constant 11 : i32
    %dma_wait3A_553 = arith.constant 3 : i32
    %dma_wait3A_554 = tpu.memref_slice %arg7[%dma_wait3A_553] : memref<8x!tpu.dma_semaphore, #tpu.memory_space<semaphore_mem>> -> memref<1x!tpu.dma_semaphore, #tpu.memory_space<semaphore_mem>>
    %dma_wait3A_555 = tpu.memref_squeeze %dma_wait3A_554 : memref<1x!tpu.dma_semaphore, #tpu.memory_space<semaphore_mem>> -> memref<!tpu.dma_semaphore, #tpu.memory_space<semaphore_mem>>
    %dma_wait3A_556 = arith.constant 3 : i32
    %dma_wait3A_557 = arith.constant 0 : i32
    %dma_wait3A_558 = tpu.memref_slice %arg1[%dma_wait3A_556, %dma_wait3A_557] : memref<8x1024xf32, #tpu.memory_space<vmem>> -> memref<1x1024xf32, #tpu.memory_space<vmem>>
    %dma_wait3A_559 = arith.constant 0 : i32
    %dma_wait3A_560 = tpu.memref_slice %arg0[%dma_wait3A_552, %get3A_295, %dma_wait3A_559] : memref<16x2048x1024xf32, #tpu.memory_space<any>> -> memref<1x1x1024xf32, #tpu.memory_space<any>>
    %dma_wait3A_561 = tpu.memref_squeeze %dma_wait3A_560 : memref<1x1x1024xf32, #tpu.memory_space<any>> -> memref<1x1024xf32, #tpu.memory_space<any>>
    tpu.wait_dma2 semaphore(%dma_wait3A_555 : memref<!tpu.dma_semaphore, #tpu.memory_space<semaphore_mem>>) src(%dma_wait3A_561 : memref<1x1024xf32, #tpu.memory_space<any>>) dst(%dma_wait3A_558 : memref<1x1024xf32, #tpu.memory_space<vmem>>)
    %dma_wait3A_562 = arith.constant 12 : i32
    %dma_wait3A_563 = arith.constant 4 : i32
    %dma_wait3A_564 = tpu.memref_slice %arg7[%dma_wait3A_563] : memref<8x!tpu.dma_semaphore, #tpu.memory_space<semaphore_mem>> -> memref<1x!tpu.dma_semaphore, #tpu.memory_space<semaphore_mem>>
    %dma_wait3A_565 = tpu.memref_squeeze %dma_wait3A_564 : memref<1x!tpu.dma_semaphore, #tpu.memory_space<semaphore_mem>> -> memref<!tpu.dma_semaphore, #tpu.memory_space<semaphore_mem>>
    %dma_wait3A_566 = arith.constant 4 : i32
    %dma_wait3A_567 = arith.constant 0 : i32
    %dma_wait3A_568 = tpu.memref_slice %arg1[%dma_wait3A_566, %dma_wait3A_567] : memref<8x1024xf32, #tpu.memory_space<vmem>> -> memref<1x1024xf32, #tpu.memory_space<vmem>>
    %dma_wait3A_569 = arith.constant 0 : i32
    %dma_wait3A_570 = tpu.memref_slice %arg0[%dma_wait3A_562, %get3A_349, %dma_wait3A_569] : memref<16x2048x1024xf32, #tpu.memory_space<any>> -> memref<1x1x1024xf32, #tpu.memory_space<any>>
    %dma_wait3A_571 = tpu.memref_squeeze %dma_wait3A_570 : memref<1x1x1024xf32, #tpu.memory_space<any>> -> memref<1x1024xf32, #tpu.memory_space<any>>
    tpu.wait_dma2 semaphore(%dma_wait3A_565 : memref<!tpu.dma_semaphore, #tpu.memory_space<semaphore_mem>>) src(%dma_wait3A_571 : memref<1x1024xf32, #tpu.memory_space<any>>) dst(%dma_wait3A_568 : memref<1x1024xf32, #tpu.memory_space<vmem>>)
    %dma_wait3A_572 = arith.constant 13 : i32
    %dma_wait3A_573 = arith.constant 5 : i32
    %dma_wait3A_574 = tpu.memref_slice %arg7[%dma_wait3A_573] : memref<8x!tpu.dma_semaphore, #tpu.memory_space<semaphore_mem>> -> memref<1x!tpu.dma_semaphore, #tpu.memory_space<semaphore_mem>>
    %dma_wait3A_575 = tpu.memref_squeeze %dma_wait3A_574 : memref<1x!tpu.dma_semaphore, #tpu.memory_space<semaphore_mem>> -> memref<!tpu.dma_semaphore, #tpu.memory_space<semaphore_mem>>
    %dma_wait3A_576 = arith.constant 5 : i32
    %dma_wait3A_577 = arith.constant 0 : i32
    %dma_wait3A_578 = tpu.memref_slice %arg1[%dma_wait3A_576, %dma_wait3A_577] : memref<8x1024xf32, #tpu.memory_space<vmem>> -> memref<1x1024xf32, #tpu.memory_space<vmem>>
    %dma_wait3A_579 = arith.constant 0 : i32
    %dma_wait3A_580 = tpu.memref_slice %arg0[%dma_wait3A_572, %get3A_403, %dma_wait3A_579] : memref<16x2048x1024xf32, #tpu.memory_space<any>> -> memref<1x1x1024xf32, #tpu.memory_space<any>>
    %dma_wait3A_581 = tpu.memref_squeeze %dma_wait3A_580 : memref<1x1x1024xf32, #tpu.memory_space<any>> -> memref<1x1024xf32, #tpu.memory_space<any>>
    tpu.wait_dma2 semaphore(%dma_wait3A_575 : memref<!tpu.dma_semaphore, #tpu.memory_space<semaphore_mem>>) src(%dma_wait3A_581 : memref<1x1024xf32, #tpu.memory_space<any>>) dst(%dma_wait3A_578 : memref<1x1024xf32, #tpu.memory_space<vmem>>)
    %dma_wait3A_582 = arith.constant 14 : i32
    %dma_wait3A_583 = arith.constant 6 : i32
    %dma_wait3A_584 = tpu.memref_slice %arg7[%dma_wait3A_583] : memref<8x!tpu.dma_semaphore, #tpu.memory_space<semaphore_mem>> -> memref<1x!tpu.dma_semaphore, #tpu.memory_space<semaphore_mem>>
    %dma_wait3A_585 = tpu.memref_squeeze %dma_wait3A_584 : memref<1x!tpu.dma_semaphore, #tpu.memory_space<semaphore_mem>> -> memref<!tpu.dma_semaphore, #tpu.memory_space<semaphore_mem>>
    %dma_wait3A_586 = arith.constant 6 : i32
    %dma_wait3A_587 = arith.constant 0 : i32
    %dma_wait3A_588 = tpu.memref_slice %arg1[%dma_wait3A_586, %dma_wait3A_587] : memref<8x1024xf32, #tpu.memory_space<vmem>> -> memref<1x1024xf32, #tpu.memory_space<vmem>>
    %dma_wait3A_589 = arith.constant 0 : i32
    %dma_wait3A_590 = tpu.memref_slice %arg0[%dma_wait3A_582, %get3A_457, %dma_wait3A_589] : memref<16x2048x1024xf32, #tpu.memory_space<any>> -> memref<1x1x1024xf32, #tpu.memory_space<any>>
    %dma_wait3A_591 = tpu.memref_squeeze %dma_wait3A_590 : memref<1x1x1024xf32, #tpu.memory_space<any>> -> memref<1x1024xf32, #tpu.memory_space<any>>
    tpu.wait_dma2 semaphore(%dma_wait3A_585 : memref<!tpu.dma_semaphore, #tpu.memory_space<semaphore_mem>>) src(%dma_wait3A_591 : memref<1x1024xf32, #tpu.memory_space<any>>) dst(%dma_wait3A_588 : memref<1x1024xf32, #tpu.memory_space<vmem>>)
    %dma_wait3A_592 = arith.constant 15 : i32
    %dma_wait3A_593 = arith.constant 7 : i32
    %dma_wait3A_594 = tpu.memref_slice %arg7[%dma_wait3A_593] : memref<8x!tpu.dma_semaphore, #tpu.memory_space<semaphore_mem>> -> memref<1x!tpu.dma_semaphore, #tpu.memory_space<semaphore_mem>>
    %dma_wait3A_595 = tpu.memref_squeeze %dma_wait3A_594 : memref<1x!tpu.dma_semaphore, #tpu.memory_space<semaphore_mem>> -> memref<!tpu.dma_semaphore, #tpu.memory_space<semaphore_mem>>
    %dma_wait3A_596 = arith.constant 7 : i32
    %dma_wait3A_597 = arith.constant 0 : i32
    %dma_wait3A_598 = tpu.memref_slice %arg1[%dma_wait3A_596, %dma_wait3A_597] : memref<8x1024xf32, #tpu.memory_space<vmem>> -> memref<1x1024xf32, #tpu.memory_space<vmem>>
    %dma_wait3A_599 = arith.constant 0 : i32
    %dma_wait3A_600 = tpu.memref_slice %arg0[%dma_wait3A_592, %get3A_511, %dma_wait3A_599] : memref<16x2048x1024xf32, #tpu.memory_space<any>> -> memref<1x1x1024xf32, #tpu.memory_space<any>>
    %dma_wait3A_601 = tpu.memref_squeeze %dma_wait3A_600 : memref<1x1x1024xf32, #tpu.memory_space<any>> -> memref<1x1024xf32, #tpu.memory_space<any>>
    tpu.wait_dma2 semaphore(%dma_wait3A_595 : memref<!tpu.dma_semaphore, #tpu.memory_space<semaphore_mem>>) src(%dma_wait3A_601 : memref<1x1024xf32, #tpu.memory_space<any>>) dst(%dma_wait3A_598 : memref<1x1024xf32, #tpu.memory_space<vmem>>)
    return
  }
}

module attributes {stable_mosaic.version = 14 : i64} {
  func.func @_tc_body(%arg0: memref<16x2048x1024xf32, #tpu.memory_space<any>>, %arg1: memref<8x1024xf32, #tpu.memory_space<vmem>>, %arg2: memref<8x2048x128xf32, #tpu.memory_space<vmem>>, %arg3: memref<2048x1024xf32, #tpu.memory_space<vmem>>, %arg4: memref<8xi32, #tpu.memory_space<smem>>, %arg5: memref<8x!tpu.dma_semaphore, #tpu.memory_space<semaphore_mem>>, %arg6: memref<!tpu.dma_semaphore, #tpu.memory_space<semaphore_mem>>, %arg7: memref<8x!tpu.dma_semaphore, #tpu.memory_space<semaphore_mem>>) attributes {dimension_semantics = [], scalar_prefetch = 0 : i64, scratch_operands = 6 : i64, tpu.core_type = #tpu.core_type<tc>} {
    %dma_start3A = arith.constant 0 : i32
    %dma_start3A_0 = arith.constant 0 : i32
    %dma_start3A_1 = arith.constant 0 : i32
    %dma_start3A_2 = tpu.memref_slice %arg5[%dma_start3A_1] : memref<8x!tpu.dma_semaphore, #tpu.memory_space<semaphore_mem>> -> memref<1x!tpu.dma_semaphore, #tpu.memory_space<semaphore_mem>>
    %dma_start3A_3 = tpu.memref_squeeze %dma_start3A_2 : memref<1x!tpu.dma_semaphore, #tpu.memory_space<semaphore_mem>> -> memref<!tpu.dma_semaphore, #tpu.memory_space<semaphore_mem>>
    %dma_start3A_4 = arith.constant 0 : i32
    %dma_start3A_5 = arith.constant 0 : i32
    %dma_start3A_6 = tpu.memref_slice %arg2[%dma_start3A_0, %dma_start3A_4, %dma_start3A_5] : memref<8x2048x128xf32, #tpu.memory_space<vmem>> -> memref<1x2048x128xf32, #tpu.memory_space<vmem>>
    %dma_start3A_7 = tpu.memref_squeeze %dma_start3A_6 : memref<1x2048x128xf32, #tpu.memory_space<vmem>> -> memref<2048x128xf32, #tpu.memory_space<vmem>>
    %dma_start3A_8 = arith.constant 0 : i32
    %dma_start3A_9 = arith.constant 0 : i32
    %dma_start3A_10 = tpu.memref_slice %arg0[%dma_start3A, %dma_start3A_8, %dma_start3A_9] : memref<16x2048x1024xf32, #tpu.memory_space<any>> -> memref<1x2048x128xf32, #tpu.memory_space<any>>
    %dma_start3A_11 = tpu.memref_squeeze %dma_start3A_10 : memref<1x2048x128xf32, #tpu.memory_space<any>> -> memref<2048x128xf32, #tpu.memory_space<any>>
    tpu.enqueue_dma source(%dma_start3A_11 : memref<2048x128xf32, #tpu.memory_space<any>>) target(%dma_start3A_7 : memref<2048x128xf32, #tpu.memory_space<vmem>>) target_semaphore(%dma_start3A_3 : memref<!tpu.dma_semaphore, #tpu.memory_space<semaphore_mem>>)
    %dma_start3A_12 = arith.constant 1 : i32
    %dma_start3A_13 = arith.constant 1 : i32
    %dma_start3A_14 = arith.constant 1 : i32
    %dma_start3A_15 = tpu.memref_slice %arg5[%dma_start3A_14] : memref<8x!tpu.dma_semaphore, #tpu.memory_space<semaphore_mem>> -> memref<1x!tpu.dma_semaphore, #tpu.memory_space<semaphore_mem>>
    %dma_start3A_16 = tpu.memref_squeeze %dma_start3A_15 : memref<1x!tpu.dma_semaphore, #tpu.memory_space<semaphore_mem>> -> memref<!tpu.dma_semaphore, #tpu.memory_space<semaphore_mem>>
    %dma_start3A_17 = arith.constant 0 : i32
    %dma_start3A_18 = arith.constant 0 : i32
    %dma_start3A_19 = tpu.memref_slice %arg2[%dma_start3A_13, %dma_start3A_17, %dma_start3A_18] : memref<8x2048x128xf32, #tpu.memory_space<vmem>> -> memref<1x2048x128xf32, #tpu.memory_space<vmem>>
    %dma_start3A_20 = tpu.memref_squeeze %dma_start3A_19 : memref<1x2048x128xf32, #tpu.memory_space<vmem>> -> memref<2048x128xf32, #tpu.memory_space<vmem>>
    %dma_start3A_21 = arith.constant 0 : i32
    %dma_start3A_22 = arith.constant 0 : i32
    %dma_start3A_23 = tpu.memref_slice %arg0[%dma_start3A_12, %dma_start3A_21, %dma_start3A_22] : memref<16x2048x1024xf32, #tpu.memory_space<any>> -> memref<1x2048x128xf32, #tpu.memory_space<any>>
    %dma_start3A_24 = tpu.memref_squeeze %dma_start3A_23 : memref<1x2048x128xf32, #tpu.memory_space<any>> -> memref<2048x128xf32, #tpu.memory_space<any>>
    tpu.enqueue_dma source(%dma_start3A_24 : memref<2048x128xf32, #tpu.memory_space<any>>) target(%dma_start3A_20 : memref<2048x128xf32, #tpu.memory_space<vmem>>) target_semaphore(%dma_start3A_16 : memref<!tpu.dma_semaphore, #tpu.memory_space<semaphore_mem>>)
    %dma_start3A_25 = arith.constant 2 : i32
    %dma_start3A_26 = arith.constant 2 : i32
    %dma_start3A_27 = arith.constant 2 : i32
    %dma_start3A_28 = tpu.memref_slice %arg5[%dma_start3A_27] : memref<8x!tpu.dma_semaphore, #tpu.memory_space<semaphore_mem>> -> memref<1x!tpu.dma_semaphore, #tpu.memory_space<semaphore_mem>>
    %dma_start3A_29 = tpu.memref_squeeze %dma_start3A_28 : memref<1x!tpu.dma_semaphore, #tpu.memory_space<semaphore_mem>> -> memref<!tpu.dma_semaphore, #tpu.memory_space<semaphore_mem>>
    %dma_start3A_30 = arith.constant 0 : i32
    %dma_start3A_31 = arith.constant 0 : i32
    %dma_start3A_32 = tpu.memref_slice %arg2[%dma_start3A_26, %dma_start3A_30, %dma_start3A_31] : memref<8x2048x128xf32, #tpu.memory_space<vmem>> -> memref<1x2048x128xf32, #tpu.memory_space<vmem>>
    %dma_start3A_33 = tpu.memref_squeeze %dma_start3A_32 : memref<1x2048x128xf32, #tpu.memory_space<vmem>> -> memref<2048x128xf32, #tpu.memory_space<vmem>>
    %dma_start3A_34 = arith.constant 0 : i32
    %dma_start3A_35 = arith.constant 0 : i32
    %dma_start3A_36 = tpu.memref_slice %arg0[%dma_start3A_25, %dma_start3A_34, %dma_start3A_35] : memref<16x2048x1024xf32, #tpu.memory_space<any>> -> memref<1x2048x128xf32, #tpu.memory_space<any>>
    %dma_start3A_37 = tpu.memref_squeeze %dma_start3A_36 : memref<1x2048x128xf32, #tpu.memory_space<any>> -> memref<2048x128xf32, #tpu.memory_space<any>>
    tpu.enqueue_dma source(%dma_start3A_37 : memref<2048x128xf32, #tpu.memory_space<any>>) target(%dma_start3A_33 : memref<2048x128xf32, #tpu.memory_space<vmem>>) target_semaphore(%dma_start3A_29 : memref<!tpu.dma_semaphore, #tpu.memory_space<semaphore_mem>>)
    %dma_start3A_38 = arith.constant 3 : i32
    %dma_start3A_39 = arith.constant 3 : i32
    %dma_start3A_40 = arith.constant 3 : i32
    %dma_start3A_41 = tpu.memref_slice %arg5[%dma_start3A_40] : memref<8x!tpu.dma_semaphore, #tpu.memory_space<semaphore_mem>> -> memref<1x!tpu.dma_semaphore, #tpu.memory_space<semaphore_mem>>
    %dma_start3A_42 = tpu.memref_squeeze %dma_start3A_41 : memref<1x!tpu.dma_semaphore, #tpu.memory_space<semaphore_mem>> -> memref<!tpu.dma_semaphore, #tpu.memory_space<semaphore_mem>>
    %dma_start3A_43 = arith.constant 0 : i32
    %dma_start3A_44 = arith.constant 0 : i32
    %dma_start3A_45 = tpu.memref_slice %arg2[%dma_start3A_39, %dma_start3A_43, %dma_start3A_44] : memref<8x2048x128xf32, #tpu.memory_space<vmem>> -> memref<1x2048x128xf32, #tpu.memory_space<vmem>>
    %dma_start3A_46 = tpu.memref_squeeze %dma_start3A_45 : memref<1x2048x128xf32, #tpu.memory_space<vmem>> -> memref<2048x128xf32, #tpu.memory_space<vmem>>
    %dma_start3A_47 = arith.constant 0 : i32
    %dma_start3A_48 = arith.constant 0 : i32
    %dma_start3A_49 = tpu.memref_slice %arg0[%dma_start3A_38, %dma_start3A_47, %dma_start3A_48] : memref<16x2048x1024xf32, #tpu.memory_space<any>> -> memref<1x2048x128xf32, #tpu.memory_space<any>>
    %dma_start3A_50 = tpu.memref_squeeze %dma_start3A_49 : memref<1x2048x128xf32, #tpu.memory_space<any>> -> memref<2048x128xf32, #tpu.memory_space<any>>
    tpu.enqueue_dma source(%dma_start3A_50 : memref<2048x128xf32, #tpu.memory_space<any>>) target(%dma_start3A_46 : memref<2048x128xf32, #tpu.memory_space<vmem>>) target_semaphore(%dma_start3A_42 : memref<!tpu.dma_semaphore, #tpu.memory_space<semaphore_mem>>)
    %dma_start3A_51 = arith.constant 4 : i32
    %dma_start3A_52 = arith.constant 4 : i32
    %dma_start3A_53 = arith.constant 4 : i32
    %dma_start3A_54 = tpu.memref_slice %arg5[%dma_start3A_53] : memref<8x!tpu.dma_semaphore, #tpu.memory_space<semaphore_mem>> -> memref<1x!tpu.dma_semaphore, #tpu.memory_space<semaphore_mem>>
    %dma_start3A_55 = tpu.memref_squeeze %dma_start3A_54 : memref<1x!tpu.dma_semaphore, #tpu.memory_space<semaphore_mem>> -> memref<!tpu.dma_semaphore, #tpu.memory_space<semaphore_mem>>
    %dma_start3A_56 = arith.constant 0 : i32
    %dma_start3A_57 = arith.constant 0 : i32
    %dma_start3A_58 = tpu.memref_slice %arg2[%dma_start3A_52, %dma_start3A_56, %dma_start3A_57] : memref<8x2048x128xf32, #tpu.memory_space<vmem>> -> memref<1x2048x128xf32, #tpu.memory_space<vmem>>
    %dma_start3A_59 = tpu.memref_squeeze %dma_start3A_58 : memref<1x2048x128xf32, #tpu.memory_space<vmem>> -> memref<2048x128xf32, #tpu.memory_space<vmem>>
    %dma_start3A_60 = arith.constant 0 : i32
    %dma_start3A_61 = arith.constant 0 : i32
    %dma_start3A_62 = tpu.memref_slice %arg0[%dma_start3A_51, %dma_start3A_60, %dma_start3A_61] : memref<16x2048x1024xf32, #tpu.memory_space<any>> -> memref<1x2048x128xf32, #tpu.memory_space<any>>
    %dma_start3A_63 = tpu.memref_squeeze %dma_start3A_62 : memref<1x2048x128xf32, #tpu.memory_space<any>> -> memref<2048x128xf32, #tpu.memory_space<any>>
    tpu.enqueue_dma source(%dma_start3A_63 : memref<2048x128xf32, #tpu.memory_space<any>>) target(%dma_start3A_59 : memref<2048x128xf32, #tpu.memory_space<vmem>>) target_semaphore(%dma_start3A_55 : memref<!tpu.dma_semaphore, #tpu.memory_space<semaphore_mem>>)
    %dma_start3A_64 = arith.constant 5 : i32
    %dma_start3A_65 = arith.constant 5 : i32
    %dma_start3A_66 = arith.constant 5 : i32
    %dma_start3A_67 = tpu.memref_slice %arg5[%dma_start3A_66] : memref<8x!tpu.dma_semaphore, #tpu.memory_space<semaphore_mem>> -> memref<1x!tpu.dma_semaphore, #tpu.memory_space<semaphore_mem>>
    %dma_start3A_68 = tpu.memref_squeeze %dma_start3A_67 : memref<1x!tpu.dma_semaphore, #tpu.memory_space<semaphore_mem>> -> memref<!tpu.dma_semaphore, #tpu.memory_space<semaphore_mem>>
    %dma_start3A_69 = arith.constant 0 : i32
    %dma_start3A_70 = arith.constant 0 : i32
    %dma_start3A_71 = tpu.memref_slice %arg2[%dma_start3A_65, %dma_start3A_69, %dma_start3A_70] : memref<8x2048x128xf32, #tpu.memory_space<vmem>> -> memref<1x2048x128xf32, #tpu.memory_space<vmem>>
    %dma_start3A_72 = tpu.memref_squeeze %dma_start3A_71 : memref<1x2048x128xf32, #tpu.memory_space<vmem>> -> memref<2048x128xf32, #tpu.memory_space<vmem>>
    %dma_start3A_73 = arith.constant 0 : i32
    %dma_start3A_74 = arith.constant 0 : i32
    %dma_start3A_75 = tpu.memref_slice %arg0[%dma_start3A_64, %dma_start3A_73, %dma_start3A_74] : memref<16x2048x1024xf32, #tpu.memory_space<any>> -> memref<1x2048x128xf32, #tpu.memory_space<any>>
    %dma_start3A_76 = tpu.memref_squeeze %dma_start3A_75 : memref<1x2048x128xf32, #tpu.memory_space<any>> -> memref<2048x128xf32, #tpu.memory_space<any>>
    tpu.enqueue_dma source(%dma_start3A_76 : memref<2048x128xf32, #tpu.memory_space<any>>) target(%dma_start3A_72 : memref<2048x128xf32, #tpu.memory_space<vmem>>) target_semaphore(%dma_start3A_68 : memref<!tpu.dma_semaphore, #tpu.memory_space<semaphore_mem>>)
    %dma_start3A_77 = arith.constant 6 : i32
    %dma_start3A_78 = arith.constant 6 : i32
    %dma_start3A_79 = arith.constant 6 : i32
    %dma_start3A_80 = tpu.memref_slice %arg5[%dma_start3A_79] : memref<8x!tpu.dma_semaphore, #tpu.memory_space<semaphore_mem>> -> memref<1x!tpu.dma_semaphore, #tpu.memory_space<semaphore_mem>>
    %dma_start3A_81 = tpu.memref_squeeze %dma_start3A_80 : memref<1x!tpu.dma_semaphore, #tpu.memory_space<semaphore_mem>> -> memref<!tpu.dma_semaphore, #tpu.memory_space<semaphore_mem>>
    %dma_start3A_82 = arith.constant 0 : i32
    %dma_start3A_83 = arith.constant 0 : i32
    %dma_start3A_84 = tpu.memref_slice %arg2[%dma_start3A_78, %dma_start3A_82, %dma_start3A_83] : memref<8x2048x128xf32, #tpu.memory_space<vmem>> -> memref<1x2048x128xf32, #tpu.memory_space<vmem>>
    %dma_start3A_85 = tpu.memref_squeeze %dma_start3A_84 : memref<1x2048x128xf32, #tpu.memory_space<vmem>> -> memref<2048x128xf32, #tpu.memory_space<vmem>>
    %dma_start3A_86 = arith.constant 0 : i32
    %dma_start3A_87 = arith.constant 0 : i32
    %dma_start3A_88 = tpu.memref_slice %arg0[%dma_start3A_77, %dma_start3A_86, %dma_start3A_87] : memref<16x2048x1024xf32, #tpu.memory_space<any>> -> memref<1x2048x128xf32, #tpu.memory_space<any>>
    %dma_start3A_89 = tpu.memref_squeeze %dma_start3A_88 : memref<1x2048x128xf32, #tpu.memory_space<any>> -> memref<2048x128xf32, #tpu.memory_space<any>>
    tpu.enqueue_dma source(%dma_start3A_89 : memref<2048x128xf32, #tpu.memory_space<any>>) target(%dma_start3A_85 : memref<2048x128xf32, #tpu.memory_space<vmem>>) target_semaphore(%dma_start3A_81 : memref<!tpu.dma_semaphore, #tpu.memory_space<semaphore_mem>>)
    %dma_start3A_90 = arith.constant 7 : i32
    %dma_start3A_91 = arith.constant 7 : i32
    %dma_start3A_92 = arith.constant 7 : i32
    %dma_start3A_93 = tpu.memref_slice %arg5[%dma_start3A_92] : memref<8x!tpu.dma_semaphore, #tpu.memory_space<semaphore_mem>> -> memref<1x!tpu.dma_semaphore, #tpu.memory_space<semaphore_mem>>
    %dma_start3A_94 = tpu.memref_squeeze %dma_start3A_93 : memref<1x!tpu.dma_semaphore, #tpu.memory_space<semaphore_mem>> -> memref<!tpu.dma_semaphore, #tpu.memory_space<semaphore_mem>>
    %dma_start3A_95 = arith.constant 0 : i32
    %dma_start3A_96 = arith.constant 0 : i32
    %dma_start3A_97 = tpu.memref_slice %arg2[%dma_start3A_91, %dma_start3A_95, %dma_start3A_96] : memref<8x2048x128xf32, #tpu.memory_space<vmem>> -> memref<1x2048x128xf32, #tpu.memory_space<vmem>>
    %dma_start3A_98 = tpu.memref_squeeze %dma_start3A_97 : memref<1x2048x128xf32, #tpu.memory_space<vmem>> -> memref<2048x128xf32, #tpu.memory_space<vmem>>
    %dma_start3A_99 = arith.constant 0 : i32
    %dma_start3A_100 = arith.constant 0 : i32
    %dma_start3A_101 = tpu.memref_slice %arg0[%dma_start3A_90, %dma_start3A_99, %dma_start3A_100] : memref<16x2048x1024xf32, #tpu.memory_space<any>> -> memref<1x2048x128xf32, #tpu.memory_space<any>>
    %dma_start3A_102 = tpu.memref_squeeze %dma_start3A_101 : memref<1x2048x128xf32, #tpu.memory_space<any>> -> memref<2048x128xf32, #tpu.memory_space<any>>
    tpu.enqueue_dma source(%dma_start3A_102 : memref<2048x128xf32, #tpu.memory_space<any>>) target(%dma_start3A_98 : memref<2048x128xf32, #tpu.memory_space<vmem>>) target_semaphore(%dma_start3A_94 : memref<!tpu.dma_semaphore, #tpu.memory_space<semaphore_mem>>)
    %dma_wait3A = arith.constant 0 : i32
    %dma_wait3A_103 = arith.constant 0 : i32
    %dma_wait3A_104 = arith.constant 0 : i32
    %dma_wait3A_105 = tpu.memref_slice %arg5[%dma_wait3A_104] : memref<8x!tpu.dma_semaphore, #tpu.memory_space<semaphore_mem>> -> memref<1x!tpu.dma_semaphore, #tpu.memory_space<semaphore_mem>>
    %dma_wait3A_106 = tpu.memref_squeeze %dma_wait3A_105 : memref<1x!tpu.dma_semaphore, #tpu.memory_space<semaphore_mem>> -> memref<!tpu.dma_semaphore, #tpu.memory_space<semaphore_mem>>
    %dma_wait3A_107 = arith.constant 0 : i32
    %dma_wait3A_108 = arith.constant 0 : i32
    %dma_wait3A_109 = tpu.memref_slice %arg2[%dma_wait3A_103, %dma_wait3A_107, %dma_wait3A_108] : memref<8x2048x128xf32, #tpu.memory_space<vmem>> -> memref<1x2048x128xf32, #tpu.memory_space<vmem>>
    %dma_wait3A_110 = tpu.memref_squeeze %dma_wait3A_109 : memref<1x2048x128xf32, #tpu.memory_space<vmem>> -> memref<2048x128xf32, #tpu.memory_space<vmem>>
    %dma_wait3A_111 = arith.constant 0 : i32
    %dma_wait3A_112 = arith.constant 0 : i32
    %dma_wait3A_113 = tpu.memref_slice %arg0[%dma_wait3A, %dma_wait3A_111, %dma_wait3A_112] : memref<16x2048x1024xf32, #tpu.memory_space<any>> -> memref<1x2048x128xf32, #tpu.memory_space<any>>
    %dma_wait3A_114 = tpu.memref_squeeze %dma_wait3A_113 : memref<1x2048x128xf32, #tpu.memory_space<any>> -> memref<2048x128xf32, #tpu.memory_space<any>>
    tpu.wait_dma2 semaphore(%dma_wait3A_106 : memref<!tpu.dma_semaphore, #tpu.memory_space<semaphore_mem>>) src(%dma_wait3A_114 : memref<2048x128xf32, #tpu.memory_space<any>>) dst(%dma_wait3A_110 : memref<2048x128xf32, #tpu.memory_space<vmem>>)
    %get3A = arith.constant 0 : index
    %get3A_115 = arith.constant 0 : index
    %get3A_116 = arith.constant 0 : index
    %get3A_117 = vector.load %arg2[%get3A, %get3A_115, %get3A_116] : memref<8x2048x128xf32, #tpu.memory_space<vmem>>, vector<1x2048x128xf32>
    %get3A_118 = vector.shape_cast %get3A_117 : vector<1x2048x128xf32> to vector<2048x128xf32>
    %abs3A = math.absf %get3A_118 : vector<2048x128xf32>
    %reduce_max3A = arith.constant dense<0xFF800000> : vector<2048xf32>
    %reduce_max3A_119 = vector.multi_reduction <maximumf>, %abs3A, %reduce_max3A [1] : vector<2048x128xf32> to vector<2048xf32>
    %broadcast_in_dim3A = vector.shape_cast %reduce_max3A_119 : vector<2048xf32> to vector<2048x1xf32>
    %gt3A = arith.constant 0.000000e+00 : f32
    %gt3A_120 = vector.broadcast %gt3A : f32 to vector<2048x1xf32>
    %gt3A_121 = arith.cmpf ogt, %broadcast_in_dim3A, %gt3A_120 : vector<2048x1xf32>
    %convert_element_type3A = arith.extui %gt3A_121 : vector<2048x1xi1> to vector<2048x1xi32>
    %reduce_sum3A = vector.shape_cast %convert_element_type3A : vector<2048x1xi32> to vector<1x2048x1xi32>
    %reduce_sum3A_122 = arith.constant dense<0> : vector<1xi32>
    %reduce_sum3A_123 = vector.multi_reduction <add>, %reduce_sum3A, %reduce_sum3A_122 [1, 2] : vector<1x2048x1xi32> to vector<1xi32>
    %reduce_sum3A_124 = vector.shape_cast %reduce_sum3A_123 : vector<1xi32> to vector<1x1x1xi32>
    %reduce_sum3A_125 = vector.extract %reduce_sum3A_124[0, 0, 0] : i32 from vector<1x1x1xi32>
    %sub3A = arith.constant 1 : i32
    %sub3A_126 = arith.subi %reduce_sum3A_125, %sub3A : i32
    %max3A = arith.constant 0 : i32
    %max3A_127 = arith.maxsi %sub3A_126, %max3A : i32
    %swap3A = arith.constant 0 : index
    %swap3A_128 = memref.load %arg4[%swap3A] : memref<8xi32, #tpu.memory_space<smem>>
    memref.store %max3A_127, %arg4[%swap3A] : memref<8xi32, #tpu.memory_space<smem>>
    %lt3A = arith.constant 2048 : i32
    %lt3A_129 = arith.cmpi slt, %reduce_sum3A_125, %lt3A : i32
    %convert_element_type3A_130 = arith.extui %lt3A_129 : i1 to i32
    %cond3A = arith.constant 0 : i32
    %cond3A_131 = arith.cmpi ne, %convert_element_type3A_130, %cond3A : i32
    scf.if %cond3A_131 {
      %dma_start3A_602 = arith.constant 0 : i32
      %dma_start3A_603 = arith.constant 0 : i32
      %dma_start3A_604 = arith.constant 0 : i32
      %dma_start3A_605 = tpu.memref_slice %arg0[%dma_start3A_602, %dma_start3A_603, %dma_start3A_604] : memref<16x2048x1024xf32, #tpu.memory_space<any>> -> memref<1x2048x1024xf32, #tpu.memory_space<any>>
      %dma_start3A_606 = tpu.memref_squeeze %dma_start3A_605 : memref<1x2048x1024xf32, #tpu.memory_space<any>> -> memref<2048x1024xf32, #tpu.memory_space<any>>
      tpu.enqueue_dma source(%dma_start3A_606 : memref<2048x1024xf32, #tpu.memory_space<any>>) target(%arg3 : memref<2048x1024xf32, #tpu.memory_space<vmem>>) target_semaphore(%arg6 : memref<!tpu.dma_semaphore, #tpu.memory_space<semaphore_mem>>)
      %dma_wait3A_607 = arith.constant 0 : i32
      %dma_wait3A_608 = arith.constant 0 : i32
      %dma_wait3A_609 = arith.constant 0 : i32
      %dma_wait3A_610 = tpu.memref_slice %arg0[%dma_wait3A_607, %dma_wait3A_608, %dma_wait3A_609] : memref<16x2048x1024xf32, #tpu.memory_space<any>> -> memref<1x2048x1024xf32, #tpu.memory_space<any>>
      %dma_wait3A_611 = tpu.memref_squeeze %dma_wait3A_610 : memref<1x2048x1024xf32, #tpu.memory_space<any>> -> memref<2048x1024xf32, #tpu.memory_space<any>>
      tpu.wait_dma2 semaphore(%arg6 : memref<!tpu.dma_semaphore, #tpu.memory_space<semaphore_mem>>) src(%dma_wait3A_611 : memref<2048x1024xf32, #tpu.memory_space<any>>) dst(%arg3 : memref<2048x1024xf32, #tpu.memory_space<vmem>>)
      %get3A_612 = arith.constant 0 : index
      %get3A_613 = arith.constant 0 : index
      %get3A_614 = vector.load %arg3[%get3A_612, %get3A_613] : memref<2048x1024xf32, #tpu.memory_space<vmem>>, vector<2048x1024xf32>
      %abs3A_615 = math.absf %get3A_614 : vector<2048x1024xf32>
      %reduce_max3A_616 = arith.constant dense<0xFF800000> : vector<2048xf32>
      %reduce_max3A_617 = vector.multi_reduction <maximumf>, %abs3A_615, %reduce_max3A_616 [1] : vector<2048x1024xf32> to vector<2048xf32>
      %broadcast_in_dim3A_618 = vector.shape_cast %reduce_max3A_617 : vector<2048xf32> to vector<2048x1xf32>
      %gt3A_619 = arith.constant 0.000000e+00 : f32
      %gt3A_620 = vector.broadcast %gt3A_619 : f32 to vector<2048x1xf32>
      %gt3A_621 = arith.cmpf ogt, %broadcast_in_dim3A_618, %gt3A_620 : vector<2048x1xf32>
      %convert_element_type3A_622 = arith.extui %gt3A_621 : vector<2048x1xi1> to vector<2048x1xi32>
      %reduce_sum3A_623 = vector.shape_cast %convert_element_type3A_622 : vector<2048x1xi32> to vector<1x2048x1xi32>
      %reduce_sum3A_624 = arith.constant dense<0> : vector<1xi32>
      %reduce_sum3A_625 = vector.multi_reduction <add>, %reduce_sum3A_623, %reduce_sum3A_624 [1, 2] : vector<1x2048x1xi32> to vector<1xi32>
      %reduce_sum3A_626 = vector.shape_cast %reduce_sum3A_625 : vector<1xi32> to vector<1x1x1xi32>
      %reduce_sum3A_627 = vector.extract %reduce_sum3A_626[0, 0, 0] : i32 from vector<1x1x1xi32>
      %sub3A_628 = arith.constant 1 : i32
      %sub3A_629 = arith.subi %reduce_sum3A_627, %sub3A_628 : i32
      %max3A_630 = arith.constant 0 : i32
      %max3A_631 = arith.maxsi %sub3A_629, %max3A_630 : i32
      %swap3A_632 = arith.constant 0 : index
      %swap3A_633 = memref.load %arg4[%swap3A_632] : memref<8xi32, #tpu.memory_space<smem>>
      memref.store %max3A_631, %arg4[%swap3A_632] : memref<8xi32, #tpu.memory_space<smem>>
    } else {
    }
    %get3A_132 = arith.constant 0 : index
    %get3A_133 = memref.load %arg4[%get3A_132] : memref<8xi32, #tpu.memory_space<smem>>
    %dma_start3A_134 = arith.constant 0 : i32
    %dma_start3A_135 = arith.constant 0 : i32
    %dma_start3A_136 = tpu.memref_slice %arg7[%dma_start3A_135] : memref<8x!tpu.dma_semaphore, #tpu.memory_space<semaphore_mem>> -> memref<1x!tpu.dma_semaphore, #tpu.memory_space<semaphore_mem>>
    %dma_start3A_137 = tpu.memref_squeeze %dma_start3A_136 : memref<1x!tpu.dma_semaphore, #tpu.memory_space<semaphore_mem>> -> memref<!tpu.dma_semaphore, #tpu.memory_space<semaphore_mem>>
    %dma_start3A_138 = arith.constant 0 : i32
    %dma_start3A_139 = arith.constant 0 : i32
    %dma_start3A_140 = tpu.memref_slice %arg1[%dma_start3A_138, %dma_start3A_139] : memref<8x1024xf32, #tpu.memory_space<vmem>> -> memref<1x1024xf32, #tpu.memory_space<vmem>>
    %dma_start3A_141 = arith.constant 0 : i32
    %dma_start3A_142 = tpu.memref_slice %arg0[%dma_start3A_134, %get3A_133, %dma_start3A_141] : memref<16x2048x1024xf32, #tpu.memory_space<any>> -> memref<1x1x1024xf32, #tpu.memory_space<any>>
    %dma_start3A_143 = tpu.memref_squeeze %dma_start3A_142 : memref<1x1x1024xf32, #tpu.memory_space<any>> -> memref<1x1024xf32, #tpu.memory_space<any>>
    tpu.enqueue_dma source(%dma_start3A_143 : memref<1x1024xf32, #tpu.memory_space<any>>) target(%dma_start3A_140 : memref<1x1024xf32, #tpu.memory_space<vmem>>) target_semaphore(%dma_start3A_137 : memref<!tpu.dma_semaphore, #tpu.memory_space<semaphore_mem>>)
    %dma_wait3A_144 = arith.constant 1 : i32
    %dma_wait3A_145 = arith.constant 1 : i32
    %dma_wait3A_146 = arith.constant 1 : i32
    %dma_wait3A_147 = tpu.memref_slice %arg5[%dma_wait3A_146] : memref<8x!tpu.dma_semaphore, #tpu.memory_space<semaphore_mem>> -> memref<1x!tpu.dma_semaphore, #tpu.memory_space<semaphore_mem>>
    %dma_wait3A_148 = tpu.memref_squeeze %dma_wait3A_147 : memref<1x!tpu.dma_semaphore, #tpu.memory_space<semaphore_mem>> -> memref<!tpu.dma_semaphore, #tpu.memory_space<semaphore_mem>>
    %dma_wait3A_149 = arith.constant 0 : i32
    %dma_wait3A_150 = arith.constant 0 : i32
    %dma_wait3A_151 = tpu.memref_slice %arg2[%dma_wait3A_145, %dma_wait3A_149, %dma_wait3A_150] : memref<8x2048x128xf32, #tpu.memory_space<vmem>> -> memref<1x2048x128xf32, #tpu.memory_space<vmem>>
    %dma_wait3A_152 = tpu.memref_squeeze %dma_wait3A_151 : memref<1x2048x128xf32, #tpu.memory_space<vmem>> -> memref<2048x128xf32, #tpu.memory_space<vmem>>
    %dma_wait3A_153 = arith.constant 0 : i32
    %dma_wait3A_154 = arith.constant 0 : i32
    %dma_wait3A_155 = tpu.memref_slice %arg0[%dma_wait3A_144, %dma_wait3A_153, %dma_wait3A_154] : memref<16x2048x1024xf32, #tpu.memory_space<any>> -> memref<1x2048x128xf32, #tpu.memory_space<any>>
    %dma_wait3A_156 = tpu.memref_squeeze %dma_wait3A_155 : memref<1x2048x128xf32, #tpu.memory_space<any>> -> memref<2048x128xf32, #tpu.memory_space<any>>
    tpu.wait_dma2 semaphore(%dma_wait3A_148 : memref<!tpu.dma_semaphore, #tpu.memory_space<semaphore_mem>>) src(%dma_wait3A_156 : memref<2048x128xf32, #tpu.memory_space<any>>) dst(%dma_wait3A_152 : memref<2048x128xf32, #tpu.memory_space<vmem>>)
    %get3A_157 = arith.constant 1 : index
    %get3A_158 = arith.constant 0 : index
    %get3A_159 = arith.constant 0 : index
    %get3A_160 = vector.load %arg2[%get3A_157, %get3A_158, %get3A_159] : memref<8x2048x128xf32, #tpu.memory_space<vmem>>, vector<1x2048x128xf32>
    %get3A_161 = vector.shape_cast %get3A_160 : vector<1x2048x128xf32> to vector<2048x128xf32>
    %abs3A_162 = math.absf %get3A_161 : vector<2048x128xf32>
    %reduce_max3A_163 = arith.constant dense<0xFF800000> : vector<2048xf32>
    %reduce_max3A_164 = vector.multi_reduction <maximumf>, %abs3A_162, %reduce_max3A_163 [1] : vector<2048x128xf32> to vector<2048xf32>
    %broadcast_in_dim3A_165 = vector.shape_cast %reduce_max3A_164 : vector<2048xf32> to vector<2048x1xf32>
    %gt3A_166 = arith.constant 0.000000e+00 : f32
    %gt3A_167 = vector.broadcast %gt3A_166 : f32 to vector<2048x1xf32>
    %gt3A_168 = arith.cmpf ogt, %broadcast_in_dim3A_165, %gt3A_167 : vector<2048x1xf32>
    %convert_element_type3A_169 = arith.extui %gt3A_168 : vector<2048x1xi1> to vector<2048x1xi32>
    %reduce_sum3A_170 = vector.shape_cast %convert_element_type3A_169 : vector<2048x1xi32> to vector<1x2048x1xi32>
    %reduce_sum3A_171 = arith.constant dense<0> : vector<1xi32>
    %reduce_sum3A_172 = vector.multi_reduction <add>, %reduce_sum3A_170, %reduce_sum3A_171 [1, 2] : vector<1x2048x1xi32> to vector<1xi32>
    %reduce_sum3A_173 = vector.shape_cast %reduce_sum3A_172 : vector<1xi32> to vector<1x1x1xi32>
    %reduce_sum3A_174 = vector.extract %reduce_sum3A_173[0, 0, 0] : i32 from vector<1x1x1xi32>
    %sub3A_175 = arith.constant 1 : i32
    %sub3A_176 = arith.subi %reduce_sum3A_174, %sub3A_175 : i32
    %max3A_177 = arith.constant 0 : i32
    %max3A_178 = arith.maxsi %sub3A_176, %max3A_177 : i32
    %swap3A_179 = arith.constant 1 : index
    %swap3A_180 = memref.load %arg4[%swap3A_179] : memref<8xi32, #tpu.memory_space<smem>>
    memref.store %max3A_178, %arg4[%swap3A_179] : memref<8xi32, #tpu.memory_space<smem>>
    %lt3A_181 = arith.constant 2048 : i32
    %lt3A_182 = arith.cmpi slt, %reduce_sum3A_174, %lt3A_181 : i32
    %convert_element_type3A_183 = arith.extui %lt3A_182 : i1 to i32
    %cond3A_184 = arith.constant 0 : i32
    %cond3A_185 = arith.cmpi ne, %convert_element_type3A_183, %cond3A_184 : i32
    scf.if %cond3A_185 {
      %dma_start3A_602 = arith.constant 1 : i32
      %dma_start3A_603 = arith.constant 0 : i32
      %dma_start3A_604 = arith.constant 0 : i32
      %dma_start3A_605 = tpu.memref_slice %arg0[%dma_start3A_602, %dma_start3A_603, %dma_start3A_604] : memref<16x2048x1024xf32, #tpu.memory_space<any>> -> memref<1x2048x1024xf32, #tpu.memory_space<any>>
      %dma_start3A_606 = tpu.memref_squeeze %dma_start3A_605 : memref<1x2048x1024xf32, #tpu.memory_space<any>> -> memref<2048x1024xf32, #tpu.memory_space<any>>
      tpu.enqueue_dma source(%dma_start3A_606 : memref<2048x1024xf32, #tpu.memory_space<any>>) target(%arg3 : memref<2048x1024xf32, #tpu.memory_space<vmem>>) target_semaphore(%arg6 : memref<!tpu.dma_semaphore, #tpu.memory_space<semaphore_mem>>)
      %dma_wait3A_607 = arith.constant 1 : i32
      %dma_wait3A_608 = arith.constant 0 : i32
      %dma_wait3A_609 = arith.constant 0 : i32
      %dma_wait3A_610 = tpu.memref_slice %arg0[%dma_wait3A_607, %dma_wait3A_608, %dma_wait3A_609] : memref<16x2048x1024xf32, #tpu.memory_space<any>> -> memref<1x2048x1024xf32, #tpu.memory_space<any>>
      %dma_wait3A_611 = tpu.memref_squeeze %dma_wait3A_610 : memref<1x2048x1024xf32, #tpu.memory_space<any>> -> memref<2048x1024xf32, #tpu.memory_space<any>>
      tpu.wait_dma2 semaphore(%arg6 : memref<!tpu.dma_semaphore, #tpu.memory_space<semaphore_mem>>) src(%dma_wait3A_611 : memref<2048x1024xf32, #tpu.memory_space<any>>) dst(%arg3 : memref<2048x1024xf32, #tpu.memory_space<vmem>>)
      %get3A_612 = arith.constant 0 : index
      %get3A_613 = arith.constant 0 : index
      %get3A_614 = vector.load %arg3[%get3A_612, %get3A_613] : memref<2048x1024xf32, #tpu.memory_space<vmem>>, vector<2048x1024xf32>
      %abs3A_615 = math.absf %get3A_614 : vector<2048x1024xf32>
      %reduce_max3A_616 = arith.constant dense<0xFF800000> : vector<2048xf32>
      %reduce_max3A_617 = vector.multi_reduction <maximumf>, %abs3A_615, %reduce_max3A_616 [1] : vector<2048x1024xf32> to vector<2048xf32>
      %broadcast_in_dim3A_618 = vector.shape_cast %reduce_max3A_617 : vector<2048xf32> to vector<2048x1xf32>
      %gt3A_619 = arith.constant 0.000000e+00 : f32
      %gt3A_620 = vector.broadcast %gt3A_619 : f32 to vector<2048x1xf32>
      %gt3A_621 = arith.cmpf ogt, %broadcast_in_dim3A_618, %gt3A_620 : vector<2048x1xf32>
      %convert_element_type3A_622 = arith.extui %gt3A_621 : vector<2048x1xi1> to vector<2048x1xi32>
      %reduce_sum3A_623 = vector.shape_cast %convert_element_type3A_622 : vector<2048x1xi32> to vector<1x2048x1xi32>
      %reduce_sum3A_624 = arith.constant dense<0> : vector<1xi32>
      %reduce_sum3A_625 = vector.multi_reduction <add>, %reduce_sum3A_623, %reduce_sum3A_624 [1, 2] : vector<1x2048x1xi32> to vector<1xi32>
      %reduce_sum3A_626 = vector.shape_cast %reduce_sum3A_625 : vector<1xi32> to vector<1x1x1xi32>
      %reduce_sum3A_627 = vector.extract %reduce_sum3A_626[0, 0, 0] : i32 from vector<1x1x1xi32>
      %sub3A_628 = arith.constant 1 : i32
      %sub3A_629 = arith.subi %reduce_sum3A_627, %sub3A_628 : i32
      %max3A_630 = arith.constant 0 : i32
      %max3A_631 = arith.maxsi %sub3A_629, %max3A_630 : i32
      %swap3A_632 = arith.constant 1 : index
      %swap3A_633 = memref.load %arg4[%swap3A_632] : memref<8xi32, #tpu.memory_space<smem>>
      memref.store %max3A_631, %arg4[%swap3A_632] : memref<8xi32, #tpu.memory_space<smem>>
    } else {
    }
    %get3A_186 = arith.constant 1 : index
    %get3A_187 = memref.load %arg4[%get3A_186] : memref<8xi32, #tpu.memory_space<smem>>
    %dma_start3A_188 = arith.constant 1 : i32
    %dma_start3A_189 = arith.constant 1 : i32
    %dma_start3A_190 = tpu.memref_slice %arg7[%dma_start3A_189] : memref<8x!tpu.dma_semaphore, #tpu.memory_space<semaphore_mem>> -> memref<1x!tpu.dma_semaphore, #tpu.memory_space<semaphore_mem>>
    %dma_start3A_191 = tpu.memref_squeeze %dma_start3A_190 : memref<1x!tpu.dma_semaphore, #tpu.memory_space<semaphore_mem>> -> memref<!tpu.dma_semaphore, #tpu.memory_space<semaphore_mem>>
    %dma_start3A_192 = arith.constant 1 : i32
    %dma_start3A_193 = arith.constant 0 : i32
    %dma_start3A_194 = tpu.memref_slice %arg1[%dma_start3A_192, %dma_start3A_193] : memref<8x1024xf32, #tpu.memory_space<vmem>> -> memref<1x1024xf32, #tpu.memory_space<vmem>>
    %dma_start3A_195 = arith.constant 0 : i32
    %dma_start3A_196 = tpu.memref_slice %arg0[%dma_start3A_188, %get3A_187, %dma_start3A_195] : memref<16x2048x1024xf32, #tpu.memory_space<any>> -> memref<1x1x1024xf32, #tpu.memory_space<any>>
    %dma_start3A_197 = tpu.memref_squeeze %dma_start3A_196 : memref<1x1x1024xf32, #tpu.memory_space<any>> -> memref<1x1024xf32, #tpu.memory_space<any>>
    tpu.enqueue_dma source(%dma_start3A_197 : memref<1x1024xf32, #tpu.memory_space<any>>) target(%dma_start3A_194 : memref<1x1024xf32, #tpu.memory_space<vmem>>) target_semaphore(%dma_start3A_191 : memref<!tpu.dma_semaphore, #tpu.memory_space<semaphore_mem>>)
    %dma_wait3A_198 = arith.constant 2 : i32
    %dma_wait3A_199 = arith.constant 2 : i32
    %dma_wait3A_200 = arith.constant 2 : i32
    %dma_wait3A_201 = tpu.memref_slice %arg5[%dma_wait3A_200] : memref<8x!tpu.dma_semaphore, #tpu.memory_space<semaphore_mem>> -> memref<1x!tpu.dma_semaphore, #tpu.memory_space<semaphore_mem>>
    %dma_wait3A_202 = tpu.memref_squeeze %dma_wait3A_201 : memref<1x!tpu.dma_semaphore, #tpu.memory_space<semaphore_mem>> -> memref<!tpu.dma_semaphore, #tpu.memory_space<semaphore_mem>>
    %dma_wait3A_203 = arith.constant 0 : i32
    %dma_wait3A_204 = arith.constant 0 : i32
    %dma_wait3A_205 = tpu.memref_slice %arg2[%dma_wait3A_199, %dma_wait3A_203, %dma_wait3A_204] : memref<8x2048x128xf32, #tpu.memory_space<vmem>> -> memref<1x2048x128xf32, #tpu.memory_space<vmem>>
    %dma_wait3A_206 = tpu.memref_squeeze %dma_wait3A_205 : memref<1x2048x128xf32, #tpu.memory_space<vmem>> -> memref<2048x128xf32, #tpu.memory_space<vmem>>
    %dma_wait3A_207 = arith.constant 0 : i32
    %dma_wait3A_208 = arith.constant 0 : i32
    %dma_wait3A_209 = tpu.memref_slice %arg0[%dma_wait3A_198, %dma_wait3A_207, %dma_wait3A_208] : memref<16x2048x1024xf32, #tpu.memory_space<any>> -> memref<1x2048x128xf32, #tpu.memory_space<any>>
    %dma_wait3A_210 = tpu.memref_squeeze %dma_wait3A_209 : memref<1x2048x128xf32, #tpu.memory_space<any>> -> memref<2048x128xf32, #tpu.memory_space<any>>
    tpu.wait_dma2 semaphore(%dma_wait3A_202 : memref<!tpu.dma_semaphore, #tpu.memory_space<semaphore_mem>>) src(%dma_wait3A_210 : memref<2048x128xf32, #tpu.memory_space<any>>) dst(%dma_wait3A_206 : memref<2048x128xf32, #tpu.memory_space<vmem>>)
    %get3A_211 = arith.constant 2 : index
    %get3A_212 = arith.constant 0 : index
    %get3A_213 = arith.constant 0 : index
    %get3A_214 = vector.load %arg2[%get3A_211, %get3A_212, %get3A_213] : memref<8x2048x128xf32, #tpu.memory_space<vmem>>, vector<1x2048x128xf32>
    %get3A_215 = vector.shape_cast %get3A_214 : vector<1x2048x128xf32> to vector<2048x128xf32>
    %abs3A_216 = math.absf %get3A_215 : vector<2048x128xf32>
    %reduce_max3A_217 = arith.constant dense<0xFF800000> : vector<2048xf32>
    %reduce_max3A_218 = vector.multi_reduction <maximumf>, %abs3A_216, %reduce_max3A_217 [1] : vector<2048x128xf32> to vector<2048xf32>
    %broadcast_in_dim3A_219 = vector.shape_cast %reduce_max3A_218 : vector<2048xf32> to vector<2048x1xf32>
    %gt3A_220 = arith.constant 0.000000e+00 : f32
    %gt3A_221 = vector.broadcast %gt3A_220 : f32 to vector<2048x1xf32>
    %gt3A_222 = arith.cmpf ogt, %broadcast_in_dim3A_219, %gt3A_221 : vector<2048x1xf32>
    %convert_element_type3A_223 = arith.extui %gt3A_222 : vector<2048x1xi1> to vector<2048x1xi32>
    %reduce_sum3A_224 = vector.shape_cast %convert_element_type3A_223 : vector<2048x1xi32> to vector<1x2048x1xi32>
    %reduce_sum3A_225 = arith.constant dense<0> : vector<1xi32>
    %reduce_sum3A_226 = vector.multi_reduction <add>, %reduce_sum3A_224, %reduce_sum3A_225 [1, 2] : vector<1x2048x1xi32> to vector<1xi32>
    %reduce_sum3A_227 = vector.shape_cast %reduce_sum3A_226 : vector<1xi32> to vector<1x1x1xi32>
    %reduce_sum3A_228 = vector.extract %reduce_sum3A_227[0, 0, 0] : i32 from vector<1x1x1xi32>
    %sub3A_229 = arith.constant 1 : i32
    %sub3A_230 = arith.subi %reduce_sum3A_228, %sub3A_229 : i32
    %max3A_231 = arith.constant 0 : i32
    %max3A_232 = arith.maxsi %sub3A_230, %max3A_231 : i32
    %swap3A_233 = arith.constant 2 : index
    %swap3A_234 = memref.load %arg4[%swap3A_233] : memref<8xi32, #tpu.memory_space<smem>>
    memref.store %max3A_232, %arg4[%swap3A_233] : memref<8xi32, #tpu.memory_space<smem>>
    %lt3A_235 = arith.constant 2048 : i32
    %lt3A_236 = arith.cmpi slt, %reduce_sum3A_228, %lt3A_235 : i32
    %convert_element_type3A_237 = arith.extui %lt3A_236 : i1 to i32
    %cond3A_238 = arith.constant 0 : i32
    %cond3A_239 = arith.cmpi ne, %convert_element_type3A_237, %cond3A_238 : i32
    scf.if %cond3A_239 {
      %dma_start3A_602 = arith.constant 2 : i32
      %dma_start3A_603 = arith.constant 0 : i32
      %dma_start3A_604 = arith.constant 0 : i32
      %dma_start3A_605 = tpu.memref_slice %arg0[%dma_start3A_602, %dma_start3A_603, %dma_start3A_604] : memref<16x2048x1024xf32, #tpu.memory_space<any>> -> memref<1x2048x1024xf32, #tpu.memory_space<any>>
      %dma_start3A_606 = tpu.memref_squeeze %dma_start3A_605 : memref<1x2048x1024xf32, #tpu.memory_space<any>> -> memref<2048x1024xf32, #tpu.memory_space<any>>
      tpu.enqueue_dma source(%dma_start3A_606 : memref<2048x1024xf32, #tpu.memory_space<any>>) target(%arg3 : memref<2048x1024xf32, #tpu.memory_space<vmem>>) target_semaphore(%arg6 : memref<!tpu.dma_semaphore, #tpu.memory_space<semaphore_mem>>)
      %dma_wait3A_607 = arith.constant 2 : i32
      %dma_wait3A_608 = arith.constant 0 : i32
      %dma_wait3A_609 = arith.constant 0 : i32
      %dma_wait3A_610 = tpu.memref_slice %arg0[%dma_wait3A_607, %dma_wait3A_608, %dma_wait3A_609] : memref<16x2048x1024xf32, #tpu.memory_space<any>> -> memref<1x2048x1024xf32, #tpu.memory_space<any>>
      %dma_wait3A_611 = tpu.memref_squeeze %dma_wait3A_610 : memref<1x2048x1024xf32, #tpu.memory_space<any>> -> memref<2048x1024xf32, #tpu.memory_space<any>>
      tpu.wait_dma2 semaphore(%arg6 : memref<!tpu.dma_semaphore, #tpu.memory_space<semaphore_mem>>) src(%dma_wait3A_611 : memref<2048x1024xf32, #tpu.memory_space<any>>) dst(%arg3 : memref<2048x1024xf32, #tpu.memory_space<vmem>>)
      %get3A_612 = arith.constant 0 : index
      %get3A_613 = arith.constant 0 : index
      %get3A_614 = vector.load %arg3[%get3A_612, %get3A_613] : memref<2048x1024xf32, #tpu.memory_space<vmem>>, vector<2048x1024xf32>
      %abs3A_615 = math.absf %get3A_614 : vector<2048x1024xf32>
      %reduce_max3A_616 = arith.constant dense<0xFF800000> : vector<2048xf32>
      %reduce_max3A_617 = vector.multi_reduction <maximumf>, %abs3A_615, %reduce_max3A_616 [1] : vector<2048x1024xf32> to vector<2048xf32>
      %broadcast_in_dim3A_618 = vector.shape_cast %reduce_max3A_617 : vector<2048xf32> to vector<2048x1xf32>
      %gt3A_619 = arith.constant 0.000000e+00 : f32
      %gt3A_620 = vector.broadcast %gt3A_619 : f32 to vector<2048x1xf32>
      %gt3A_621 = arith.cmpf ogt, %broadcast_in_dim3A_618, %gt3A_620 : vector<2048x1xf32>
      %convert_element_type3A_622 = arith.extui %gt3A_621 : vector<2048x1xi1> to vector<2048x1xi32>
      %reduce_sum3A_623 = vector.shape_cast %convert_element_type3A_622 : vector<2048x1xi32> to vector<1x2048x1xi32>
      %reduce_sum3A_624 = arith.constant dense<0> : vector<1xi32>
      %reduce_sum3A_625 = vector.multi_reduction <add>, %reduce_sum3A_623, %reduce_sum3A_624 [1, 2] : vector<1x2048x1xi32> to vector<1xi32>
      %reduce_sum3A_626 = vector.shape_cast %reduce_sum3A_625 : vector<1xi32> to vector<1x1x1xi32>
      %reduce_sum3A_627 = vector.extract %reduce_sum3A_626[0, 0, 0] : i32 from vector<1x1x1xi32>
      %sub3A_628 = arith.constant 1 : i32
      %sub3A_629 = arith.subi %reduce_sum3A_627, %sub3A_628 : i32
      %max3A_630 = arith.constant 0 : i32
      %max3A_631 = arith.maxsi %sub3A_629, %max3A_630 : i32
      %swap3A_632 = arith.constant 2 : index
      %swap3A_633 = memref.load %arg4[%swap3A_632] : memref<8xi32, #tpu.memory_space<smem>>
      memref.store %max3A_631, %arg4[%swap3A_632] : memref<8xi32, #tpu.memory_space<smem>>
    } else {
    }
    %get3A_240 = arith.constant 2 : index
    %get3A_241 = memref.load %arg4[%get3A_240] : memref<8xi32, #tpu.memory_space<smem>>
    %dma_start3A_242 = arith.constant 2 : i32
    %dma_start3A_243 = arith.constant 2 : i32
    %dma_start3A_244 = tpu.memref_slice %arg7[%dma_start3A_243] : memref<8x!tpu.dma_semaphore, #tpu.memory_space<semaphore_mem>> -> memref<1x!tpu.dma_semaphore, #tpu.memory_space<semaphore_mem>>
    %dma_start3A_245 = tpu.memref_squeeze %dma_start3A_244 : memref<1x!tpu.dma_semaphore, #tpu.memory_space<semaphore_mem>> -> memref<!tpu.dma_semaphore, #tpu.memory_space<semaphore_mem>>
    %dma_start3A_246 = arith.constant 2 : i32
    %dma_start3A_247 = arith.constant 0 : i32
    %dma_start3A_248 = tpu.memref_slice %arg1[%dma_start3A_246, %dma_start3A_247] : memref<8x1024xf32, #tpu.memory_space<vmem>> -> memref<1x1024xf32, #tpu.memory_space<vmem>>
    %dma_start3A_249 = arith.constant 0 : i32
    %dma_start3A_250 = tpu.memref_slice %arg0[%dma_start3A_242, %get3A_241, %dma_start3A_249] : memref<16x2048x1024xf32, #tpu.memory_space<any>> -> memref<1x1x1024xf32, #tpu.memory_space<any>>
    %dma_start3A_251 = tpu.memref_squeeze %dma_start3A_250 : memref<1x1x1024xf32, #tpu.memory_space<any>> -> memref<1x1024xf32, #tpu.memory_space<any>>
    tpu.enqueue_dma source(%dma_start3A_251 : memref<1x1024xf32, #tpu.memory_space<any>>) target(%dma_start3A_248 : memref<1x1024xf32, #tpu.memory_space<vmem>>) target_semaphore(%dma_start3A_245 : memref<!tpu.dma_semaphore, #tpu.memory_space<semaphore_mem>>)
    %dma_wait3A_252 = arith.constant 3 : i32
    %dma_wait3A_253 = arith.constant 3 : i32
    %dma_wait3A_254 = arith.constant 3 : i32
    %dma_wait3A_255 = tpu.memref_slice %arg5[%dma_wait3A_254] : memref<8x!tpu.dma_semaphore, #tpu.memory_space<semaphore_mem>> -> memref<1x!tpu.dma_semaphore, #tpu.memory_space<semaphore_mem>>
    %dma_wait3A_256 = tpu.memref_squeeze %dma_wait3A_255 : memref<1x!tpu.dma_semaphore, #tpu.memory_space<semaphore_mem>> -> memref<!tpu.dma_semaphore, #tpu.memory_space<semaphore_mem>>
    %dma_wait3A_257 = arith.constant 0 : i32
    %dma_wait3A_258 = arith.constant 0 : i32
    %dma_wait3A_259 = tpu.memref_slice %arg2[%dma_wait3A_253, %dma_wait3A_257, %dma_wait3A_258] : memref<8x2048x128xf32, #tpu.memory_space<vmem>> -> memref<1x2048x128xf32, #tpu.memory_space<vmem>>
    %dma_wait3A_260 = tpu.memref_squeeze %dma_wait3A_259 : memref<1x2048x128xf32, #tpu.memory_space<vmem>> -> memref<2048x128xf32, #tpu.memory_space<vmem>>
    %dma_wait3A_261 = arith.constant 0 : i32
    %dma_wait3A_262 = arith.constant 0 : i32
    %dma_wait3A_263 = tpu.memref_slice %arg0[%dma_wait3A_252, %dma_wait3A_261, %dma_wait3A_262] : memref<16x2048x1024xf32, #tpu.memory_space<any>> -> memref<1x2048x128xf32, #tpu.memory_space<any>>
    %dma_wait3A_264 = tpu.memref_squeeze %dma_wait3A_263 : memref<1x2048x128xf32, #tpu.memory_space<any>> -> memref<2048x128xf32, #tpu.memory_space<any>>
    tpu.wait_dma2 semaphore(%dma_wait3A_256 : memref<!tpu.dma_semaphore, #tpu.memory_space<semaphore_mem>>) src(%dma_wait3A_264 : memref<2048x128xf32, #tpu.memory_space<any>>) dst(%dma_wait3A_260 : memref<2048x128xf32, #tpu.memory_space<vmem>>)
    %get3A_265 = arith.constant 3 : index
    %get3A_266 = arith.constant 0 : index
    %get3A_267 = arith.constant 0 : index
    %get3A_268 = vector.load %arg2[%get3A_265, %get3A_266, %get3A_267] : memref<8x2048x128xf32, #tpu.memory_space<vmem>>, vector<1x2048x128xf32>
    %get3A_269 = vector.shape_cast %get3A_268 : vector<1x2048x128xf32> to vector<2048x128xf32>
    %abs3A_270 = math.absf %get3A_269 : vector<2048x128xf32>
    %reduce_max3A_271 = arith.constant dense<0xFF800000> : vector<2048xf32>
    %reduce_max3A_272 = vector.multi_reduction <maximumf>, %abs3A_270, %reduce_max3A_271 [1] : vector<2048x128xf32> to vector<2048xf32>
    %broadcast_in_dim3A_273 = vector.shape_cast %reduce_max3A_272 : vector<2048xf32> to vector<2048x1xf32>
    %gt3A_274 = arith.constant 0.000000e+00 : f32
    %gt3A_275 = vector.broadcast %gt3A_274 : f32 to vector<2048x1xf32>
    %gt3A_276 = arith.cmpf ogt, %broadcast_in_dim3A_273, %gt3A_275 : vector<2048x1xf32>
    %convert_element_type3A_277 = arith.extui %gt3A_276 : vector<2048x1xi1> to vector<2048x1xi32>
    %reduce_sum3A_278 = vector.shape_cast %convert_element_type3A_277 : vector<2048x1xi32> to vector<1x2048x1xi32>
    %reduce_sum3A_279 = arith.constant dense<0> : vector<1xi32>
    %reduce_sum3A_280 = vector.multi_reduction <add>, %reduce_sum3A_278, %reduce_sum3A_279 [1, 2] : vector<1x2048x1xi32> to vector<1xi32>
    %reduce_sum3A_281 = vector.shape_cast %reduce_sum3A_280 : vector<1xi32> to vector<1x1x1xi32>
    %reduce_sum3A_282 = vector.extract %reduce_sum3A_281[0, 0, 0] : i32 from vector<1x1x1xi32>
    %sub3A_283 = arith.constant 1 : i32
    %sub3A_284 = arith.subi %reduce_sum3A_282, %sub3A_283 : i32
    %max3A_285 = arith.constant 0 : i32
    %max3A_286 = arith.maxsi %sub3A_284, %max3A_285 : i32
    %swap3A_287 = arith.constant 3 : index
    %swap3A_288 = memref.load %arg4[%swap3A_287] : memref<8xi32, #tpu.memory_space<smem>>
    memref.store %max3A_286, %arg4[%swap3A_287] : memref<8xi32, #tpu.memory_space<smem>>
    %lt3A_289 = arith.constant 2048 : i32
    %lt3A_290 = arith.cmpi slt, %reduce_sum3A_282, %lt3A_289 : i32
    %convert_element_type3A_291 = arith.extui %lt3A_290 : i1 to i32
    %cond3A_292 = arith.constant 0 : i32
    %cond3A_293 = arith.cmpi ne, %convert_element_type3A_291, %cond3A_292 : i32
    scf.if %cond3A_293 {
      %dma_start3A_602 = arith.constant 3 : i32
      %dma_start3A_603 = arith.constant 0 : i32
      %dma_start3A_604 = arith.constant 0 : i32
      %dma_start3A_605 = tpu.memref_slice %arg0[%dma_start3A_602, %dma_start3A_603, %dma_start3A_604] : memref<16x2048x1024xf32, #tpu.memory_space<any>> -> memref<1x2048x1024xf32, #tpu.memory_space<any>>
      %dma_start3A_606 = tpu.memref_squeeze %dma_start3A_605 : memref<1x2048x1024xf32, #tpu.memory_space<any>> -> memref<2048x1024xf32, #tpu.memory_space<any>>
      tpu.enqueue_dma source(%dma_start3A_606 : memref<2048x1024xf32, #tpu.memory_space<any>>) target(%arg3 : memref<2048x1024xf32, #tpu.memory_space<vmem>>) target_semaphore(%arg6 : memref<!tpu.dma_semaphore, #tpu.memory_space<semaphore_mem>>)
      %dma_wait3A_607 = arith.constant 3 : i32
      %dma_wait3A_608 = arith.constant 0 : i32
      %dma_wait3A_609 = arith.constant 0 : i32
      %dma_wait3A_610 = tpu.memref_slice %arg0[%dma_wait3A_607, %dma_wait3A_608, %dma_wait3A_609] : memref<16x2048x1024xf32, #tpu.memory_space<any>> -> memref<1x2048x1024xf32, #tpu.memory_space<any>>
      %dma_wait3A_611 = tpu.memref_squeeze %dma_wait3A_610 : memref<1x2048x1024xf32, #tpu.memory_space<any>> -> memref<2048x1024xf32, #tpu.memory_space<any>>
      tpu.wait_dma2 semaphore(%arg6 : memref<!tpu.dma_semaphore, #tpu.memory_space<semaphore_mem>>) src(%dma_wait3A_611 : memref<2048x1024xf32, #tpu.memory_space<any>>) dst(%arg3 : memref<2048x1024xf32, #tpu.memory_space<vmem>>)
      %get3A_612 = arith.constant 0 : index
      %get3A_613 = arith.constant 0 : index
      %get3A_614 = vector.load %arg3[%get3A_612, %get3A_613] : memref<2048x1024xf32, #tpu.memory_space<vmem>>, vector<2048x1024xf32>
      %abs3A_615 = math.absf %get3A_614 : vector<2048x1024xf32>
      %reduce_max3A_616 = arith.constant dense<0xFF800000> : vector<2048xf32>
      %reduce_max3A_617 = vector.multi_reduction <maximumf>, %abs3A_615, %reduce_max3A_616 [1] : vector<2048x1024xf32> to vector<2048xf32>
      %broadcast_in_dim3A_618 = vector.shape_cast %reduce_max3A_617 : vector<2048xf32> to vector<2048x1xf32>
      %gt3A_619 = arith.constant 0.000000e+00 : f32
      %gt3A_620 = vector.broadcast %gt3A_619 : f32 to vector<2048x1xf32>
      %gt3A_621 = arith.cmpf ogt, %broadcast_in_dim3A_618, %gt3A_620 : vector<2048x1xf32>
      %convert_element_type3A_622 = arith.extui %gt3A_621 : vector<2048x1xi1> to vector<2048x1xi32>
      %reduce_sum3A_623 = vector.shape_cast %convert_element_type3A_622 : vector<2048x1xi32> to vector<1x2048x1xi32>
      %reduce_sum3A_624 = arith.constant dense<0> : vector<1xi32>
      %reduce_sum3A_625 = vector.multi_reduction <add>, %reduce_sum3A_623, %reduce_sum3A_624 [1, 2] : vector<1x2048x1xi32> to vector<1xi32>
      %reduce_sum3A_626 = vector.shape_cast %reduce_sum3A_625 : vector<1xi32> to vector<1x1x1xi32>
      %reduce_sum3A_627 = vector.extract %reduce_sum3A_626[0, 0, 0] : i32 from vector<1x1x1xi32>
      %sub3A_628 = arith.constant 1 : i32
      %sub3A_629 = arith.subi %reduce_sum3A_627, %sub3A_628 : i32
      %max3A_630 = arith.constant 0 : i32
      %max3A_631 = arith.maxsi %sub3A_629, %max3A_630 : i32
      %swap3A_632 = arith.constant 3 : index
      %swap3A_633 = memref.load %arg4[%swap3A_632] : memref<8xi32, #tpu.memory_space<smem>>
      memref.store %max3A_631, %arg4[%swap3A_632] : memref<8xi32, #tpu.memory_space<smem>>
    } else {
    }
    %get3A_294 = arith.constant 3 : index
    %get3A_295 = memref.load %arg4[%get3A_294] : memref<8xi32, #tpu.memory_space<smem>>
    %dma_start3A_296 = arith.constant 3 : i32
    %dma_start3A_297 = arith.constant 3 : i32
    %dma_start3A_298 = tpu.memref_slice %arg7[%dma_start3A_297] : memref<8x!tpu.dma_semaphore, #tpu.memory_space<semaphore_mem>> -> memref<1x!tpu.dma_semaphore, #tpu.memory_space<semaphore_mem>>
    %dma_start3A_299 = tpu.memref_squeeze %dma_start3A_298 : memref<1x!tpu.dma_semaphore, #tpu.memory_space<semaphore_mem>> -> memref<!tpu.dma_semaphore, #tpu.memory_space<semaphore_mem>>
    %dma_start3A_300 = arith.constant 3 : i32
    %dma_start3A_301 = arith.constant 0 : i32
    %dma_start3A_302 = tpu.memref_slice %arg1[%dma_start3A_300, %dma_start3A_301] : memref<8x1024xf32, #tpu.memory_space<vmem>> -> memref<1x1024xf32, #tpu.memory_space<vmem>>
    %dma_start3A_303 = arith.constant 0 : i32
    %dma_start3A_304 = tpu.memref_slice %arg0[%dma_start3A_296, %get3A_295, %dma_start3A_303] : memref<16x2048x1024xf32, #tpu.memory_space<any>> -> memref<1x1x1024xf32, #tpu.memory_space<any>>
    %dma_start3A_305 = tpu.memref_squeeze %dma_start3A_304 : memref<1x1x1024xf32, #tpu.memory_space<any>> -> memref<1x1024xf32, #tpu.memory_space<any>>
    tpu.enqueue_dma source(%dma_start3A_305 : memref<1x1024xf32, #tpu.memory_space<any>>) target(%dma_start3A_302 : memref<1x1024xf32, #tpu.memory_space<vmem>>) target_semaphore(%dma_start3A_299 : memref<!tpu.dma_semaphore, #tpu.memory_space<semaphore_mem>>)
    %dma_wait3A_306 = arith.constant 4 : i32
    %dma_wait3A_307 = arith.constant 4 : i32
    %dma_wait3A_308 = arith.constant 4 : i32
    %dma_wait3A_309 = tpu.memref_slice %arg5[%dma_wait3A_308] : memref<8x!tpu.dma_semaphore, #tpu.memory_space<semaphore_mem>> -> memref<1x!tpu.dma_semaphore, #tpu.memory_space<semaphore_mem>>
    %dma_wait3A_310 = tpu.memref_squeeze %dma_wait3A_309 : memref<1x!tpu.dma_semaphore, #tpu.memory_space<semaphore_mem>> -> memref<!tpu.dma_semaphore, #tpu.memory_space<semaphore_mem>>
    %dma_wait3A_311 = arith.constant 0 : i32
    %dma_wait3A_312 = arith.constant 0 : i32
    %dma_wait3A_313 = tpu.memref_slice %arg2[%dma_wait3A_307, %dma_wait3A_311, %dma_wait3A_312] : memref<8x2048x128xf32, #tpu.memory_space<vmem>> -> memref<1x2048x128xf32, #tpu.memory_space<vmem>>
    %dma_wait3A_314 = tpu.memref_squeeze %dma_wait3A_313 : memref<1x2048x128xf32, #tpu.memory_space<vmem>> -> memref<2048x128xf32, #tpu.memory_space<vmem>>
    %dma_wait3A_315 = arith.constant 0 : i32
    %dma_wait3A_316 = arith.constant 0 : i32
    %dma_wait3A_317 = tpu.memref_slice %arg0[%dma_wait3A_306, %dma_wait3A_315, %dma_wait3A_316] : memref<16x2048x1024xf32, #tpu.memory_space<any>> -> memref<1x2048x128xf32, #tpu.memory_space<any>>
    %dma_wait3A_318 = tpu.memref_squeeze %dma_wait3A_317 : memref<1x2048x128xf32, #tpu.memory_space<any>> -> memref<2048x128xf32, #tpu.memory_space<any>>
    tpu.wait_dma2 semaphore(%dma_wait3A_310 : memref<!tpu.dma_semaphore, #tpu.memory_space<semaphore_mem>>) src(%dma_wait3A_318 : memref<2048x128xf32, #tpu.memory_space<any>>) dst(%dma_wait3A_314 : memref<2048x128xf32, #tpu.memory_space<vmem>>)
    %get3A_319 = arith.constant 4 : index
    %get3A_320 = arith.constant 0 : index
    %get3A_321 = arith.constant 0 : index
    %get3A_322 = vector.load %arg2[%get3A_319, %get3A_320, %get3A_321] : memref<8x2048x128xf32, #tpu.memory_space<vmem>>, vector<1x2048x128xf32>
    %get3A_323 = vector.shape_cast %get3A_322 : vector<1x2048x128xf32> to vector<2048x128xf32>
    %abs3A_324 = math.absf %get3A_323 : vector<2048x128xf32>
    %reduce_max3A_325 = arith.constant dense<0xFF800000> : vector<2048xf32>
    %reduce_max3A_326 = vector.multi_reduction <maximumf>, %abs3A_324, %reduce_max3A_325 [1] : vector<2048x128xf32> to vector<2048xf32>
    %broadcast_in_dim3A_327 = vector.shape_cast %reduce_max3A_326 : vector<2048xf32> to vector<2048x1xf32>
    %gt3A_328 = arith.constant 0.000000e+00 : f32
    %gt3A_329 = vector.broadcast %gt3A_328 : f32 to vector<2048x1xf32>
    %gt3A_330 = arith.cmpf ogt, %broadcast_in_dim3A_327, %gt3A_329 : vector<2048x1xf32>
    %convert_element_type3A_331 = arith.extui %gt3A_330 : vector<2048x1xi1> to vector<2048x1xi32>
    %reduce_sum3A_332 = vector.shape_cast %convert_element_type3A_331 : vector<2048x1xi32> to vector<1x2048x1xi32>
    %reduce_sum3A_333 = arith.constant dense<0> : vector<1xi32>
    %reduce_sum3A_334 = vector.multi_reduction <add>, %reduce_sum3A_332, %reduce_sum3A_333 [1, 2] : vector<1x2048x1xi32> to vector<1xi32>
    %reduce_sum3A_335 = vector.shape_cast %reduce_sum3A_334 : vector<1xi32> to vector<1x1x1xi32>
    %reduce_sum3A_336 = vector.extract %reduce_sum3A_335[0, 0, 0] : i32 from vector<1x1x1xi32>
    %sub3A_337 = arith.constant 1 : i32
    %sub3A_338 = arith.subi %reduce_sum3A_336, %sub3A_337 : i32
    %max3A_339 = arith.constant 0 : i32
    %max3A_340 = arith.maxsi %sub3A_338, %max3A_339 : i32
    %swap3A_341 = arith.constant 4 : index
    %swap3A_342 = memref.load %arg4[%swap3A_341] : memref<8xi32, #tpu.memory_space<smem>>
    memref.store %max3A_340, %arg4[%swap3A_341] : memref<8xi32, #tpu.memory_space<smem>>
    %lt3A_343 = arith.constant 2048 : i32
    %lt3A_344 = arith.cmpi slt, %reduce_sum3A_336, %lt3A_343 : i32
    %convert_element_type3A_345 = arith.extui %lt3A_344 : i1 to i32
    %cond3A_346 = arith.constant 0 : i32
    %cond3A_347 = arith.cmpi ne, %convert_element_type3A_345, %cond3A_346 : i32
    scf.if %cond3A_347 {
      %dma_start3A_602 = arith.constant 4 : i32
      %dma_start3A_603 = arith.constant 0 : i32
      %dma_start3A_604 = arith.constant 0 : i32
      %dma_start3A_605 = tpu.memref_slice %arg0[%dma_start3A_602, %dma_start3A_603, %dma_start3A_604] : memref<16x2048x1024xf32, #tpu.memory_space<any>> -> memref<1x2048x1024xf32, #tpu.memory_space<any>>
      %dma_start3A_606 = tpu.memref_squeeze %dma_start3A_605 : memref<1x2048x1024xf32, #tpu.memory_space<any>> -> memref<2048x1024xf32, #tpu.memory_space<any>>
      tpu.enqueue_dma source(%dma_start3A_606 : memref<2048x1024xf32, #tpu.memory_space<any>>) target(%arg3 : memref<2048x1024xf32, #tpu.memory_space<vmem>>) target_semaphore(%arg6 : memref<!tpu.dma_semaphore, #tpu.memory_space<semaphore_mem>>)
      %dma_wait3A_607 = arith.constant 4 : i32
      %dma_wait3A_608 = arith.constant 0 : i32
      %dma_wait3A_609 = arith.constant 0 : i32
      %dma_wait3A_610 = tpu.memref_slice %arg0[%dma_wait3A_607, %dma_wait3A_608, %dma_wait3A_609] : memref<16x2048x1024xf32, #tpu.memory_space<any>> -> memref<1x2048x1024xf32, #tpu.memory_space<any>>
      %dma_wait3A_611 = tpu.memref_squeeze %dma_wait3A_610 : memref<1x2048x1024xf32, #tpu.memory_space<any>> -> memref<2048x1024xf32, #tpu.memory_space<any>>
      tpu.wait_dma2 semaphore(%arg6 : memref<!tpu.dma_semaphore, #tpu.memory_space<semaphore_mem>>) src(%dma_wait3A_611 : memref<2048x1024xf32, #tpu.memory_space<any>>) dst(%arg3 : memref<2048x1024xf32, #tpu.memory_space<vmem>>)
      %get3A_612 = arith.constant 0 : index
      %get3A_613 = arith.constant 0 : index
      %get3A_614 = vector.load %arg3[%get3A_612, %get3A_613] : memref<2048x1024xf32, #tpu.memory_space<vmem>>, vector<2048x1024xf32>
      %abs3A_615 = math.absf %get3A_614 : vector<2048x1024xf32>
      %reduce_max3A_616 = arith.constant dense<0xFF800000> : vector<2048xf32>
      %reduce_max3A_617 = vector.multi_reduction <maximumf>, %abs3A_615, %reduce_max3A_616 [1] : vector<2048x1024xf32> to vector<2048xf32>
      %broadcast_in_dim3A_618 = vector.shape_cast %reduce_max3A_617 : vector<2048xf32> to vector<2048x1xf32>
      %gt3A_619 = arith.constant 0.000000e+00 : f32
      %gt3A_620 = vector.broadcast %gt3A_619 : f32 to vector<2048x1xf32>
      %gt3A_621 = arith.cmpf ogt, %broadcast_in_dim3A_618, %gt3A_620 : vector<2048x1xf32>
      %convert_element_type3A_622 = arith.extui %gt3A_621 : vector<2048x1xi1> to vector<2048x1xi32>
      %reduce_sum3A_623 = vector.shape_cast %convert_element_type3A_622 : vector<2048x1xi32> to vector<1x2048x1xi32>
      %reduce_sum3A_624 = arith.constant dense<0> : vector<1xi32>
      %reduce_sum3A_625 = vector.multi_reduction <add>, %reduce_sum3A_623, %reduce_sum3A_624 [1, 2] : vector<1x2048x1xi32> to vector<1xi32>
      %reduce_sum3A_626 = vector.shape_cast %reduce_sum3A_625 : vector<1xi32> to vector<1x1x1xi32>
      %reduce_sum3A_627 = vector.extract %reduce_sum3A_626[0, 0, 0] : i32 from vector<1x1x1xi32>
      %sub3A_628 = arith.constant 1 : i32
      %sub3A_629 = arith.subi %reduce_sum3A_627, %sub3A_628 : i32
      %max3A_630 = arith.constant 0 : i32
      %max3A_631 = arith.maxsi %sub3A_629, %max3A_630 : i32
      %swap3A_632 = arith.constant 4 : index
      %swap3A_633 = memref.load %arg4[%swap3A_632] : memref<8xi32, #tpu.memory_space<smem>>
      memref.store %max3A_631, %arg4[%swap3A_632] : memref<8xi32, #tpu.memory_space<smem>>
    } else {
    }
    %get3A_348 = arith.constant 4 : index
    %get3A_349 = memref.load %arg4[%get3A_348] : memref<8xi32, #tpu.memory_space<smem>>
    %dma_start3A_350 = arith.constant 4 : i32
    %dma_start3A_351 = arith.constant 4 : i32
    %dma_start3A_352 = tpu.memref_slice %arg7[%dma_start3A_351] : memref<8x!tpu.dma_semaphore, #tpu.memory_space<semaphore_mem>> -> memref<1x!tpu.dma_semaphore, #tpu.memory_space<semaphore_mem>>
    %dma_start3A_353 = tpu.memref_squeeze %dma_start3A_352 : memref<1x!tpu.dma_semaphore, #tpu.memory_space<semaphore_mem>> -> memref<!tpu.dma_semaphore, #tpu.memory_space<semaphore_mem>>
    %dma_start3A_354 = arith.constant 4 : i32
    %dma_start3A_355 = arith.constant 0 : i32
    %dma_start3A_356 = tpu.memref_slice %arg1[%dma_start3A_354, %dma_start3A_355] : memref<8x1024xf32, #tpu.memory_space<vmem>> -> memref<1x1024xf32, #tpu.memory_space<vmem>>
    %dma_start3A_357 = arith.constant 0 : i32
    %dma_start3A_358 = tpu.memref_slice %arg0[%dma_start3A_350, %get3A_349, %dma_start3A_357] : memref<16x2048x1024xf32, #tpu.memory_space<any>> -> memref<1x1x1024xf32, #tpu.memory_space<any>>
    %dma_start3A_359 = tpu.memref_squeeze %dma_start3A_358 : memref<1x1x1024xf32, #tpu.memory_space<any>> -> memref<1x1024xf32, #tpu.memory_space<any>>
    tpu.enqueue_dma source(%dma_start3A_359 : memref<1x1024xf32, #tpu.memory_space<any>>) target(%dma_start3A_356 : memref<1x1024xf32, #tpu.memory_space<vmem>>) target_semaphore(%dma_start3A_353 : memref<!tpu.dma_semaphore, #tpu.memory_space<semaphore_mem>>)
    %dma_wait3A_360 = arith.constant 5 : i32
    %dma_wait3A_361 = arith.constant 5 : i32
    %dma_wait3A_362 = arith.constant 5 : i32
    %dma_wait3A_363 = tpu.memref_slice %arg5[%dma_wait3A_362] : memref<8x!tpu.dma_semaphore, #tpu.memory_space<semaphore_mem>> -> memref<1x!tpu.dma_semaphore, #tpu.memory_space<semaphore_mem>>
    %dma_wait3A_364 = tpu.memref_squeeze %dma_wait3A_363 : memref<1x!tpu.dma_semaphore, #tpu.memory_space<semaphore_mem>> -> memref<!tpu.dma_semaphore, #tpu.memory_space<semaphore_mem>>
    %dma_wait3A_365 = arith.constant 0 : i32
    %dma_wait3A_366 = arith.constant 0 : i32
    %dma_wait3A_367 = tpu.memref_slice %arg2[%dma_wait3A_361, %dma_wait3A_365, %dma_wait3A_366] : memref<8x2048x128xf32, #tpu.memory_space<vmem>> -> memref<1x2048x128xf32, #tpu.memory_space<vmem>>
    %dma_wait3A_368 = tpu.memref_squeeze %dma_wait3A_367 : memref<1x2048x128xf32, #tpu.memory_space<vmem>> -> memref<2048x128xf32, #tpu.memory_space<vmem>>
    %dma_wait3A_369 = arith.constant 0 : i32
    %dma_wait3A_370 = arith.constant 0 : i32
    %dma_wait3A_371 = tpu.memref_slice %arg0[%dma_wait3A_360, %dma_wait3A_369, %dma_wait3A_370] : memref<16x2048x1024xf32, #tpu.memory_space<any>> -> memref<1x2048x128xf32, #tpu.memory_space<any>>
    %dma_wait3A_372 = tpu.memref_squeeze %dma_wait3A_371 : memref<1x2048x128xf32, #tpu.memory_space<any>> -> memref<2048x128xf32, #tpu.memory_space<any>>
    tpu.wait_dma2 semaphore(%dma_wait3A_364 : memref<!tpu.dma_semaphore, #tpu.memory_space<semaphore_mem>>) src(%dma_wait3A_372 : memref<2048x128xf32, #tpu.memory_space<any>>) dst(%dma_wait3A_368 : memref<2048x128xf32, #tpu.memory_space<vmem>>)
    %get3A_373 = arith.constant 5 : index
    %get3A_374 = arith.constant 0 : index
    %get3A_375 = arith.constant 0 : index
    %get3A_376 = vector.load %arg2[%get3A_373, %get3A_374, %get3A_375] : memref<8x2048x128xf32, #tpu.memory_space<vmem>>, vector<1x2048x128xf32>
    %get3A_377 = vector.shape_cast %get3A_376 : vector<1x2048x128xf32> to vector<2048x128xf32>
    %abs3A_378 = math.absf %get3A_377 : vector<2048x128xf32>
    %reduce_max3A_379 = arith.constant dense<0xFF800000> : vector<2048xf32>
    %reduce_max3A_380 = vector.multi_reduction <maximumf>, %abs3A_378, %reduce_max3A_379 [1] : vector<2048x128xf32> to vector<2048xf32>
    %broadcast_in_dim3A_381 = vector.shape_cast %reduce_max3A_380 : vector<2048xf32> to vector<2048x1xf32>
    %gt3A_382 = arith.constant 0.000000e+00 : f32
    %gt3A_383 = vector.broadcast %gt3A_382 : f32 to vector<2048x1xf32>
    %gt3A_384 = arith.cmpf ogt, %broadcast_in_dim3A_381, %gt3A_383 : vector<2048x1xf32>
    %convert_element_type3A_385 = arith.extui %gt3A_384 : vector<2048x1xi1> to vector<2048x1xi32>
    %reduce_sum3A_386 = vector.shape_cast %convert_element_type3A_385 : vector<2048x1xi32> to vector<1x2048x1xi32>
    %reduce_sum3A_387 = arith.constant dense<0> : vector<1xi32>
    %reduce_sum3A_388 = vector.multi_reduction <add>, %reduce_sum3A_386, %reduce_sum3A_387 [1, 2] : vector<1x2048x1xi32> to vector<1xi32>
    %reduce_sum3A_389 = vector.shape_cast %reduce_sum3A_388 : vector<1xi32> to vector<1x1x1xi32>
    %reduce_sum3A_390 = vector.extract %reduce_sum3A_389[0, 0, 0] : i32 from vector<1x1x1xi32>
    %sub3A_391 = arith.constant 1 : i32
    %sub3A_392 = arith.subi %reduce_sum3A_390, %sub3A_391 : i32
    %max3A_393 = arith.constant 0 : i32
    %max3A_394 = arith.maxsi %sub3A_392, %max3A_393 : i32
    %swap3A_395 = arith.constant 5 : index
    %swap3A_396 = memref.load %arg4[%swap3A_395] : memref<8xi32, #tpu.memory_space<smem>>
    memref.store %max3A_394, %arg4[%swap3A_395] : memref<8xi32, #tpu.memory_space<smem>>
    %lt3A_397 = arith.constant 2048 : i32
    %lt3A_398 = arith.cmpi slt, %reduce_sum3A_390, %lt3A_397 : i32
    %convert_element_type3A_399 = arith.extui %lt3A_398 : i1 to i32
    %cond3A_400 = arith.constant 0 : i32
    %cond3A_401 = arith.cmpi ne, %convert_element_type3A_399, %cond3A_400 : i32
    scf.if %cond3A_401 {
      %dma_start3A_602 = arith.constant 5 : i32
      %dma_start3A_603 = arith.constant 0 : i32
      %dma_start3A_604 = arith.constant 0 : i32
      %dma_start3A_605 = tpu.memref_slice %arg0[%dma_start3A_602, %dma_start3A_603, %dma_start3A_604] : memref<16x2048x1024xf32, #tpu.memory_space<any>> -> memref<1x2048x1024xf32, #tpu.memory_space<any>>
      %dma_start3A_606 = tpu.memref_squeeze %dma_start3A_605 : memref<1x2048x1024xf32, #tpu.memory_space<any>> -> memref<2048x1024xf32, #tpu.memory_space<any>>
      tpu.enqueue_dma source(%dma_start3A_606 : memref<2048x1024xf32, #tpu.memory_space<any>>) target(%arg3 : memref<2048x1024xf32, #tpu.memory_space<vmem>>) target_semaphore(%arg6 : memref<!tpu.dma_semaphore, #tpu.memory_space<semaphore_mem>>)
      %dma_wait3A_607 = arith.constant 5 : i32
      %dma_wait3A_608 = arith.constant 0 : i32
      %dma_wait3A_609 = arith.constant 0 : i32
      %dma_wait3A_610 = tpu.memref_slice %arg0[%dma_wait3A_607, %dma_wait3A_608, %dma_wait3A_609] : memref<16x2048x1024xf32, #tpu.memory_space<any>> -> memref<1x2048x1024xf32, #tpu.memory_space<any>>
      %dma_wait3A_611 = tpu.memref_squeeze %dma_wait3A_610 : memref<1x2048x1024xf32, #tpu.memory_space<any>> -> memref<2048x1024xf32, #tpu.memory_space<any>>
      tpu.wait_dma2 semaphore(%arg6 : memref<!tpu.dma_semaphore, #tpu.memory_space<semaphore_mem>>) src(%dma_wait3A_611 : memref<2048x1024xf32, #tpu.memory_space<any>>) dst(%arg3 : memref<2048x1024xf32, #tpu.memory_space<vmem>>)
      %get3A_612 = arith.constant 0 : index
      %get3A_613 = arith.constant 0 : index
      %get3A_614 = vector.load %arg3[%get3A_612, %get3A_613] : memref<2048x1024xf32, #tpu.memory_space<vmem>>, vector<2048x1024xf32>
      %abs3A_615 = math.absf %get3A_614 : vector<2048x1024xf32>
      %reduce_max3A_616 = arith.constant dense<0xFF800000> : vector<2048xf32>
      %reduce_max3A_617 = vector.multi_reduction <maximumf>, %abs3A_615, %reduce_max3A_616 [1] : vector<2048x1024xf32> to vector<2048xf32>
      %broadcast_in_dim3A_618 = vector.shape_cast %reduce_max3A_617 : vector<2048xf32> to vector<2048x1xf32>
      %gt3A_619 = arith.constant 0.000000e+00 : f32
      %gt3A_620 = vector.broadcast %gt3A_619 : f32 to vector<2048x1xf32>
      %gt3A_621 = arith.cmpf ogt, %broadcast_in_dim3A_618, %gt3A_620 : vector<2048x1xf32>
      %convert_element_type3A_622 = arith.extui %gt3A_621 : vector<2048x1xi1> to vector<2048x1xi32>
      %reduce_sum3A_623 = vector.shape_cast %convert_element_type3A_622 : vector<2048x1xi32> to vector<1x2048x1xi32>
      %reduce_sum3A_624 = arith.constant dense<0> : vector<1xi32>
      %reduce_sum3A_625 = vector.multi_reduction <add>, %reduce_sum3A_623, %reduce_sum3A_624 [1, 2] : vector<1x2048x1xi32> to vector<1xi32>
      %reduce_sum3A_626 = vector.shape_cast %reduce_sum3A_625 : vector<1xi32> to vector<1x1x1xi32>
      %reduce_sum3A_627 = vector.extract %reduce_sum3A_626[0, 0, 0] : i32 from vector<1x1x1xi32>
      %sub3A_628 = arith.constant 1 : i32
      %sub3A_629 = arith.subi %reduce_sum3A_627, %sub3A_628 : i32
      %max3A_630 = arith.constant 0 : i32
      %max3A_631 = arith.maxsi %sub3A_629, %max3A_630 : i32
      %swap3A_632 = arith.constant 5 : index
      %swap3A_633 = memref.load %arg4[%swap3A_632] : memref<8xi32, #tpu.memory_space<smem>>
      memref.store %max3A_631, %arg4[%swap3A_632] : memref<8xi32, #tpu.memory_space<smem>>
    } else {
    }
    %get3A_402 = arith.constant 5 : index
    %get3A_403 = memref.load %arg4[%get3A_402] : memref<8xi32, #tpu.memory_space<smem>>
    %dma_start3A_404 = arith.constant 5 : i32
    %dma_start3A_405 = arith.constant 5 : i32
    %dma_start3A_406 = tpu.memref_slice %arg7[%dma_start3A_405] : memref<8x!tpu.dma_semaphore, #tpu.memory_space<semaphore_mem>> -> memref<1x!tpu.dma_semaphore, #tpu.memory_space<semaphore_mem>>
    %dma_start3A_407 = tpu.memref_squeeze %dma_start3A_406 : memref<1x!tpu.dma_semaphore, #tpu.memory_space<semaphore_mem>> -> memref<!tpu.dma_semaphore, #tpu.memory_space<semaphore_mem>>
    %dma_start3A_408 = arith.constant 5 : i32
    %dma_start3A_409 = arith.constant 0 : i32
    %dma_start3A_410 = tpu.memref_slice %arg1[%dma_start3A_408, %dma_start3A_409] : memref<8x1024xf32, #tpu.memory_space<vmem>> -> memref<1x1024xf32, #tpu.memory_space<vmem>>
    %dma_start3A_411 = arith.constant 0 : i32
    %dma_start3A_412 = tpu.memref_slice %arg0[%dma_start3A_404, %get3A_403, %dma_start3A_411] : memref<16x2048x1024xf32, #tpu.memory_space<any>> -> memref<1x1x1024xf32, #tpu.memory_space<any>>
    %dma_start3A_413 = tpu.memref_squeeze %dma_start3A_412 : memref<1x1x1024xf32, #tpu.memory_space<any>> -> memref<1x1024xf32, #tpu.memory_space<any>>
    tpu.enqueue_dma source(%dma_start3A_413 : memref<1x1024xf32, #tpu.memory_space<any>>) target(%dma_start3A_410 : memref<1x1024xf32, #tpu.memory_space<vmem>>) target_semaphore(%dma_start3A_407 : memref<!tpu.dma_semaphore, #tpu.memory_space<semaphore_mem>>)
    %dma_wait3A_414 = arith.constant 6 : i32
    %dma_wait3A_415 = arith.constant 6 : i32
    %dma_wait3A_416 = arith.constant 6 : i32
    %dma_wait3A_417 = tpu.memref_slice %arg5[%dma_wait3A_416] : memref<8x!tpu.dma_semaphore, #tpu.memory_space<semaphore_mem>> -> memref<1x!tpu.dma_semaphore, #tpu.memory_space<semaphore_mem>>
    %dma_wait3A_418 = tpu.memref_squeeze %dma_wait3A_417 : memref<1x!tpu.dma_semaphore, #tpu.memory_space<semaphore_mem>> -> memref<!tpu.dma_semaphore, #tpu.memory_space<semaphore_mem>>
    %dma_wait3A_419 = arith.constant 0 : i32
    %dma_wait3A_420 = arith.constant 0 : i32
    %dma_wait3A_421 = tpu.memref_slice %arg2[%dma_wait3A_415, %dma_wait3A_419, %dma_wait3A_420] : memref<8x2048x128xf32, #tpu.memory_space<vmem>> -> memref<1x2048x128xf32, #tpu.memory_space<vmem>>
    %dma_wait3A_422 = tpu.memref_squeeze %dma_wait3A_421 : memref<1x2048x128xf32, #tpu.memory_space<vmem>> -> memref<2048x128xf32, #tpu.memory_space<vmem>>
    %dma_wait3A_423 = arith.constant 0 : i32
    %dma_wait3A_424 = arith.constant 0 : i32
    %dma_wait3A_425 = tpu.memref_slice %arg0[%dma_wait3A_414, %dma_wait3A_423, %dma_wait3A_424] : memref<16x2048x1024xf32, #tpu.memory_space<any>> -> memref<1x2048x128xf32, #tpu.memory_space<any>>
    %dma_wait3A_426 = tpu.memref_squeeze %dma_wait3A_425 : memref<1x2048x128xf32, #tpu.memory_space<any>> -> memref<2048x128xf32, #tpu.memory_space<any>>
    tpu.wait_dma2 semaphore(%dma_wait3A_418 : memref<!tpu.dma_semaphore, #tpu.memory_space<semaphore_mem>>) src(%dma_wait3A_426 : memref<2048x128xf32, #tpu.memory_space<any>>) dst(%dma_wait3A_422 : memref<2048x128xf32, #tpu.memory_space<vmem>>)
    %get3A_427 = arith.constant 6 : index
    %get3A_428 = arith.constant 0 : index
    %get3A_429 = arith.constant 0 : index
    %get3A_430 = vector.load %arg2[%get3A_427, %get3A_428, %get3A_429] : memref<8x2048x128xf32, #tpu.memory_space<vmem>>, vector<1x2048x128xf32>
    %get3A_431 = vector.shape_cast %get3A_430 : vector<1x2048x128xf32> to vector<2048x128xf32>
    %abs3A_432 = math.absf %get3A_431 : vector<2048x128xf32>
    %reduce_max3A_433 = arith.constant dense<0xFF800000> : vector<2048xf32>
    %reduce_max3A_434 = vector.multi_reduction <maximumf>, %abs3A_432, %reduce_max3A_433 [1] : vector<2048x128xf32> to vector<2048xf32>
    %broadcast_in_dim3A_435 = vector.shape_cast %reduce_max3A_434 : vector<2048xf32> to vector<2048x1xf32>
    %gt3A_436 = arith.constant 0.000000e+00 : f32
    %gt3A_437 = vector.broadcast %gt3A_436 : f32 to vector<2048x1xf32>
    %gt3A_438 = arith.cmpf ogt, %broadcast_in_dim3A_435, %gt3A_437 : vector<2048x1xf32>
    %convert_element_type3A_439 = arith.extui %gt3A_438 : vector<2048x1xi1> to vector<2048x1xi32>
    %reduce_sum3A_440 = vector.shape_cast %convert_element_type3A_439 : vector<2048x1xi32> to vector<1x2048x1xi32>
    %reduce_sum3A_441 = arith.constant dense<0> : vector<1xi32>
    %reduce_sum3A_442 = vector.multi_reduction <add>, %reduce_sum3A_440, %reduce_sum3A_441 [1, 2] : vector<1x2048x1xi32> to vector<1xi32>
    %reduce_sum3A_443 = vector.shape_cast %reduce_sum3A_442 : vector<1xi32> to vector<1x1x1xi32>
    %reduce_sum3A_444 = vector.extract %reduce_sum3A_443[0, 0, 0] : i32 from vector<1x1x1xi32>
    %sub3A_445 = arith.constant 1 : i32
    %sub3A_446 = arith.subi %reduce_sum3A_444, %sub3A_445 : i32
    %max3A_447 = arith.constant 0 : i32
    %max3A_448 = arith.maxsi %sub3A_446, %max3A_447 : i32
    %swap3A_449 = arith.constant 6 : index
    %swap3A_450 = memref.load %arg4[%swap3A_449] : memref<8xi32, #tpu.memory_space<smem>>
    memref.store %max3A_448, %arg4[%swap3A_449] : memref<8xi32, #tpu.memory_space<smem>>
    %lt3A_451 = arith.constant 2048 : i32
    %lt3A_452 = arith.cmpi slt, %reduce_sum3A_444, %lt3A_451 : i32
    %convert_element_type3A_453 = arith.extui %lt3A_452 : i1 to i32
    %cond3A_454 = arith.constant 0 : i32
    %cond3A_455 = arith.cmpi ne, %convert_element_type3A_453, %cond3A_454 : i32
    scf.if %cond3A_455 {
      %dma_start3A_602 = arith.constant 6 : i32
      %dma_start3A_603 = arith.constant 0 : i32
      %dma_start3A_604 = arith.constant 0 : i32
      %dma_start3A_605 = tpu.memref_slice %arg0[%dma_start3A_602, %dma_start3A_603, %dma_start3A_604] : memref<16x2048x1024xf32, #tpu.memory_space<any>> -> memref<1x2048x1024xf32, #tpu.memory_space<any>>
      %dma_start3A_606 = tpu.memref_squeeze %dma_start3A_605 : memref<1x2048x1024xf32, #tpu.memory_space<any>> -> memref<2048x1024xf32, #tpu.memory_space<any>>
      tpu.enqueue_dma source(%dma_start3A_606 : memref<2048x1024xf32, #tpu.memory_space<any>>) target(%arg3 : memref<2048x1024xf32, #tpu.memory_space<vmem>>) target_semaphore(%arg6 : memref<!tpu.dma_semaphore, #tpu.memory_space<semaphore_mem>>)
      %dma_wait3A_607 = arith.constant 6 : i32
      %dma_wait3A_608 = arith.constant 0 : i32
      %dma_wait3A_609 = arith.constant 0 : i32
      %dma_wait3A_610 = tpu.memref_slice %arg0[%dma_wait3A_607, %dma_wait3A_608, %dma_wait3A_609] : memref<16x2048x1024xf32, #tpu.memory_space<any>> -> memref<1x2048x1024xf32, #tpu.memory_space<any>>
      %dma_wait3A_611 = tpu.memref_squeeze %dma_wait3A_610 : memref<1x2048x1024xf32, #tpu.memory_space<any>> -> memref<2048x1024xf32, #tpu.memory_space<any>>
      tpu.wait_dma2 semaphore(%arg6 : memref<!tpu.dma_semaphore, #tpu.memory_space<semaphore_mem>>) src(%dma_wait3A_611 : memref<2048x1024xf32, #tpu.memory_space<any>>) dst(%arg3 : memref<2048x1024xf32, #tpu.memory_space<vmem>>)
      %get3A_612 = arith.constant 0 : index
      %get3A_613 = arith.constant 0 : index
      %get3A_614 = vector.load %arg3[%get3A_612, %get3A_613] : memref<2048x1024xf32, #tpu.memory_space<vmem>>, vector<2048x1024xf32>
      %abs3A_615 = math.absf %get3A_614 : vector<2048x1024xf32>
      %reduce_max3A_616 = arith.constant dense<0xFF800000> : vector<2048xf32>
      %reduce_max3A_617 = vector.multi_reduction <maximumf>, %abs3A_615, %reduce_max3A_616 [1] : vector<2048x1024xf32> to vector<2048xf32>
      %broadcast_in_dim3A_618 = vector.shape_cast %reduce_max3A_617 : vector<2048xf32> to vector<2048x1xf32>
      %gt3A_619 = arith.constant 0.000000e+00 : f32
      %gt3A_620 = vector.broadcast %gt3A_619 : f32 to vector<2048x1xf32>
      %gt3A_621 = arith.cmpf ogt, %broadcast_in_dim3A_618, %gt3A_620 : vector<2048x1xf32>
      %convert_element_type3A_622 = arith.extui %gt3A_621 : vector<2048x1xi1> to vector<2048x1xi32>
      %reduce_sum3A_623 = vector.shape_cast %convert_element_type3A_622 : vector<2048x1xi32> to vector<1x2048x1xi32>
      %reduce_sum3A_624 = arith.constant dense<0> : vector<1xi32>
      %reduce_sum3A_625 = vector.multi_reduction <add>, %reduce_sum3A_623, %reduce_sum3A_624 [1, 2] : vector<1x2048x1xi32> to vector<1xi32>
      %reduce_sum3A_626 = vector.shape_cast %reduce_sum3A_625 : vector<1xi32> to vector<1x1x1xi32>
      %reduce_sum3A_627 = vector.extract %reduce_sum3A_626[0, 0, 0] : i32 from vector<1x1x1xi32>
      %sub3A_628 = arith.constant 1 : i32
      %sub3A_629 = arith.subi %reduce_sum3A_627, %sub3A_628 : i32
      %max3A_630 = arith.constant 0 : i32
      %max3A_631 = arith.maxsi %sub3A_629, %max3A_630 : i32
      %swap3A_632 = arith.constant 6 : index
      %swap3A_633 = memref.load %arg4[%swap3A_632] : memref<8xi32, #tpu.memory_space<smem>>
      memref.store %max3A_631, %arg4[%swap3A_632] : memref<8xi32, #tpu.memory_space<smem>>
    } else {
    }
    %get3A_456 = arith.constant 6 : index
    %get3A_457 = memref.load %arg4[%get3A_456] : memref<8xi32, #tpu.memory_space<smem>>
    %dma_start3A_458 = arith.constant 6 : i32
    %dma_start3A_459 = arith.constant 6 : i32
    %dma_start3A_460 = tpu.memref_slice %arg7[%dma_start3A_459] : memref<8x!tpu.dma_semaphore, #tpu.memory_space<semaphore_mem>> -> memref<1x!tpu.dma_semaphore, #tpu.memory_space<semaphore_mem>>
    %dma_start3A_461 = tpu.memref_squeeze %dma_start3A_460 : memref<1x!tpu.dma_semaphore, #tpu.memory_space<semaphore_mem>> -> memref<!tpu.dma_semaphore, #tpu.memory_space<semaphore_mem>>
    %dma_start3A_462 = arith.constant 6 : i32
    %dma_start3A_463 = arith.constant 0 : i32
    %dma_start3A_464 = tpu.memref_slice %arg1[%dma_start3A_462, %dma_start3A_463] : memref<8x1024xf32, #tpu.memory_space<vmem>> -> memref<1x1024xf32, #tpu.memory_space<vmem>>
    %dma_start3A_465 = arith.constant 0 : i32
    %dma_start3A_466 = tpu.memref_slice %arg0[%dma_start3A_458, %get3A_457, %dma_start3A_465] : memref<16x2048x1024xf32, #tpu.memory_space<any>> -> memref<1x1x1024xf32, #tpu.memory_space<any>>
    %dma_start3A_467 = tpu.memref_squeeze %dma_start3A_466 : memref<1x1x1024xf32, #tpu.memory_space<any>> -> memref<1x1024xf32, #tpu.memory_space<any>>
    tpu.enqueue_dma source(%dma_start3A_467 : memref<1x1024xf32, #tpu.memory_space<any>>) target(%dma_start3A_464 : memref<1x1024xf32, #tpu.memory_space<vmem>>) target_semaphore(%dma_start3A_461 : memref<!tpu.dma_semaphore, #tpu.memory_space<semaphore_mem>>)
    %dma_wait3A_468 = arith.constant 7 : i32
    %dma_wait3A_469 = arith.constant 7 : i32
    %dma_wait3A_470 = arith.constant 7 : i32
    %dma_wait3A_471 = tpu.memref_slice %arg5[%dma_wait3A_470] : memref<8x!tpu.dma_semaphore, #tpu.memory_space<semaphore_mem>> -> memref<1x!tpu.dma_semaphore, #tpu.memory_space<semaphore_mem>>
    %dma_wait3A_472 = tpu.memref_squeeze %dma_wait3A_471 : memref<1x!tpu.dma_semaphore, #tpu.memory_space<semaphore_mem>> -> memref<!tpu.dma_semaphore, #tpu.memory_space<semaphore_mem>>
    %dma_wait3A_473 = arith.constant 0 : i32
    %dma_wait3A_474 = arith.constant 0 : i32
    %dma_wait3A_475 = tpu.memref_slice %arg2[%dma_wait3A_469, %dma_wait3A_473, %dma_wait3A_474] : memref<8x2048x128xf32, #tpu.memory_space<vmem>> -> memref<1x2048x128xf32, #tpu.memory_space<vmem>>
    %dma_wait3A_476 = tpu.memref_squeeze %dma_wait3A_475 : memref<1x2048x128xf32, #tpu.memory_space<vmem>> -> memref<2048x128xf32, #tpu.memory_space<vmem>>
    %dma_wait3A_477 = arith.constant 0 : i32
    %dma_wait3A_478 = arith.constant 0 : i32
    %dma_wait3A_479 = tpu.memref_slice %arg0[%dma_wait3A_468, %dma_wait3A_477, %dma_wait3A_478] : memref<16x2048x1024xf32, #tpu.memory_space<any>> -> memref<1x2048x128xf32, #tpu.memory_space<any>>
    %dma_wait3A_480 = tpu.memref_squeeze %dma_wait3A_479 : memref<1x2048x128xf32, #tpu.memory_space<any>> -> memref<2048x128xf32, #tpu.memory_space<any>>
    tpu.wait_dma2 semaphore(%dma_wait3A_472 : memref<!tpu.dma_semaphore, #tpu.memory_space<semaphore_mem>>) src(%dma_wait3A_480 : memref<2048x128xf32, #tpu.memory_space<any>>) dst(%dma_wait3A_476 : memref<2048x128xf32, #tpu.memory_space<vmem>>)
    %get3A_481 = arith.constant 7 : index
    %get3A_482 = arith.constant 0 : index
    %get3A_483 = arith.constant 0 : index
    %get3A_484 = vector.load %arg2[%get3A_481, %get3A_482, %get3A_483] : memref<8x2048x128xf32, #tpu.memory_space<vmem>>, vector<1x2048x128xf32>
    %get3A_485 = vector.shape_cast %get3A_484 : vector<1x2048x128xf32> to vector<2048x128xf32>
    %abs3A_486 = math.absf %get3A_485 : vector<2048x128xf32>
    %reduce_max3A_487 = arith.constant dense<0xFF800000> : vector<2048xf32>
    %reduce_max3A_488 = vector.multi_reduction <maximumf>, %abs3A_486, %reduce_max3A_487 [1] : vector<2048x128xf32> to vector<2048xf32>
    %broadcast_in_dim3A_489 = vector.shape_cast %reduce_max3A_488 : vector<2048xf32> to vector<2048x1xf32>
    %gt3A_490 = arith.constant 0.000000e+00 : f32
    %gt3A_491 = vector.broadcast %gt3A_490 : f32 to vector<2048x1xf32>
    %gt3A_492 = arith.cmpf ogt, %broadcast_in_dim3A_489, %gt3A_491 : vector<2048x1xf32>
    %convert_element_type3A_493 = arith.extui %gt3A_492 : vector<2048x1xi1> to vector<2048x1xi32>
    %reduce_sum3A_494 = vector.shape_cast %convert_element_type3A_493 : vector<2048x1xi32> to vector<1x2048x1xi32>
    %reduce_sum3A_495 = arith.constant dense<0> : vector<1xi32>
    %reduce_sum3A_496 = vector.multi_reduction <add>, %reduce_sum3A_494, %reduce_sum3A_495 [1, 2] : vector<1x2048x1xi32> to vector<1xi32>
    %reduce_sum3A_497 = vector.shape_cast %reduce_sum3A_496 : vector<1xi32> to vector<1x1x1xi32>
    %reduce_sum3A_498 = vector.extract %reduce_sum3A_497[0, 0, 0] : i32 from vector<1x1x1xi32>
    %sub3A_499 = arith.constant 1 : i32
    %sub3A_500 = arith.subi %reduce_sum3A_498, %sub3A_499 : i32
    %max3A_501 = arith.constant 0 : i32
    %max3A_502 = arith.maxsi %sub3A_500, %max3A_501 : i32
    %swap3A_503 = arith.constant 7 : index
    %swap3A_504 = memref.load %arg4[%swap3A_503] : memref<8xi32, #tpu.memory_space<smem>>
    memref.store %max3A_502, %arg4[%swap3A_503] : memref<8xi32, #tpu.memory_space<smem>>
    %lt3A_505 = arith.constant 2048 : i32
    %lt3A_506 = arith.cmpi slt, %reduce_sum3A_498, %lt3A_505 : i32
    %convert_element_type3A_507 = arith.extui %lt3A_506 : i1 to i32
    %cond3A_508 = arith.constant 0 : i32
    %cond3A_509 = arith.cmpi ne, %convert_element_type3A_507, %cond3A_508 : i32
    scf.if %cond3A_509 {
      %dma_start3A_602 = arith.constant 7 : i32
      %dma_start3A_603 = arith.constant 0 : i32
      %dma_start3A_604 = arith.constant 0 : i32
      %dma_start3A_605 = tpu.memref_slice %arg0[%dma_start3A_602, %dma_start3A_603, %dma_start3A_604] : memref<16x2048x1024xf32, #tpu.memory_space<any>> -> memref<1x2048x1024xf32, #tpu.memory_space<any>>
      %dma_start3A_606 = tpu.memref_squeeze %dma_start3A_605 : memref<1x2048x1024xf32, #tpu.memory_space<any>> -> memref<2048x1024xf32, #tpu.memory_space<any>>
      tpu.enqueue_dma source(%dma_start3A_606 : memref<2048x1024xf32, #tpu.memory_space<any>>) target(%arg3 : memref<2048x1024xf32, #tpu.memory_space<vmem>>) target_semaphore(%arg6 : memref<!tpu.dma_semaphore, #tpu.memory_space<semaphore_mem>>)
      %dma_wait3A_607 = arith.constant 7 : i32
      %dma_wait3A_608 = arith.constant 0 : i32
      %dma_wait3A_609 = arith.constant 0 : i32
      %dma_wait3A_610 = tpu.memref_slice %arg0[%dma_wait3A_607, %dma_wait3A_608, %dma_wait3A_609] : memref<16x2048x1024xf32, #tpu.memory_space<any>> -> memref<1x2048x1024xf32, #tpu.memory_space<any>>
      %dma_wait3A_611 = tpu.memref_squeeze %dma_wait3A_610 : memref<1x2048x1024xf32, #tpu.memory_space<any>> -> memref<2048x1024xf32, #tpu.memory_space<any>>
      tpu.wait_dma2 semaphore(%arg6 : memref<!tpu.dma_semaphore, #tpu.memory_space<semaphore_mem>>) src(%dma_wait3A_611 : memref<2048x1024xf32, #tpu.memory_space<any>>) dst(%arg3 : memref<2048x1024xf32, #tpu.memory_space<vmem>>)
      %get3A_612 = arith.constant 0 : index
      %get3A_613 = arith.constant 0 : index
      %get3A_614 = vector.load %arg3[%get3A_612, %get3A_613] : memref<2048x1024xf32, #tpu.memory_space<vmem>>, vector<2048x1024xf32>
      %abs3A_615 = math.absf %get3A_614 : vector<2048x1024xf32>
      %reduce_max3A_616 = arith.constant dense<0xFF800000> : vector<2048xf32>
      %reduce_max3A_617 = vector.multi_reduction <maximumf>, %abs3A_615, %reduce_max3A_616 [1] : vector<2048x1024xf32> to vector<2048xf32>
      %broadcast_in_dim3A_618 = vector.shape_cast %reduce_max3A_617 : vector<2048xf32> to vector<2048x1xf32>
      %gt3A_619 = arith.constant 0.000000e+00 : f32
      %gt3A_620 = vector.broadcast %gt3A_619 : f32 to vector<2048x1xf32>
      %gt3A_621 = arith.cmpf ogt, %broadcast_in_dim3A_618, %gt3A_620 : vector<2048x1xf32>
      %convert_element_type3A_622 = arith.extui %gt3A_621 : vector<2048x1xi1> to vector<2048x1xi32>
      %reduce_sum3A_623 = vector.shape_cast %convert_element_type3A_622 : vector<2048x1xi32> to vector<1x2048x1xi32>
      %reduce_sum3A_624 = arith.constant dense<0> : vector<1xi32>
      %reduce_sum3A_625 = vector.multi_reduction <add>, %reduce_sum3A_623, %reduce_sum3A_624 [1, 2] : vector<1x2048x1xi32> to vector<1xi32>
      %reduce_sum3A_626 = vector.shape_cast %reduce_sum3A_625 : vector<1xi32> to vector<1x1x1xi32>
      %reduce_sum3A_627 = vector.extract %reduce_sum3A_626[0, 0, 0] : i32 from vector<1x1x1xi32>
      %sub3A_628 = arith.constant 1 : i32
      %sub3A_629 = arith.subi %reduce_sum3A_627, %sub3A_628 : i32
      %max3A_630 = arith.constant 0 : i32
      %max3A_631 = arith.maxsi %sub3A_629, %max3A_630 : i32
      %swap3A_632 = arith.constant 7 : index
      %swap3A_633 = memref.load %arg4[%swap3A_632] : memref<8xi32, #tpu.memory_space<smem>>
      memref.store %max3A_631, %arg4[%swap3A_632] : memref<8xi32, #tpu.memory_space<smem>>
    } else {
    }
    %get3A_510 = arith.constant 7 : index
    %get3A_511 = memref.load %arg4[%get3A_510] : memref<8xi32, #tpu.memory_space<smem>>
    %dma_start3A_512 = arith.constant 7 : i32
    %dma_start3A_513 = arith.constant 7 : i32
    %dma_start3A_514 = tpu.memref_slice %arg7[%dma_start3A_513] : memref<8x!tpu.dma_semaphore, #tpu.memory_space<semaphore_mem>> -> memref<1x!tpu.dma_semaphore, #tpu.memory_space<semaphore_mem>>
    %dma_start3A_515 = tpu.memref_squeeze %dma_start3A_514 : memref<1x!tpu.dma_semaphore, #tpu.memory_space<semaphore_mem>> -> memref<!tpu.dma_semaphore, #tpu.memory_space<semaphore_mem>>
    %dma_start3A_516 = arith.constant 7 : i32
    %dma_start3A_517 = arith.constant 0 : i32
    %dma_start3A_518 = tpu.memref_slice %arg1[%dma_start3A_516, %dma_start3A_517] : memref<8x1024xf32, #tpu.memory_space<vmem>> -> memref<1x1024xf32, #tpu.memory_space<vmem>>
    %dma_start3A_519 = arith.constant 0 : i32
    %dma_start3A_520 = tpu.memref_slice %arg0[%dma_start3A_512, %get3A_511, %dma_start3A_519] : memref<16x2048x1024xf32, #tpu.memory_space<any>> -> memref<1x1x1024xf32, #tpu.memory_space<any>>
    %dma_start3A_521 = tpu.memref_squeeze %dma_start3A_520 : memref<1x1x1024xf32, #tpu.memory_space<any>> -> memref<1x1024xf32, #tpu.memory_space<any>>
    tpu.enqueue_dma source(%dma_start3A_521 : memref<1x1024xf32, #tpu.memory_space<any>>) target(%dma_start3A_518 : memref<1x1024xf32, #tpu.memory_space<vmem>>) target_semaphore(%dma_start3A_515 : memref<!tpu.dma_semaphore, #tpu.memory_space<semaphore_mem>>)
    %dma_wait3A_522 = arith.constant 0 : i32
    %dma_wait3A_523 = arith.constant 0 : i32
    %dma_wait3A_524 = tpu.memref_slice %arg7[%dma_wait3A_523] : memref<8x!tpu.dma_semaphore, #tpu.memory_space<semaphore_mem>> -> memref<1x!tpu.dma_semaphore, #tpu.memory_space<semaphore_mem>>
    %dma_wait3A_525 = tpu.memref_squeeze %dma_wait3A_524 : memref<1x!tpu.dma_semaphore, #tpu.memory_space<semaphore_mem>> -> memref<!tpu.dma_semaphore, #tpu.memory_space<semaphore_mem>>
    %dma_wait3A_526 = arith.constant 0 : i32
    %dma_wait3A_527 = arith.constant 0 : i32
    %dma_wait3A_528 = tpu.memref_slice %arg1[%dma_wait3A_526, %dma_wait3A_527] : memref<8x1024xf32, #tpu.memory_space<vmem>> -> memref<1x1024xf32, #tpu.memory_space<vmem>>
    %dma_wait3A_529 = arith.constant 0 : i32
    %dma_wait3A_530 = tpu.memref_slice %arg0[%dma_wait3A_522, %get3A_133, %dma_wait3A_529] : memref<16x2048x1024xf32, #tpu.memory_space<any>> -> memref<1x1x1024xf32, #tpu.memory_space<any>>
    %dma_wait3A_531 = tpu.memref_squeeze %dma_wait3A_530 : memref<1x1x1024xf32, #tpu.memory_space<any>> -> memref<1x1024xf32, #tpu.memory_space<any>>
    tpu.wait_dma2 semaphore(%dma_wait3A_525 : memref<!tpu.dma_semaphore, #tpu.memory_space<semaphore_mem>>) src(%dma_wait3A_531 : memref<1x1024xf32, #tpu.memory_space<any>>) dst(%dma_wait3A_528 : memref<1x1024xf32, #tpu.memory_space<vmem>>)
    %dma_wait3A_532 = arith.constant 1 : i32
    %dma_wait3A_533 = arith.constant 1 : i32
    %dma_wait3A_534 = tpu.memref_slice %arg7[%dma_wait3A_533] : memref<8x!tpu.dma_semaphore, #tpu.memory_space<semaphore_mem>> -> memref<1x!tpu.dma_semaphore, #tpu.memory_space<semaphore_mem>>
    %dma_wait3A_535 = tpu.memref_squeeze %dma_wait3A_534 : memref<1x!tpu.dma_semaphore, #tpu.memory_space<semaphore_mem>> -> memref<!tpu.dma_semaphore, #tpu.memory_space<semaphore_mem>>
    %dma_wait3A_536 = arith.constant 1 : i32
    %dma_wait3A_537 = arith.constant 0 : i32
    %dma_wait3A_538 = tpu.memref_slice %arg1[%dma_wait3A_536, %dma_wait3A_537] : memref<8x1024xf32, #tpu.memory_space<vmem>> -> memref<1x1024xf32, #tpu.memory_space<vmem>>
    %dma_wait3A_539 = arith.constant 0 : i32
    %dma_wait3A_540 = tpu.memref_slice %arg0[%dma_wait3A_532, %get3A_187, %dma_wait3A_539] : memref<16x2048x1024xf32, #tpu.memory_space<any>> -> memref<1x1x1024xf32, #tpu.memory_space<any>>
    %dma_wait3A_541 = tpu.memref_squeeze %dma_wait3A_540 : memref<1x1x1024xf32, #tpu.memory_space<any>> -> memref<1x1024xf32, #tpu.memory_space<any>>
    tpu.wait_dma2 semaphore(%dma_wait3A_535 : memref<!tpu.dma_semaphore, #tpu.memory_space<semaphore_mem>>) src(%dma_wait3A_541 : memref<1x1024xf32, #tpu.memory_space<any>>) dst(%dma_wait3A_538 : memref<1x1024xf32, #tpu.memory_space<vmem>>)
    %dma_wait3A_542 = arith.constant 2 : i32
    %dma_wait3A_543 = arith.constant 2 : i32
    %dma_wait3A_544 = tpu.memref_slice %arg7[%dma_wait3A_543] : memref<8x!tpu.dma_semaphore, #tpu.memory_space<semaphore_mem>> -> memref<1x!tpu.dma_semaphore, #tpu.memory_space<semaphore_mem>>
    %dma_wait3A_545 = tpu.memref_squeeze %dma_wait3A_544 : memref<1x!tpu.dma_semaphore, #tpu.memory_space<semaphore_mem>> -> memref<!tpu.dma_semaphore, #tpu.memory_space<semaphore_mem>>
    %dma_wait3A_546 = arith.constant 2 : i32
    %dma_wait3A_547 = arith.constant 0 : i32
    %dma_wait3A_548 = tpu.memref_slice %arg1[%dma_wait3A_546, %dma_wait3A_547] : memref<8x1024xf32, #tpu.memory_space<vmem>> -> memref<1x1024xf32, #tpu.memory_space<vmem>>
    %dma_wait3A_549 = arith.constant 0 : i32
    %dma_wait3A_550 = tpu.memref_slice %arg0[%dma_wait3A_542, %get3A_241, %dma_wait3A_549] : memref<16x2048x1024xf32, #tpu.memory_space<any>> -> memref<1x1x1024xf32, #tpu.memory_space<any>>
    %dma_wait3A_551 = tpu.memref_squeeze %dma_wait3A_550 : memref<1x1x1024xf32, #tpu.memory_space<any>> -> memref<1x1024xf32, #tpu.memory_space<any>>
    tpu.wait_dma2 semaphore(%dma_wait3A_545 : memref<!tpu.dma_semaphore, #tpu.memory_space<semaphore_mem>>) src(%dma_wait3A_551 : memref<1x1024xf32, #tpu.memory_space<any>>) dst(%dma_wait3A_548 : memref<1x1024xf32, #tpu.memory_space<vmem>>)
    %dma_wait3A_552 = arith.constant 3 : i32
    %dma_wait3A_553 = arith.constant 3 : i32
    %dma_wait3A_554 = tpu.memref_slice %arg7[%dma_wait3A_553] : memref<8x!tpu.dma_semaphore, #tpu.memory_space<semaphore_mem>> -> memref<1x!tpu.dma_semaphore, #tpu.memory_space<semaphore_mem>>
    %dma_wait3A_555 = tpu.memref_squeeze %dma_wait3A_554 : memref<1x!tpu.dma_semaphore, #tpu.memory_space<semaphore_mem>> -> memref<!tpu.dma_semaphore, #tpu.memory_space<semaphore_mem>>
    %dma_wait3A_556 = arith.constant 3 : i32
    %dma_wait3A_557 = arith.constant 0 : i32
    %dma_wait3A_558 = tpu.memref_slice %arg1[%dma_wait3A_556, %dma_wait3A_557] : memref<8x1024xf32, #tpu.memory_space<vmem>> -> memref<1x1024xf32, #tpu.memory_space<vmem>>
    %dma_wait3A_559 = arith.constant 0 : i32
    %dma_wait3A_560 = tpu.memref_slice %arg0[%dma_wait3A_552, %get3A_295, %dma_wait3A_559] : memref<16x2048x1024xf32, #tpu.memory_space<any>> -> memref<1x1x1024xf32, #tpu.memory_space<any>>
    %dma_wait3A_561 = tpu.memref_squeeze %dma_wait3A_560 : memref<1x1x1024xf32, #tpu.memory_space<any>> -> memref<1x1024xf32, #tpu.memory_space<any>>
    tpu.wait_dma2 semaphore(%dma_wait3A_555 : memref<!tpu.dma_semaphore, #tpu.memory_space<semaphore_mem>>) src(%dma_wait3A_561 : memref<1x1024xf32, #tpu.memory_space<any>>) dst(%dma_wait3A_558 : memref<1x1024xf32, #tpu.memory_space<vmem>>)
    %dma_wait3A_562 = arith.constant 4 : i32
    %dma_wait3A_563 = arith.constant 4 : i32
    %dma_wait3A_564 = tpu.memref_slice %arg7[%dma_wait3A_563] : memref<8x!tpu.dma_semaphore, #tpu.memory_space<semaphore_mem>> -> memref<1x!tpu.dma_semaphore, #tpu.memory_space<semaphore_mem>>
    %dma_wait3A_565 = tpu.memref_squeeze %dma_wait3A_564 : memref<1x!tpu.dma_semaphore, #tpu.memory_space<semaphore_mem>> -> memref<!tpu.dma_semaphore, #tpu.memory_space<semaphore_mem>>
    %dma_wait3A_566 = arith.constant 4 : i32
    %dma_wait3A_567 = arith.constant 0 : i32
    %dma_wait3A_568 = tpu.memref_slice %arg1[%dma_wait3A_566, %dma_wait3A_567] : memref<8x1024xf32, #tpu.memory_space<vmem>> -> memref<1x1024xf32, #tpu.memory_space<vmem>>
    %dma_wait3A_569 = arith.constant 0 : i32
    %dma_wait3A_570 = tpu.memref_slice %arg0[%dma_wait3A_562, %get3A_349, %dma_wait3A_569] : memref<16x2048x1024xf32, #tpu.memory_space<any>> -> memref<1x1x1024xf32, #tpu.memory_space<any>>
    %dma_wait3A_571 = tpu.memref_squeeze %dma_wait3A_570 : memref<1x1x1024xf32, #tpu.memory_space<any>> -> memref<1x1024xf32, #tpu.memory_space<any>>
    tpu.wait_dma2 semaphore(%dma_wait3A_565 : memref<!tpu.dma_semaphore, #tpu.memory_space<semaphore_mem>>) src(%dma_wait3A_571 : memref<1x1024xf32, #tpu.memory_space<any>>) dst(%dma_wait3A_568 : memref<1x1024xf32, #tpu.memory_space<vmem>>)
    %dma_wait3A_572 = arith.constant 5 : i32
    %dma_wait3A_573 = arith.constant 5 : i32
    %dma_wait3A_574 = tpu.memref_slice %arg7[%dma_wait3A_573] : memref<8x!tpu.dma_semaphore, #tpu.memory_space<semaphore_mem>> -> memref<1x!tpu.dma_semaphore, #tpu.memory_space<semaphore_mem>>
    %dma_wait3A_575 = tpu.memref_squeeze %dma_wait3A_574 : memref<1x!tpu.dma_semaphore, #tpu.memory_space<semaphore_mem>> -> memref<!tpu.dma_semaphore, #tpu.memory_space<semaphore_mem>>
    %dma_wait3A_576 = arith.constant 5 : i32
    %dma_wait3A_577 = arith.constant 0 : i32
    %dma_wait3A_578 = tpu.memref_slice %arg1[%dma_wait3A_576, %dma_wait3A_577] : memref<8x1024xf32, #tpu.memory_space<vmem>> -> memref<1x1024xf32, #tpu.memory_space<vmem>>
    %dma_wait3A_579 = arith.constant 0 : i32
    %dma_wait3A_580 = tpu.memref_slice %arg0[%dma_wait3A_572, %get3A_403, %dma_wait3A_579] : memref<16x2048x1024xf32, #tpu.memory_space<any>> -> memref<1x1x1024xf32, #tpu.memory_space<any>>
    %dma_wait3A_581 = tpu.memref_squeeze %dma_wait3A_580 : memref<1x1x1024xf32, #tpu.memory_space<any>> -> memref<1x1024xf32, #tpu.memory_space<any>>
    tpu.wait_dma2 semaphore(%dma_wait3A_575 : memref<!tpu.dma_semaphore, #tpu.memory_space<semaphore_mem>>) src(%dma_wait3A_581 : memref<1x1024xf32, #tpu.memory_space<any>>) dst(%dma_wait3A_578 : memref<1x1024xf32, #tpu.memory_space<vmem>>)
    %dma_wait3A_582 = arith.constant 6 : i32
    %dma_wait3A_583 = arith.constant 6 : i32
    %dma_wait3A_584 = tpu.memref_slice %arg7[%dma_wait3A_583] : memref<8x!tpu.dma_semaphore, #tpu.memory_space<semaphore_mem>> -> memref<1x!tpu.dma_semaphore, #tpu.memory_space<semaphore_mem>>
    %dma_wait3A_585 = tpu.memref_squeeze %dma_wait3A_584 : memref<1x!tpu.dma_semaphore, #tpu.memory_space<semaphore_mem>> -> memref<!tpu.dma_semaphore, #tpu.memory_space<semaphore_mem>>
    %dma_wait3A_586 = arith.constant 6 : i32
    %dma_wait3A_587 = arith.constant 0 : i32
    %dma_wait3A_588 = tpu.memref_slice %arg1[%dma_wait3A_586, %dma_wait3A_587] : memref<8x1024xf32, #tpu.memory_space<vmem>> -> memref<1x1024xf32, #tpu.memory_space<vmem>>
    %dma_wait3A_589 = arith.constant 0 : i32
    %dma_wait3A_590 = tpu.memref_slice %arg0[%dma_wait3A_582, %get3A_457, %dma_wait3A_589] : memref<16x2048x1024xf32, #tpu.memory_space<any>> -> memref<1x1x1024xf32, #tpu.memory_space<any>>
    %dma_wait3A_591 = tpu.memref_squeeze %dma_wait3A_590 : memref<1x1x1024xf32, #tpu.memory_space<any>> -> memref<1x1024xf32, #tpu.memory_space<any>>
    tpu.wait_dma2 semaphore(%dma_wait3A_585 : memref<!tpu.dma_semaphore, #tpu.memory_space<semaphore_mem>>) src(%dma_wait3A_591 : memref<1x1024xf32, #tpu.memory_space<any>>) dst(%dma_wait3A_588 : memref<1x1024xf32, #tpu.memory_space<vmem>>)
    %dma_wait3A_592 = arith.constant 7 : i32
    %dma_wait3A_593 = arith.constant 7 : i32
    %dma_wait3A_594 = tpu.memref_slice %arg7[%dma_wait3A_593] : memref<8x!tpu.dma_semaphore, #tpu.memory_space<semaphore_mem>> -> memref<1x!tpu.dma_semaphore, #tpu.memory_space<semaphore_mem>>
    %dma_wait3A_595 = tpu.memref_squeeze %dma_wait3A_594 : memref<1x!tpu.dma_semaphore, #tpu.memory_space<semaphore_mem>> -> memref<!tpu.dma_semaphore, #tpu.memory_space<semaphore_mem>>
    %dma_wait3A_596 = arith.constant 7 : i32
    %dma_wait3A_597 = arith.constant 0 : i32
    %dma_wait3A_598 = tpu.memref_slice %arg1[%dma_wait3A_596, %dma_wait3A_597] : memref<8x1024xf32, #tpu.memory_space<vmem>> -> memref<1x1024xf32, #tpu.memory_space<vmem>>
    %dma_wait3A_599 = arith.constant 0 : i32
    %dma_wait3A_600 = tpu.memref_slice %arg0[%dma_wait3A_592, %get3A_511, %dma_wait3A_599] : memref<16x2048x1024xf32, #tpu.memory_space<any>> -> memref<1x1x1024xf32, #tpu.memory_space<any>>
    %dma_wait3A_601 = tpu.memref_squeeze %dma_wait3A_600 : memref<1x1x1024xf32, #tpu.memory_space<any>> -> memref<1x1024xf32, #tpu.memory_space<any>>
    tpu.wait_dma2 semaphore(%dma_wait3A_595 : memref<!tpu.dma_semaphore, #tpu.memory_space<semaphore_mem>>) src(%dma_wait3A_601 : memref<1x1024xf32, #tpu.memory_space<any>>) dst(%dma_wait3A_598 : memref<1x1024xf32, #tpu.memory_space<vmem>>)
    return
  }
}

</mosaic_0001>

<sc_bundles>
// kernel: kernel.4.cloned.1.call-start
scs
__scs_entry_jumppad:
0x0: {  	(pc) =	sbr.rel $0x88, $3  }
0x1: {  	(tag) =	ssettag $0x0;
	lr =	simm.s32 $0x1  }
0x2: {  	[smem:$0x3FA0] =	sst lr;
	_ =	strace $0xD0000000  }
0x3: {  	_ = 	snop  }
0x4: {  	_ = 	snop  }
0x5: {  	_ = 	snop  }
0x6: {  	_ = 	snop  }
0x7: {  	_ = 	snop  }
__scs_overlays_trampoline_lowered:
0x8: {  	[smem:$0x3FAF] =	sst s0  }
0x9: {  	[smem:$0x3FB0] =	sst s1  }
0xa: {  	[smem:$0x3FB1] =	sst s2  }
0xb: {  	[smem:$0x3FB2] =	sst s3  }
0xc: {  	[smem:$0x3FB3] =	sst s4  }
0xd: {  	[smem:$0x3FB4] =	sst s5  }
0xe: {  	[smem:$0x3FB5] =	sst s6  }
0xf: {  	[smem:$0x3FB6] =	sst s7  }
0x10: {  	[smem:$0x3FB7] =	sst s8  }
0x11: {  	[smem:$0x3FB8] =	sst s9;
	s0 =	simm.s32 @!p0 $0x0  }
0x12: {  	s1 =	sld [smem:$0x3F9E];
	s0 =	simm.s32 @p0 $0x1  }
0x13: {  	[smem:$0x3FB9] =	sst s0;
	s0 =	simm.s32 @!p1 $0x0  }
0x14: {  	s2 =	sld [smem:$0x3F9D];
	s0 =	simm.s32 @p1 $0x1  }
0x15: {  	[smem:$0x3FBA] =	sst s0;
	s0 =	simm.s32 @!p2 $0x0  }
0x16: {  	s3 =	sld [smem:$0x3FDB];
	s0 =	simm.s32 @p2 $0x1  }
0x17: {  	s4 =	simm.s32 $0x1BF5;
	[smem:$0x3FBC] =	sst s0  }
0x18: {  	s0 =	sld [smem:$0x3F9F];
	_ =	swait.ge [sflag:s4], $0x0  }
0x19: {  	s7 =	sld [smem:$0x3FA0]  }
0x1a: {  	s8 =	sadd.s32 $0xFFFFE003, lr  }
0x1b: {  	s9 =	sadd.s32 $0xFFFFFEF7, lr;
	s5 =	simm.s32 $0xFFFFFFFF;
	p2 =	slt.u32 s8, $0xFFFFF086  }
0x1c: {  	p1 =	slt.u32 s9, $0xF7A;
	s5 =	simm.s32 @!p2 $0x0  }
0x1d: {  	s5 =	simm.s32 @p1 $0x1;
	p0 =	seq.s32 s7, s2  }
0x1e: {  	s7 =	smul.u32 @!p0 $0xF7A, s2;
	p2 =	seq.s32 @!p0 s5, $0x0  }
0x1f: {  	s9 =	smul.u32 $0xF7A, s1;
	s8 =	simm.s32 @!p0 $0x1BF5;
	p2 =	por !p2, p0  }
0x20: {  	[sflag:s8] =	ssyncset.s32 @!p0 $0xFFFFF086;
	s6 =	sadd.s32 @!p0 s3, s7;
	s7 =	simm.s32 @!p0 $0x108  }
0x21: {  	s3 =	sadd.s32 s3, s9;
	s6 =	sadd.s32 @!p0 $0x88, s6;
	s7 =	simm.s32 @p2 $0x1082  }
0x22: {  	[simem:s7], [sflag:s8] =	dma.local @!p0 [hbm:s6], $0xF7A  }
0x23: {  	s9 =	sor.u32 $0xD0000000, s2;
	s6 =	simm.s32 $0x108;
	_ =	swait.ge @!p0 [sflag:s8], $0x0  }
0x24: {  	s3 =	sadd.s32 $0x88, s3;
	s6 =	simm.s32 @!p1 $0x1082;
	[sflag:s4] =	ssyncset.s32 $0xFFFFF086  }
0x25: {  	[simem:s6], [sflag:s4] =	dma.local [hbm:s3], $0xF7A  }
0x26: {  	[smem:$0x3FA0] =	sst s1;
	(tag) =	ssettag s2;
	_ =	strace s9  }
0x27: {  	s1 =	sld [smem:$0x3FB0]  }
0x28: {  	s2 =	sld [smem:$0x3FB1]  }
0x29: {  	s4 =	sld [smem:$0x3FB3]  }
0x2a: {  	p0 =	seq.s32 s5, $0x0;
	s5 =	sld [smem:$0x3FB4]  }
0x2b: {  	s6 =	sld [smem:$0x3FB5]  }
0x2c: {  	s7 =	sld [smem:$0x3FB6]  }
0x2d: {  	s3 =	simm.s32 $0x108;
	s8 =	sld [smem:$0x3FB7]  }
0x2e: {  	s3 =	simm.s32 @!p0 $0x1082;
	s9 =	sld [smem:$0x3FB8]  }
0x2f: {  	lr =	sadd.s32 s0, s3;
	s0 =	sld [smem:$0x3FAF]  }
0x30: {  	s3 =	sld [smem:$0x3FB2]  }
0x31: {  	[smem:$0x3FBB] =	sst s10  }
0x32: {  	s10 =	sld [smem:$0x3FB9];
	_ =	sdelay $0x3  }
0x33: {  	p0 =	seq.s32 s10, $0x1;
	s10 =	sld [smem:$0x3FBB];
	_ =	sdelay $0x3  }
0x34: {  	[smem:$0x3FBB] =	sst s10  }
0x35: {  	s10 =	sld [smem:$0x3FBA];
	_ =	sdelay $0x3  }
0x36: {  	p1 =	seq.s32 s10, $0x1;
	s10 =	sld [smem:$0x3FBB];
	_ =	sdelay $0x3  }
0x37: {  	[smem:$0x3FBB] =	sst s10  }
0x38: {  	s10 =	sld [smem:$0x3FBC]  }
0x39: {  	_ = 	snop;
	(pc) =	sbr.ind lr, $3  }
0x3a: {  	_ = 	snop  }
0x3b: {  	_ = 	snop  }
0x3c: {  	p2 =	seq.s32 s10, $0x1;
	s10 =	sld [smem:$0x3FBB]  }
0x3d: {  	_ =	shalt  }
0x3e: {  	_ =	shalt  }
0x3f: {  	_ =	shalt  }
0x40: {  	_ =	shalt  }
0x41: {  	_ =	shalt  }
0x42: {  	_ =	shalt  }
0x43: {  	_ =	shalt  }
0x44: {  	_ =	shalt  }
0x45: {  	_ =	shalt  }
0x46: {  	_ =	shalt  }
0x47: {  	_ =	shalt  }
0x48: {  	_ =	shalt  }
0x49: {  	_ =	shalt  }
0x4a: {  	_ =	shalt  }
0x4b: {  	_ =	shalt  }
0x4c: {  	_ =	shalt  }
0x4d: {  	_ =	shalt  }
0x4e: {  	_ =	shalt  }
0x4f: {  	_ =	shalt  }
0x50: {  	_ =	shalt  }
0x51: {  	_ =	shalt  }
0x52: {  	_ =	shalt  }
0x53: {  	_ =	shalt  }
0x54: {  	_ =	shalt  }
0x55: {  	_ =	shalt  }
0x56: {  	_ =	shalt  }
0x57: {  	_ =	shalt  }
0x58: {  	_ =	shalt  }
0x59: {  	_ =	shalt  }
0x5a: {  	_ =	shalt  }
0x5b: {  	_ =	shalt  }
0x5c: {  	_ =	shalt  }
0x5d: {  	_ =	shalt  }
0x5e: {  	_ =	shalt  }
0x5f: {  	_ =	shalt  }
0x60: {  	_ =	shalt  }
0x61: {  	_ =	shalt  }
0x62: {  	_ =	shalt  }
0x63: {  	_ =	shalt  }
0x64: {  	_ =	shalt  }
0x65: {  	_ =	shalt  }
0x66: {  	_ =	shalt  }
0x67: {  	_ =	shalt  }
0x68: {  	_ =	shalt  }
0x69: {  	_ =	shalt  }
0x6a: {  	_ =	shalt  }
0x6b: {  	_ =	shalt  }
0x6c: {  	_ =	shalt  }
0x6d: {  	_ =	shalt  }
0x6e: {  	_ =	shalt  }
0x6f: {  	_ =	shalt  }
0x70: {  	_ =	shalt  }
0x71: {  	_ =	shalt  }
0x72: {  	_ =	shalt  }
0x73: {  	_ =	shalt  }
0x74: {  	_ =	shalt  }
0x75: {  	_ =	shalt  }
0x76: {  	_ =	shalt  }
0x77: {  	_ =	shalt  }
0x78: {  	_ =	shalt  }
0x79: {  	_ =	shalt  }
0x7a: {  	_ =	shalt  }
0x7b: {  	_ =	shalt  }
0x7c: {  	_ =	shalt  }
0x7d: {  	_ =	shalt  }
0x7e: {  	_ =	shalt  }
0x7f: {  	_ =	shalt  }
0x80: {  	_ =	shalt  }
0x81: {  	_ =	shalt  }
0x82: {  	_ =	shalt  }
0x83: {  	_ =	shalt  }
0x84: {  	_ =	shalt  }
0x85: {  	_ =	shalt  }
0x86: {  	_ =	shalt  }
0x87: {  	_ =	shalt  }
.Lfunc_end0:
.L_simem_size_0:
called_computation_lowered:
.L_overlay_start_0:
0x88: {  	s2 =	sld [smem:$0x3FD9]  }
0x89: {  	s3 =	sld [smem:$0x3FFE];
	_ =	sdelay $0x1  }
0x8a: {  	s1 =	srdreg.scid  }
0x8b: {  	s0 =	sand.u32 $0x1, s1  }
0x8c: {  	s17 =	sshll.u32 s0, $0xA;
	s2 =	sadd.s32 s3, s2  }
0x8d: {  	s2 =	sadd.s32 s2, s17  }
0x8e: {  	[smem:$0x3FC7] =	sst s2  }
0x8f: {  	_ = 	snop  }
0x90: {  	s2 =	sld [smem:$0x3FC9]  }
0x91: {  	s18 =	sld [smem:$0x3FD0];
	(tm) =	ssettm $0x1  }
0x92: {  	s4 =	sld [smem:$0x3FFB];
	_ =	sdelay $0x3  }
0x93: {  	_ =	strace s4  }
0x94: {  	s4 =	sld [smem:$0x3FFC];
	_ =	sdelay $0x3  }
0x95: {  	_ =	strace s4  }
0x96: {  	s4 =	sld [smem:$0x3FFD];
	_ =	sdelay $0x3  }
0x97: {  	_ =	strace s4  }
0x98: {  	_ =	strace $0x8FFFFFFF  }
0x99: {  	s19 =	sld [smem:$0x3FDB];
	_ =	sdelay $0x1  }
0x9a: {  	s5 =	simm.s32 $_scs_section_size  }
0x9b: {  	s6 =	simm.s32 $_size__tile_overlayer_lowered;
	s7 =	simm.s32 $_tile_overlayer_lowered  }
0x9c: {  	s22 =	simm.s32 $0x1BFF;
	s21 =	sshll.u32 s7, $0x1;
	s4 =	sadd.s32 s5, s19  }
0x9d: {  	s8 =	simm.s32 $0x0;
	s20 =	sshll.u32 s6, $0x1;
	s6 =	sadd.s32 s21, s4  }
0x9e: {  	[timem:s8], [sflag:s22] =	dma.local [hbm:s6], s20  }
0x9f: {  	_ =	swait.ge [sflag:s22], s20  }
0xa0: {  	s5 =	ssub.s32 $0x0, s20;
	[sflag:s22] =	ssyncset.done $0x0  }
0xa1: {  	[sflag:s22] =	ssyncadd.s32 s5;
	_ =	sdelay $0x1  }
0xa2: {  	s23 =	simm.s32 $0x1B8B  }
0xa3: {  	_ =	swait.ge [sflag:s23], $0x1  }
0xa4: {  	[sflag:s23] =	ssyncset.done $0x0  }
0xa5: {  	s25 =	simm.s32 $0x1B8E;
	s24 =	sld [smem:$0x3FFE];
	[sflag:s23] =	ssyncadd.s32 $0xFFFFFFFF  }
0xa6: {  	s26 =	simm.s32 $execute0_lowered;
	[smem:$0x3FD2] =	sst s25  }
0xa7: {  	s6 =	sshll.u32 s26, $0x1;
	_ =	strace $0x80000046;
	[dreg:$0x1] =	wrdreg $0xFFFFFFFF  }
0xa8: {  	s28 =	simm.s32 $_size_execute0_lowered;
	s4 =	sadd.s32 s4, s6;
	[dreg:$0x0] =	wrdreg $0x0  }
0xa9: {  	s6 =	sshll.u32 s28, $0x1;
	[dreg:$0x2] =	wrdreg s4  }
0xaa: {  	[dreg:$0x3] =	wrdreg s6  }
0xab: {  	[dreg:$0x4] =	wrdreg $0xC0  }
0xac: {  	_ =	task [dreg:s8], $0x5FFFF  }
0xad: {  	[dreg:$0x1] =	wrdreg $0xFFFFFFFF  }
0xae: {  	[dreg:$0x0] =	wrdreg $0x60  }
0xaf: {  	[dreg:$0x2] =	wrdreg s2  }
0xb0: {  	[dreg:$0x3] =	wrdreg s24  }
0xb1: {  	[dreg:$0x4] =	wrdreg s18  }
0xb2: {  	[dreg:$0x5] =	wrdreg $0x106800  }
0xb3: {  	[dreg:$0x6] =	wrdreg $0x9  }
0xb4: {  	_ =	task.clear_ibuf [dreg:s8], $0x7FFFF;
	_ =	strace $0x90000046  }
0xb5: {  	s29 =	simm.s32 $0x9;
	_ =	strace $0x80000048  }
0xb6: {  	_ =	swait.ge [sflag:s29], $0x1  }
0xb7: {  	[sflag:s29] =	ssyncadd.s32 $0xFFFFFFFF  }
0xb8: {  	_ =	strace $0x90000048  }
0xb9: {  	_ =	sfence  }
0xba: {  	s30 =	sld [smem:$0x0];
	_ =	sdelay $0x2  }
0xbb: {  	s31 =	sshll.u32 s1, $0xD;
	s1 =	sshrl.u32 s1, $0x2  }
0xbc: {  	s3 =	sand.u32 $0x4000, s31;
	s1 =	sadd.s32 s1, s30  }
0xbd: {  	s0 =	sor.u32 s3, s0;
	s1 =	sshll.u32 s1, $0x11  }
0xbe: {  	s0 =	sor.u32 s1, s0  }
0xbf: {  	s0 =	sadd.s32 $0x8F2B, s0  }
0xc0: {  	[sflag:s0] =	ssyncadd.remote.s32 $0x1  }
0xc1: {  	_ =	sfence.sel $0xFFFF  }
0xc2: {  	[dreg:$0x0] =	wrdreg $0xFFFFFFFF;
	(pc) =	sbr.abs _section_cstart, $3  }
0xc3: {  	[dreg:$0x1] =	wrdreg $0xFFFFFFFF  }
0xc4: {  	_ =	task.clear_ibuf [dreg:s8], $0x2FFFF;
	_ =	strace $0x9FFFFFFF  }
0xc5: {  	(tm) =	ssettm $0x7FFFFFFF  }
tec
execute0_lowered:
.L_overlay_start_1:
0x0: {  	(tag) =	ssettag $0x1  }
0x1: {  	s1 =	rddreg [dreg:$0x0]  }
0x2: {  	s5 =	rddreg [dreg:$0x1]  }
0x3: {  	s8 =	rddreg [dreg:$0x2]  }
0x4: {  	s6 =	rddreg [dreg:$0x3];
	s3 =	srdreg.scid  }
0x5: {  	s0 =	rddreg [dreg:$0x4];
	s2 =	stileid.u32  }
0x6: {  	s14 =	simm.s32 $0x0;
	s7 =	sand.u32 $0x1, s3;
	s3 =	simm.s32 $0x0  }
0x7: {  	s9 =	sshrl.u32 s2, $0x2;
	s13 =	sand.u32 $0x3, s2;
	s12 =	sshll.u32 s2, $0x7  }
0x8: {  	s4 =	sshll.u32 s7, $0x2;
	[smem:$0x7FF] =	sst s3;
	s28 =	sshll.u32 s13, $0x13  }
0x9: {  	s29 =	ssub.s32 $0x2, s7;
	s6 =	sadd.s32 s12, s6;
	s12 =	simm.s32 $0x1  }
0xa: {  	p0 =	sne.s32 s13, $0x0;
	s13 =	simm.s32 $0x10000;
	s4 =	sor.u32 s9, s4  }
0xb: {  	_ =	strace $0x80000047;
	s9 =	sshll.u32 s4, $0x15;
	s10 =	sshll.u32 s4, $0x4  }
0xc: {  	s31 =	sshrl.u32 s29, $0x1;
	s4 =	sor.u32 $0x1000000, s9;
	s11 =	sadd.s32 s10, s5  }
0xd: {  	s9 =	ssub.s32 s29, s31;
	s8 =	sadd.s32 s8, s10;
	s30 =	sor.u32 s28, s4  }
0xe: {  	s10 =	simm.s32 $0x400;
	s9 =	smax.u32 s9, $0x1;
	s7 =	sshrl.u32 s30, $0x3  }
0xf: {  	v0 =	vimm.s32 $0x0;
	s5 =	sadd.s32 s1, s7;
	s7 =	sadd.s32 $0x800, s11;
	s11 =	simm.s32 $0x2000  }
.LBB2_1:
0x10: {  	[tilespmem:s3], [sflag:$0x1] =	stream.strided.gather [hbm4b:s5+s10], $0x10000, s11, s10, $0x38;
	[tilespmem:$0x10690] =	vst v63  }
0x11: {  	_ =	swait.ge [sflag:s12], $0x10000  }
0x12: {  	[sflag:s12] =	ssyncset.done $0x0  }
0x13: {  	s15 =	simm.s32 $0x0;
	[sflag:s12] =	ssyncadd.s32 $0xFFFF0000  }
0x14: {  	v1 =	vld [tilespmem:s15+$0x0]  }
0x15: {  	v2 =	vld [tilespmem:s15+$0x10]  }
0x16: {  	v3 =	vld [tilespmem:s15+$0x20]  }
0x17: {  	v4 =	vld [tilespmem:s15+$0x30]  }
0x18: {  	v5 =	vld [tilespmem:s15+$0x40]  }
0x19: {  	v6 =	vld [tilespmem:s15+$0x50]  }
0x1a: {  	v7 =	vld [tilespmem:s15+$0x60];
	v1 =	vor.u32 v1, v2  }
0x1b: {  	s16 =	simm.s32 $0x80;
	v2 =	vld [tilespmem:s15+$0x70];
	v1 =	vor.u32 v3, v1  }
0x1c: {  	v8 =	vld [tilespmem:s16+$0x0];
	v1 =	vor.u32 v4, v1  }
0x1d: {  	v4 =	vld [tilespmem:s16+$0x10];
	v1 =	vor.u32 v5, v1  }
0x1e: {  	v5 =	vld [tilespmem:s16+$0x20];
	v1 =	vor.u32 v6, v1  }
0x1f: {  	v9 =	vld [tilespmem:s16+$0x30];
	v1 =	vor.u32 v7, v1  }
0x20: {  	v3 =	vld [tilespmem:s16+$0x40];
	v1 =	vor.u32 v2, v1  }
0x21: {  	v2 =	vld [tilespmem:s16+$0x50];
	v1 =	vand.u32 $0x7FFFFFFF, v1  }
0x22: {  	v6 =	vor.u32 v8, v4;
	v4 =	vld [tilespmem:s16+$0x60];
	vm0 =	vne.s32 v1, $0x0  }
0x23: {  	s15 =	simm.s32 $0x100;
	v1 =	vor.u32 v5, v6;
	v5 =	vld [tilespmem:s16+$0x70];
	v6 =	vmpcnt.ones.xlane vm0  }
0x24: {  	v7 =	vld [tilespmem:s15+$0x0];
	s16 =	simm.s32 $0x600;
	v8 =	vor.u32 v9, v1;
	v1 =	vimm.s32 $0x0  }
.LBB2_2:
0x25: {  	p1 =	sne.s32 s16, $0x3FE00;
	v9 =	vld [tilespmem:s15+$0x10];
	v3 =	vor.u32 v3, v8;
	vm0 =	vgt.s32 v6, $0x0  }
0x26: {  	v6 =	vld [tilespmem:s15+$0x20];
	v2 =	vor.u32 v2, v3;
	v3 =	vsel vm0, $0x1, v0  }
0x27: {  	v8 =	vld [tilespmem:s15+$0x30];
	v2 =	vor.u32 v4, v2;
	v1 =	vadd.s32 v3, v1  }
.Ltmp0:
0x28: {  	v3 =	vld [tilespmem:s15+$0x40];
	v4 =	vor.u32 v5, v2;
	(pc) =	sbr.rel @p1 .LBB2_2-.Ltmp0, $4  }
0x29: {  	v2 =	vld [tilespmem:s15+$0x50];
	v5 =	vand.u32 $0x7FFFFFFF, v4  }
0x2a: {  	v7 =	vor.u32 v7, v9;
	v4 =	vld [tilespmem:s15+$0x60];
	vm0 =	vne.s32 v5, $0x0  }
0x2b: {  	v9 =	vor.u32 v6, v7;
	v5 =	vld [tilespmem:s15+$0x70];
	s15 =	sshra.s32 s16, $0x2;
	v6 =	vmpcnt.ones.xlane vm0  }
0x2c: {  	s16 =	sadd.s32 $0x200, s16;
	v7 =	vld [tilespmem:s15+$0x0];
	v8 =	vor.u32 v8, v9  }
0x2d: {  	v9 =	vld [tilespmem:s15+$0x10]  }
0x2e: {  	v10 =	vld [tilespmem:s15+$0x20]  }
0x2f: {  	v11 =	vld [tilespmem:s15+$0x30]  }
0x30: {  	v12 =	vld [tilespmem:s15+$0x40]  }
0x31: {  	v13 =	vld [tilespmem:s15+$0x50]  }
0x32: {  	v61 =	vld [tilespmem:s15+$0x60];
	v7 =	vor.u32 v7, v9  }
0x33: {  	v62 =	vld [tilespmem:s15+$0x70];
	v7 =	vor.u32 v10, v7  }
0x34: {  	v3 =	vor.u32 v3, v8;
	v7 =	vor.u32 v11, v7  }
0x35: {  	v2 =	vor.u32 v2, v3;
	v3 =	vor.u32 v12, v7  }
0x36: {  	v2 =	vor.u32 v4, v2;
	v3 =	vor.u32 v13, v3  }
0x37: {  	v2 =	vor.u32 v5, v2;
	v3 =	vor.u32 v61, v3  }
0x38: {  	v2 =	vand.u32 $0x7FFFFFFF, v2;
	v3 =	vor.u32 v62, v3  }
0x39: {  	vm0 =	vne.s32 v2, $0x0;
	v2 =	vand.u32 $0x7FFFFFFF, v3  }
0x3a: {  	v3 =	vmpcnt.ones.xlane vm0;
	vm12 =	vne.s32 v2, $0x0  }
0x3b: {  	vm13 =	vgt.s32 v6, $0x0;
	v2 =	vmpcnt.ones.xlane vm12  }
0x3c: {  	v63 =	vsel vm13, $0x1, v0;
	vm14 =	vgt.s32 v3, $0x0  }
0x3d: {  	v1 =	vadd.s32 v63, v1;
	v3 =	vsel vm14, $0x1, v0;
	vm15 =	vgt.s32 v2, $0x0  }
0x3e: {  	v1 =	vadd.s32 v3, v1;
	v2 =	vsel vm15, $0x1, v0  }
0x3f: {  	v1 =	vadd.s32 v2, v1  }
0x40: {  	[tilespmem:$0x10000] =	vst v1  }
0x41: {  	[spmem:s6] =	stream.linear.scatter [tilespmem:s13], [sflag:$0x1], $0x80, $0x38;
	[tilespmem:$0x10690] =	vst v63  }
0x42: {  	_ =	swait.ge [sflag:s12], $0x80  }
0x43: {  	[sflag:s12] =	ssyncset.done $0x0  }
0x44: {  	[sflag:s12] =	ssyncadd.s32 $0xFFFFFF80  }
0x45: {  	s15 =	simm.s32 @!p0 $0x10080;
	[bflag:$0x0] =	sbarrier.arrive $0xFFFF  }
0x46: {  	[tilespmem:s15], [sflag:$0x1] =	stream.linear.gather @!p0 [spmem:s6], $0x200, $0x38;
	[tilespmem:$0x10690] =	vst v63  }
0x47: {  	s15 =	simm.s32 @!p0 $0x1  }
0x48: {  	_ =	swait.ge @!p0 [sflag:s15], $0x200  }
0x49: {  	[sflag:s15] =	ssyncset.done @!p0 $0x0  }
0x4a: {  	[sflag:s15] =	ssyncadd.s32 @!p0 $0xFFFFFE00  }
0x4b: {  	v1 =	vld @!p0 [tilespmem:$0x10080]  }
0x4c: {  	v2 =	vld @!p0 [tilespmem:$0x10100]  }
0x4d: {  	v3 =	vld @!p0 [tilespmem:$0x10180]  }
0x4e: {  	v4 =	vld @!p0 [tilespmem:$0x10200];
	_ =	sdelay $0x2  }
0x4f: {  	v1 =	vadd.s32 @!p0 v1, v2  }
0x50: {  	v1 =	vadd.s32 @!p0 v3, v1  }
0x51: {  	v1 =	vadd.s32 @!p0 v4, v1  }
0x52: {  	v2 =	vadd.s32 @!p0 $0xFFFFFFFF, v1  }
0x53: {  	vm0 =	vgt.s32 @!p0 v2, $0x0  }
0x54: {  	v2 =	vnsel @!p0 vm0, $0x0, v2  }
0x55: {  	v2 =	vor.u32 @!p0 $0x80000000, v2  }
0x56: {  	(xrf0) =	vmax.scan.msk.u32 @!p0 $0xffff, v2;
	_ =	sdelay $0x5  }
0x57: {  	v2, _, _ =	vpop @!p0 (xrf0)  }
0x58: {  	(v2sf) =	vpush @!p0 v2, $0xF;
	_ =	sdelay $0xe  }
0x59: {  	s16 =	spop @!p0 (v2sf)  }
0x5a: {  	s17 =	sshll.u32 @!p0 s16, $0xA  }
0x5b: {  	s16 =	sshll.u32 @!p0 s16, $0x7;
	s17 =	sand.u32 @!p0 $0xFFFFE000, s17  }
0x5c: {  	s16 =	sand.u32 @!p0 $0x380, s16;
	s17 =	sadd.s32 @!p0 s4, s17  }
0x5d: {  	s16 =	sor.u32 @!p0 s16, s17  }
0x5e: {  	s18 =	simm.s32 @!p0 $0x400;
	s16 =	sshrl.u32 @!p0 s16, $0x3  }
0x5f: {  	s19 =	simm.s32 @!p0 $0x10280;
	s17 =	simm.s32 @!p0 $0x80;
	s16 =	sadd.s32 @!p0 s1, s16  }
0x60: {  	[tilespmem:s19], [sflag:$0x1] =	stream.strided.gather @!p0 [hbm4b:s16+s17], $0x400, s18, s17, $0x38;
	[tilespmem:$0x10690] =	vst v63  }
0x61: {  	_ =	swait.ge @!p0 [sflag:s15], $0x400  }
0x62: {  	[sflag:s15] =	ssyncset.done @!p0 $0x0  }
0x63: {  	[sflag:s15] =	ssyncadd.s32 @!p0 $0xFFFFFC00  }
0x64: {  	[hbm4b:s7+s17] =	stream.strided.scatter @!p0 [tilespmem:s19], [sflag:$0x1], $0x400, s18, s17, $0x38;
	[tilespmem:$0x10690] =	vst v63  }
0x65: {  	_ =	swait.ge @!p0 [sflag:s15], $0x400  }
0x66: {  	s14 =	sadd.s32 $0x1, s14;
	[sflag:s15] =	ssyncset.done @!p0 $0x0  }
0x67: {  	p1 =	sne.s32 s14, s9;
	[sflag:s15] =	ssyncadd.s32 @!p0 $0xFFFFFC00  }
.Ltmp1:
0x68: {  	s16 =	simm.s32 @!p0 $0x0;
	s17 =	simm.s32 @!p0 $0x10000;
	[tilespmem:$0x10000] =	vst @!p0 v1;
	(pc) =	sbr.rel @p1 .LBB2_1-.Ltmp1, $4  }
0x69: {  	[hbm4b:s8+s16] =	stream.linear.scatter @!p0 [tilespmem:s17], [sflag:$0x1], $0x80, $0x38;
	[tilespmem:$0x10690] =	vst v63  }
0x6a: {  	_ =	swait.ge @!p0 [sflag:s15], $0x80  }
0x6b: {  	[sflag:s15] =	ssyncset.done @!p0 $0x0  }
0x6c: {  	[sflag:s15] =	ssyncadd.s32 @!p0 $0xFFFFFF80  }
0x6d: {  	_ =	sfence.sel $0x180000  }
0x6e: {  	[bflag:$0x0] =	sbarrier.arrive $0xFFFF  }
0x6f: {  	p0 =	sne.s32 s2, $0x0;
	_ =	strace $0x90000047  }
0x70: {  	s0 =	sadd.s32 @!p0 $0x100000, s0;
	[bflag:$0x2] =	sbarrier.arrive $0xFFFF  }
0x71: {  	[sflag:s0] =	ssyncadd.tile.s32 @!p0 $0x1;
	_ =	shalt  }
.Lfunc_end2:
_tile_overlayer_lowered:
.L_overlay_start_2:
0x72: {  	(tag) =	ssettag $0x2  }
0x73: {  	s0 =	rddreg [dreg:$0x0];
	s2 =	stileid.u32  }
0x74: {  	s1 =	rddreg [dreg:$0x1];
	p0 =	sne.s32 s2, $0x0  }
0x75: {  	s3 =	rddreg [dreg:$0x2];
	[bflag:$0x3] =	sbarrier.arrive $0xFFFF;
	s2 =	simm.s32 @!p0 $0x1C01  }
0x76: {  	[timem:s3], [sflag:s2] =	dma.local @!p0 [hbm:s0], s1  }
0x77: {  	s0 =	simm.s32 @!p0 $0x1  }
0x78: {  	_ =	swait.ge @!p0 [sflag:s0], s1  }
0x79: {  	s1 =	ssub.s32 @!p0 $0x0, s1;
	[sflag:s0] =	ssyncset.done @!p0 $0x0  }
0x7a: {  	[sflag:s0] =	ssyncadd.s32 @!p0 s1  }
0x7b: {  	[bflag:$0x3] =	sbarrier.arrive $0xFFFF  }
0x7c: {  	_ =	shalt  }

</sc_bundles>
